<compile_context>
chip_gen: v7x
topology: tpu7x:2x2x1
jax: 0.10.2.dev20260603
libtpu: 0.0.44.dev20260713+nightly
codegen_flags: <defaults>
</compile_context>

<pallas_src>
import functools

import jax
import jax.numpy as jnp
from jax import lax
from jax.experimental import pallas as pl
from jax.experimental.pallas import tpu as pltpu
from jax.experimental.pallas import tpu_sc as plsc

R = 16
V = 1_000_000
CAND_MAX_COL = V - 2
C = 65536
S = 8192
NSUB = C // S
NC = (V + C - 1) // C
NCS = NC * NSUB
BLANK_SUB = (V - 1) // S
NEG = -3.0e38
EXPAND_BEAM = 10.0
N_SPECIAL = 4
PENALTY = 99999.0
L = 16
IMAX = 2**31 - 1


def _scan_body(x_ref, mx_ref, se_ref):
    c = pl.program_id(0)

    @pl.when(c < NC - 1)
    def _full():
        for s in range(NSUB):
            x = x_ref[:, s * S:(s + 1) * S]
            mx_ref[s, 0, :] = jnp.max(x, axis=1)
            se_ref[s, 0, :] = jnp.sum(jnp.exp(x), axis=1)

    @pl.when(c == NC - 1)
    def _tail():
        for s in range(NSUB):
            x = x_ref[:, s * S:(s + 1) * S]
            col = lax.broadcasted_iota(jnp.int32, (R, S), 1) + c * C + s * S
            valid = col < V
            mx_ref[s, 0, :] = jnp.max(jnp.where(valid, x, NEG), axis=1)
            se_ref[s, 0, :] = jnp.sum(jnp.where(valid, jnp.exp(x), 0.0), axis=1)


def _prep_body(mx_ref, se_ref, x0_ref, xl_ref, hypo_ref,
               bounds_ref, offs_ref, thr_ref):
    mx = mx_ref[...].reshape(NCS, R)
    se = se_ref[...].reshape(NCS, R)
    c_norm = jnp.log(jnp.sum(se, axis=0))

    x0 = x0_ref[...]
    col0 = lax.broadcasted_iota(jnp.int32, (R, S), 1)
    cand0 = jnp.max(x0 - jnp.where(col0 < N_SPECIAL, PENALTY, 0.0), axis=1)
    xl = xl_ref[...]
    coll = col0 + BLANK_SUB * S
    candl = jnp.max(jnp.where(coll <= CAND_MAX_COL, xl, NEG), axis=1)

    ci = lax.broadcasted_iota(jnp.int32, (NCS, R), 0)
    cm = jnp.where(ci == 0, cand0[None, :],
                   jnp.where(ci == BLANK_SUB, candl[None, :], mx))
    m_cand = jnp.max(cm, axis=0)
    thr = m_cand - EXPAND_BEAM
    offs = hypo_ref[0, :] - c_norm

    bounds_ref[...] = jnp.where(cm > thr[None, :], cm + offs[None, :], NEG)
    offs_ref[0, :] = offs
    thr_ref[0, :] = thr


def _lane_iota():
    return lax.broadcasted_iota(jnp.int32, (L,), 0)


def _splat_max_f32(v):
    for sh in (8, 4, 2, 1):
        v = jnp.maximum(v, jnp.take(v, (_lane_iota() + sh) & (L - 1)))
    return v


def _red_max_f32(v):
    return _splat_max_f32(v)[0]


def _red_min_i32(v):
    for sh in (8, 4, 2, 1):
        v = jnp.minimum(v, jnp.take(v, (_lane_iota() + sh) & (L - 1)))
    return v[0]


def _red_max_i32(v):
    for sh in (8, 4, 2, 1):
        v = jnp.maximum(v, jnp.take(v, (_lane_iota() + sh) & (L - 1)))
    return v[0]


def _vreg_select_f32(vec, pos):
    return _red_max_f32(jnp.where(_lane_iota() == pos, vec, NEG))


def _vreg_select_i32(vec, pos):
    return _red_max_i32(jnp.where(_lane_iota() == pos, vec, -jnp.int32(IMAX)))


def _extract16(sbuf, mbuf, n_groups, fbase):
    lane = _lane_iota()

    def ext(k, carry):
        out_s, out_f = carry

        def smax(j, c):
            bv, bg = c
            mv = mbuf[pl.ds(j * L, L)]
            upd = mv > bv
            return (jnp.where(upd, mv, bv), jnp.where(upd, j, bg))
        bv, bg = lax.fori_loop(0, n_groups, smax,
                               (jnp.full((L,), NEG, jnp.float32),
                                jnp.zeros((L,), jnp.int32)))
        m = _red_max_f32(bv)
        l = _red_min_i32(jnp.where(bv == m, lane, L))
        g = _vreg_select_i32(bg, l)
        base = g * L * L

        def fmin_v(v, fm):
            sv = sbuf[pl.ds(base + v * L, L)]
            cand = jnp.where(sv == m, fbase + base + v * L + lane,
                             jnp.int32(IMAX))
            return jnp.minimum(fm, cand)
        fmv = lax.fori_loop(0, L, fmin_v,
                            jnp.full((L,), IMAX, jnp.int32))
        f = _red_min_i32(fmv)

        p = f - fbase
        voff = p & ~(L - 1)
        xv = sbuf[pl.ds(voff, L)]
        sbuf[pl.ds(voff, L)] = jnp.where(lane == (p & (L - 1)), NEG, xv)

        def rb(v, acc):
            return jnp.maximum(acc, sbuf[pl.ds(base + v * L, L)])
        acc = lax.fori_loop(0, L, rb, jnp.full((L,), NEG, jnp.float32))
        mbuf[pl.ds(g * L, L)] = acc

        return (jnp.where(lane == k, m, out_s),
                jnp.where(lane == k, f, out_f))

    return lax.fori_loop(0, L, ext, (jnp.full((L,), NEG, jnp.float32),
                                     -(lane + 1)))


def _make_sc_kernel():
    mesh = plsc.VectorSubcoreMesh(core_axis_name="c", subcore_axis_name="s",
                                  num_cores=1)

    @functools.partial(
        pl.kernel, mesh=mesh,
        out_type=[jax.ShapeDtypeStruct((R,), jnp.float32),
                  jax.ShapeDtypeStruct((R,), jnp.int32),
                  jax.ShapeDtypeStruct((R,), jnp.int32)],
        scratch_types=[
            pltpu.VMEM((NCS * R,), jnp.float32),
            pltpu.VMEM((NCS * R // L,), jnp.float32),
            pltpu.VMEM((S,), jnp.float32),
            pltpu.VMEM((S,), jnp.float32),
            pltpu.VMEM((S // L,), jnp.float32),
            pltpu.VMEM((L,), jnp.float32),
            pltpu.VMEM((L,), jnp.float32),
            pltpu.VMEM_SHARED((R * L,), jnp.float32),
            pltpu.VMEM_SHARED((R * L,), jnp.int32),
            pltpu.VMEM((R * L,), jnp.float32),
            pltpu.VMEM((R * L,), jnp.int32),
            pltpu.VMEM((L,), jnp.float32),
            pltpu.VMEM((L,), jnp.int32),
            pltpu.VMEM((L,), jnp.int32),
            pltpu.VMEM((L,), jnp.float32),
            pltpu.VMEM((L,), jnp.int32),
        ],
    )
    def sc_kernel(logits, bounds, offs, thr, out_s, out_h, out_t,
                  bvm, bmx, xbuf, sbuf, smx, offsv, thrv, shs, shf,
                  msv, msf, ost, oht, ott, tv, tiv):
        t = lax.axis_index("s")
        lane = _lane_iota()
        pltpu.sync_copy(bounds, bvm)
        pltpu.sync_copy(offs, offsv)
        pltpu.sync_copy(thr, thrv)

        nb_g = NCS * R // (L * L)
        def bb_g(g, carry):
            def bb_v(v, acc):
                return jnp.maximum(acc, bvm[pl.ds((g * L + v) * L, L)])
            acc = lax.fori_loop(0, L, bb_v, jnp.full((L,), NEG, jnp.float32))
            bmx[pl.ds(g * L, L)] = acc
            return carry
        lax.fori_loop(0, nb_g, bb_g, 0)
        _, selI = _extract16(bvm, bmx, nb_g, 0)
        f_sel = _vreg_select_i32(selI, t)
        r = f_sel & (R - 1)
        ci = f_sel >> 4

        pltpu.sync_copy(logits.at[r, pl.ds(ci * S, S)], xbuf)
        thr_t = _vreg_select_f32(thrv[...], r)
        offs_t = _vreg_select_f32(offsv[...], r)
        colbase = ci * S
        fbase = r * (1 << 20) + colbase

        def score_g(g, carry):
            def score_v(v, acc):
                j = g * L + v
                x = xbuf[pl.ds(j * L, L)]
                col = colbase + j * L + lane
                xp = x - jnp.where(col < N_SPECIAL, PENALTY, 0.0)
                ok = (col <= CAND_MAX_COL) & (xp > thr_t)
                sc = jnp.where(ok, xp + offs_t, NEG)
                sbuf[pl.ds(j * L, L)] = sc
                return jnp.maximum(acc, sc)
            acc = lax.fori_loop(0, L, score_v,
                                jnp.full((L,), NEG, jnp.float32))
            smx[pl.ds(g * L, L)] = acc
            return carry
        lax.fori_loop(0, S // (L * L), score_g, 0)
        T, TI = _extract16(sbuf, smx, S // (L * L), fbase)

        tv[...] = T
        tiv[...] = TI
        pltpu.sync_copy(tv, shs.at[pl.ds(t * L, L)])
        pltpu.sync_copy(tiv, shf.at[pl.ds(t * L, L)])
        plsc.subcore_barrier()

        @pl.when(t == 0)
        def _final():
            pltpu.sync_copy(shs, msv)
            pltpu.sync_copy(shf, msf)

            def merge_ext(k, carry):
                out_sv, out_fv = carry

                def smax(j, c):
                    return jnp.maximum(c, msv[pl.ds(j * L, L)])
                bv = lax.fori_loop(0, L, smax,
                                   jnp.full((L,), NEG, jnp.float32))
                m = _red_max_f32(bv)

                def fmin_v(v, fm):
                    sv = msv[pl.ds(v * L, L)]
                    fv = msf[pl.ds(v * L, L)]
                    return jnp.minimum(fm, jnp.where(sv == m, fv,
                                                     jnp.int32(IMAX)))
                f = _red_min_i32(lax.fori_loop(
                    0, L, fmin_v, jnp.full((L,), IMAX, jnp.int32)))

                def pmin_v(v, pm):
                    sv = msv[pl.ds(v * L, L)]
                    fv = msf[pl.ds(v * L, L)]
                    hit = (sv == m) & (fv == f)
                    return jnp.minimum(pm, jnp.where(hit, v * L + lane,
                                                     jnp.int32(IMAX)))
                p = _red_min_i32(lax.fori_loop(
                    0, L, pmin_v, jnp.full((L,), IMAX, jnp.int32)))

                voff = p & ~(L - 1)
                xv = msv[pl.ds(voff, L)]
                msv[pl.ds(voff, L)] = jnp.where(lane == (p & (L - 1)),
                                                NEG, xv)
                return (jnp.where(lane == k, m, out_sv),
                        jnp.where(lane == k, f, out_fv))

            Tf, If = lax.fori_loop(0, L, merge_ext,
                                   (jnp.full((L,), NEG, jnp.float32),
                                    -(lane + 1)))
            ost[...] = Tf
            oht[...] = jnp.right_shift(If, 20)
            ott[...] = jnp.bitwise_and(If, (1 << 20) - 1)
            pltpu.sync_copy(ost, out_s)
            pltpu.sync_copy(oht, out_h)
            pltpu.sync_copy(ott, out_t)

    return sc_kernel


_sc_kernel = _make_sc_kernel()


@jax.jit
def _run(logits, hypo_scores):
    mx, se = pl.pallas_call(
        _scan_body,
        grid=(NC,),
        in_specs=[pl.BlockSpec((R, C), lambda c: (0, c))],
        out_specs=[pl.BlockSpec((NSUB, 1, R), lambda c: (c, 0, 0)),
                   pl.BlockSpec((NSUB, 1, R), lambda c: (c, 0, 0))],
        out_shape=[jax.ShapeDtypeStruct((NCS, 1, R), jnp.float32),
                   jax.ShapeDtypeStruct((NCS, 1, R), jnp.float32)],
    )(logits)

    bounds, offs, thr = pl.pallas_call(
        _prep_body,
        grid=(1,),
        in_specs=[pl.BlockSpec((NCS, 1, R), lambda i: (0, 0, 0)),
                  pl.BlockSpec((NCS, 1, R), lambda i: (0, 0, 0)),
                  pl.BlockSpec((R, S), lambda i: (0, 0)),
                  pl.BlockSpec((R, S), lambda i: (0, BLANK_SUB)),
                  pl.BlockSpec((1, R), lambda i: (0, 0))],
        out_specs=[pl.BlockSpec((NCS, R), lambda i: (0, 0)),
                   pl.BlockSpec((1, R), lambda i: (0, 0)),
                   pl.BlockSpec((1, R), lambda i: (0, 0))],
        out_shape=[jax.ShapeDtypeStruct((NCS, R), jnp.float32),
                   jax.ShapeDtypeStruct((1, R), jnp.float32),
                   jax.ShapeDtypeStruct((1, R), jnp.float32)],
    )(mx, se, logits, logits, hypo_scores.reshape(1, R))

    scores, hid, tok = _sc_kernel(
        logits, bounds.reshape(NCS * R), offs.reshape(R), thr.reshape(R))
    return scores, hid, tok


def kernel(logits, hypo_scores, beam_width):
    del beam_width
    return _run(logits, hypo_scores)

# --- scband reference (transcript-rebuilt; emitter-appended) ---
"""Pipeline reference for scband-rnntbeam-search-15676630630655 (READ-ONLY COPY).

The authoritative reference and input builder live on the scoring server;
editing this copy changes nothing except your own understanding.
"""

import jax, jax.numpy as jnp
import numpy as np

TEMPERATURE = 1.0
EXPAND_BEAM = 10.0
N_SPECIAL = 4  # joined_out[:, :, :, :4].add_(-99999)

def setup_inputs(seed: int = 0) -> dict:
    key = jax.random.key(seed)
    k1, k2 = jax.random.split(key)
    logits = jax.random.normal(k1, (16, 1000000), dtype=jnp.float32)
    hypo_scores = jax.random.normal(k2, (16,), dtype=jnp.float32)
    return {"logits": logits, "hypo_scores": hypo_scores, "beam_width": 16}

def reference(logits, hypo_scores, beam_width):
    # _gen_next_token_probs: log_softmax with temperature, then suppress special tokens
    log_probs = jax.nn.log_softmax(logits / TEMPERATURE, axis=-1)
    log_probs = log_probs.at[:, :N_SPECIAL].add(-99999.0)
    # _compute_updated_scores: last vocab slot is blank, excluded from expansion
    nonblank = log_probs[:, :-1]
    threshold = jnp.max(nonblank, axis=1, keepdims=True) - EXPAND_BEAM
    masked = jnp.where(nonblank > threshold, nonblank, jnp.float32(-99999.0))
    nonblank_scores = hypo_scores[:, None] + masked
    V = nonblank_scores.shape[1]
    flat = nonblank_scores.reshape(-1)
    k_static = hypo_scores.shape[0]
    nbest_scores, nbest_idx = jax.lax.top_k(flat, k_static)
    nbest_scores = nbest_scores + 0.0 * beam_width
    nbest_hypo_idx = nbest_idx // V
    nbest_token = nbest_idx % V
    return nbest_scores, nbest_hypo_idx, nbest_token

if __name__ == "__main__":
    import jax
    _d = setup_inputs()
    print(jax.jit(kernel)(*tuple(_d.values())))

</pallas_src>

<mosaic_0001>
#map = affine_map<(d0, d1) -> (0, 0)>
#map1 = affine_map<(d0, d1) -> (0)>
module attributes {stable_mosaic.version = 14 : i64} {
  func.func @sc_kernel(%arg0: i32, %arg1: i32, %arg2: memref<16x1000000xf32, #tpu.memory_space<hbm>>, %arg3: memref<2048xf32, #tpu.memory_space<hbm>>, %arg4: memref<16xf32, #tpu.memory_space<hbm>>, %arg5: memref<16xf32, #tpu.memory_space<hbm>>, %arg6: memref<16xf32, #tpu.memory_space<hbm>>, %arg7: memref<16xi32, #tpu.memory_space<hbm>>, %arg8: memref<16xi32, #tpu.memory_space<hbm>>, %arg9: memref<2048xf32, #tpu.memory_space<vmem>>, %arg10: memref<128xf32, #tpu.memory_space<vmem>>, %arg11: memref<8192xf32, #tpu.memory_space<vmem>>, %arg12: memref<8192xf32, #tpu.memory_space<vmem>>, %arg13: memref<512xf32, #tpu.memory_space<vmem>>, %arg14: memref<16xf32, #tpu.memory_space<vmem>>, %arg15: memref<16xf32, #tpu.memory_space<vmem>>, %arg16: memref<256xf32, #tpu.memory_space<vmem_shared>>, %arg17: memref<256xi32, #tpu.memory_space<vmem_shared>>, %arg18: memref<256xf32, #tpu.memory_space<vmem>>, %arg19: memref<256xi32, #tpu.memory_space<vmem>>, %arg20: memref<16xf32, #tpu.memory_space<vmem>>, %arg21: memref<16xi32, #tpu.memory_space<vmem>>, %arg22: memref<16xi32, #tpu.memory_space<vmem>>, %arg23: memref<16xf32, #tpu.memory_space<vmem>>, %arg24: memref<16xi32, #tpu.memory_space<vmem>>) attributes {dimension_semantics = [#tpu.dimension_semantics<core_parallel>, #tpu.dimension_semantics<subcore_parallel>], iteration_bounds = array<i64: 1, 16>, scalar_prefetch = 0 : i64, scratch_operands = 16 : i64, tpu.core_type = #tpu.core_type<sc_vector_subcore>, window_params = [{transform_indices = #map}, {transform_indices = #map1}, {transform_indices = #map1}, {transform_indices = #map1}, {transform_indices = #map1}, {transform_indices = #map1}, {transform_indices = #map1}]} {
    %iota3A = tpu.iota {dimensions = array<i32: 0>} : vector<16xi32>
    "tpu.region"() ({
      %run_scoped3A = tpu.sem_alloc : memref<!tpu.dma_semaphore, #tpu.memory_space<semaphore_mem>>
      tpu.enqueue_dma source(%arg3 : memref<2048xf32, #tpu.memory_space<hbm>>) target(%arg9 : memref<2048xf32, #tpu.memory_space<vmem>>) target_semaphore(%run_scoped3A : memref<!tpu.dma_semaphore, #tpu.memory_space<semaphore_mem>>)
      tpu.wait_dma2 semaphore(%run_scoped3A : memref<!tpu.dma_semaphore, #tpu.memory_space<semaphore_mem>>) src(%arg3 : memref<2048xf32, #tpu.memory_space<hbm>>) dst(%arg9 : memref<2048xf32, #tpu.memory_space<vmem>>)
      tpu.yield
    }) : () -> ()
    "tpu.region"() ({
      %run_scoped3A = tpu.sem_alloc : memref<!tpu.dma_semaphore, #tpu.memory_space<semaphore_mem>>
      tpu.enqueue_dma source(%arg4 : memref<16xf32, #tpu.memory_space<hbm>>) target(%arg14 : memref<16xf32, #tpu.memory_space<vmem>>) target_semaphore(%run_scoped3A : memref<!tpu.dma_semaphore, #tpu.memory_space<semaphore_mem>>)
      tpu.wait_dma2 semaphore(%run_scoped3A : memref<!tpu.dma_semaphore, #tpu.memory_space<semaphore_mem>>) src(%arg4 : memref<16xf32, #tpu.memory_space<hbm>>) dst(%arg14 : memref<16xf32, #tpu.memory_space<vmem>>)
      tpu.yield
    }) : () -> ()
    "tpu.region"() ({
      %run_scoped3A = tpu.sem_alloc : memref<!tpu.dma_semaphore, #tpu.memory_space<semaphore_mem>>
      tpu.enqueue_dma source(%arg5 : memref<16xf32, #tpu.memory_space<hbm>>) target(%arg15 : memref<16xf32, #tpu.memory_space<vmem>>) target_semaphore(%run_scoped3A : memref<!tpu.dma_semaphore, #tpu.memory_space<semaphore_mem>>)
      tpu.wait_dma2 semaphore(%run_scoped3A : memref<!tpu.dma_semaphore, #tpu.memory_space<semaphore_mem>>) src(%arg5 : memref<16xf32, #tpu.memory_space<hbm>>) dst(%arg15 : memref<16xf32, #tpu.memory_space<vmem>>)
      tpu.yield
    }) : () -> ()
    %scan3A = arith.constant 0 : i32
    %scan3A_0 = arith.constant 0 : i32
    %scan3A_1 = arith.constant 8 : i32
    %scan3A_2 = arith.addi %scan3A_0, %scan3A_1 : i32
    %scan3A_3 = arith.constant 1 : i32
    scf.for %scan3A_299 = %scan3A_0 to %scan3A_2 step %scan3A_3  : i32 {
      %broadcast_in_dim3A_300 = arith.constant -3.000000e+38 : f32
      %broadcast_in_dim3A_301 = vector.broadcast %broadcast_in_dim3A_300 : f32 to vector<16xf32>
      %scan3A_302 = arith.constant 0 : i32
      %scan3A_303 = arith.constant 16 : i32
      %scan3A_304 = arith.addi %scan3A_302, %scan3A_303 : i32
      %scan3A_305 = arith.constant 1 : i32
      %scan3A_306 = scf.for %scan3A_314 = %scan3A_302 to %scan3A_304 step %scan3A_305 iter_args(%scan3A_315 = %broadcast_in_dim3A_301) -> (vector<16xf32>)  : i32 {
        %mul3A_316 = arith.constant 16 : i32
        %mul3A_317 = arith.muli %scan3A_299, %mul3A_316 : i32
        %add3A_318 = arith.addi %mul3A_317, %scan3A_314 : i32
        %mul3A_319 = arith.constant 16 : i32
        %mul3A_320 = arith.muli %add3A_318, %mul3A_319 : i32
        %get3A_321 = arith.index_cast %mul3A_320 : i32 to index
        %get3A_322 = tpu.vector_load %arg9[%get3A_321] {strides = array<i32>} : memref<2048xf32, #tpu.memory_space<vmem>>, vector<16xf32>,
        %get3A_323 = vector.shape_cast %get3A_322 : vector<16xf32> to vector<16xf32>
        %max3A_324 = arith.maximumf %scan3A_315, %get3A_323 : vector<16xf32>
        scf.yield %max3A_324 : vector<16xf32>
      }
      %scan3A_307 = arith.constant 16 : i32
      %mul3A_308 = arith.constant 16 : i32
      %mul3A_309 = arith.muli %scan3A_299, %mul3A_308 : i32
      %swap3A_310 = arith.index_cast %mul3A_309 : i32 to index
      %swap3A_311 = tpu.vector_load %arg10[%swap3A_310] {strides = array<i32>} : memref<128xf32, #tpu.memory_space<vmem>>, vector<16xf32>,
      %swap3A_312 = vector.shape_cast %swap3A_311 : vector<16xf32> to vector<16xf32>
      %swap3A_313 = vector.shape_cast %scan3A_306 : vector<16xf32> to vector<16xf32>
      tpu.vector_store %arg10[%swap3A_310], %swap3A_313 {strides = array<i32>} : memref<128xf32, #tpu.memory_space<vmem>>, vector<16xf32>,
    }
    %scan3A_4 = arith.constant 8 : i32
    %iota3A_5 = tpu.iota {dimensions = array<i32: 0>} : vector<16xi32>
    %broadcast_in_dim3A = arith.constant -3.000000e+38 : f32
    %broadcast_in_dim3A_6 = vector.broadcast %broadcast_in_dim3A : f32 to vector<16xf32>
    %add3A = arith.constant 1 : i32
    %add3A_7 = vector.broadcast %add3A : i32 to vector<16xi32>
    %add3A_8 = arith.addi %iota3A_5, %add3A_7 : vector<16xi32>
    %neg3A = arith.constant 0 : i32
    %neg3A_9 = vector.broadcast %neg3A : i32 to vector<16xi32>
    %neg3A_10 = arith.subi %neg3A_9, %add3A_8 : vector<16xi32>
    %scan3A_11 = arith.constant 0 : i32
    %scan3A_12 = arith.constant 16 : i32
    %scan3A_13 = arith.addi %scan3A_11, %scan3A_12 : i32
    %scan3A_14 = arith.constant 1 : i32
    %scan3A_15:2 = scf.for %scan3A_299 = %scan3A_11 to %scan3A_13 step %scan3A_14 iter_args(%scan3A_300 = %broadcast_in_dim3A_6, %scan3A_301 = %neg3A_10) -> (vector<16xf32>, vector<16xi32>)  : i32 {
      %broadcast_in_dim3A_302 = arith.constant -3.000000e+38 : f32
      %broadcast_in_dim3A_303 = vector.broadcast %broadcast_in_dim3A_302 : f32 to vector<16xf32>
      %broadcast_in_dim3A_304 = arith.constant 0 : i32
      %broadcast_in_dim3A_305 = vector.broadcast %broadcast_in_dim3A_304 : i32 to vector<16xi32>
      %scan3A_306 = arith.constant 0 : i32
      %scan3A_307 = arith.constant 8 : i32
      %scan3A_308 = arith.addi %scan3A_306, %scan3A_307 : i32
      %scan3A_309 = arith.constant 1 : i32
      %scan3A_310:2 = scf.for %scan3A_671 = %scan3A_306 to %scan3A_308 step %scan3A_309 iter_args(%scan3A_672 = %broadcast_in_dim3A_303, %scan3A_673 = %broadcast_in_dim3A_305) -> (vector<16xf32>, vector<16xi32>)  : i32 {
        %mul3A_674 = arith.constant 16 : i32
        %mul3A_675 = arith.muli %scan3A_671, %mul3A_674 : i32
        %get3A_676 = arith.index_cast %mul3A_675 : i32 to index
        %get3A_677 = tpu.vector_load %arg10[%get3A_676] {strides = array<i32>} : memref<128xf32, #tpu.memory_space<vmem>>, vector<16xf32>,
        %get3A_678 = vector.shape_cast %get3A_677 : vector<16xf32> to vector<16xf32>
        %gt3A = arith.cmpf ogt, %get3A_678, %scan3A_672 : vector<16xf32>
        %select_n3A_679 = arith.select %gt3A, %get3A_678, %scan3A_672 : vector<16xi1>, vector<16xf32>
        %broadcast_in_dim3A_680 = vector.broadcast %scan3A_671 : i32 to vector<16xi32>
        %select_n3A_681 = arith.select %gt3A, %broadcast_in_dim3A_680, %scan3A_673 : vector<16xi1>, vector<16xi32>
        scf.yield %select_n3A_679, %select_n3A_681 : vector<16xf32>, vector<16xi32>
      }
      %scan3A_311 = arith.constant 8 : i32
      %iota3A_312 = tpu.iota {dimensions = array<i32: 0>} : vector<16xi32>
      %add3A_313 = arith.constant 8 : i32
      %add3A_314 = vector.broadcast %add3A_313 : i32 to vector<16xi32>
      %add3A_315 = arith.addi %iota3A_312, %add3A_314 : vector<16xi32>
      %and3A_316 = arith.constant 15 : i32
      %and3A_317 = vector.broadcast %and3A_316 : i32 to vector<16xi32>
      %and3A_318 = arith.andi %add3A_315, %and3A_317 : vector<16xi32>
      %lt3A_319 = arith.constant 0 : i32
      %lt3A_320 = vector.broadcast %lt3A_319 : i32 to vector<16xi32>
      %lt3A_321 = arith.cmpi slt, %and3A_318, %lt3A_320 : vector<16xi32>
      %add3A_322 = arith.constant 16 : i32
      %add3A_323 = vector.broadcast %add3A_322 : i32 to vector<16xi32>
      %add3A_324 = arith.addi %and3A_318, %add3A_323 : vector<16xi32>
      %select_n3A_325 = arith.select %lt3A_321, %add3A_324, %and3A_318 : vector<16xi1>, vector<16xi32>
      %broadcast_in_dim3A_326 = vector.shape_cast %select_n3A_325 : vector<16xi32> to vector<16x1xi32>
      %gather3A_327 = vector.shape_cast %broadcast_in_dim3A_326 : vector<16x1xi32> to vector<16xi32>
      %gather3A_328 = tpu.dynamic_gather %scan3A_310#0[%gather3A_327] in [0] : vector<16xf32>, vector<16xi32> -> vector<16xf32>
      %max3A_329 = arith.maximumf %scan3A_310#0, %gather3A_328 : vector<16xf32>
      %iota3A_330 = tpu.iota {dimensions = array<i32: 0>} : vector<16xi32>
      %add3A_331 = arith.constant 4 : i32
      %add3A_332 = vector.broadcast %add3A_331 : i32 to vector<16xi32>
      %add3A_333 = arith.addi %iota3A_330, %add3A_332 : vector<16xi32>
      %and3A_334 = arith.constant 15 : i32
      %and3A_335 = vector.broadcast %and3A_334 : i32 to vector<16xi32>
      %and3A_336 = arith.andi %add3A_333, %and3A_335 : vector<16xi32>
      %lt3A_337 = arith.constant 0 : i32
      %lt3A_338 = vector.broadcast %lt3A_337 : i32 to vector<16xi32>
      %lt3A_339 = arith.cmpi slt, %and3A_336, %lt3A_338 : vector<16xi32>
      %add3A_340 = arith.constant 16 : i32
      %add3A_341 = vector.broadcast %add3A_340 : i32 to vector<16xi32>
      %add3A_342 = arith.addi %and3A_336, %add3A_341 : vector<16xi32>
      %select_n3A_343 = arith.select %lt3A_339, %add3A_342, %and3A_336 : vector<16xi1>, vector<16xi32>
      %broadcast_in_dim3A_344 = vector.shape_cast %select_n3A_343 : vector<16xi32> to vector<16x1xi32>
      %gather3A_345 = vector.shape_cast %broadcast_in_dim3A_344 : vector<16x1xi32> to vector<16xi32>
      %gather3A_346 = tpu.dynamic_gather %max3A_329[%gather3A_345] in [0] : vector<16xf32>, vector<16xi32> -> vector<16xf32>
      %max3A_347 = arith.maximumf %max3A_329, %gather3A_346 : vector<16xf32>
      %iota3A_348 = tpu.iota {dimensions = array<i32: 0>} : vector<16xi32>
      %add3A_349 = arith.constant 2 : i32
      %add3A_350 = vector.broadcast %add3A_349 : i32 to vector<16xi32>
      %add3A_351 = arith.addi %iota3A_348, %add3A_350 : vector<16xi32>
      %and3A_352 = arith.constant 15 : i32
      %and3A_353 = vector.broadcast %and3A_352 : i32 to vector<16xi32>
      %and3A_354 = arith.andi %add3A_351, %and3A_353 : vector<16xi32>
      %lt3A_355 = arith.constant 0 : i32
      %lt3A_356 = vector.broadcast %lt3A_355 : i32 to vector<16xi32>
      %lt3A_357 = arith.cmpi slt, %and3A_354, %lt3A_356 : vector<16xi32>
      %add3A_358 = arith.constant 16 : i32
      %add3A_359 = vector.broadcast %add3A_358 : i32 to vector<16xi32>
      %add3A_360 = arith.addi %and3A_354, %add3A_359 : vector<16xi32>
      %select_n3A_361 = arith.select %lt3A_357, %add3A_360, %and3A_354 : vector<16xi1>, vector<16xi32>
      %broadcast_in_dim3A_362 = vector.shape_cast %select_n3A_361 : vector<16xi32> to vector<16x1xi32>
      %gather3A_363 = vector.shape_cast %broadcast_in_dim3A_362 : vector<16x1xi32> to vector<16xi32>
      %gather3A_364 = tpu.dynamic_gather %max3A_347[%gather3A_363] in [0] : vector<16xf32>, vector<16xi32> -> vector<16xf32>
      %max3A_365 = arith.maximumf %max3A_347, %gather3A_364 : vector<16xf32>
      %iota3A_366 = tpu.iota {dimensions = array<i32: 0>} : vector<16xi32>
      %add3A_367 = arith.constant 1 : i32
      %add3A_368 = vector.broadcast %add3A_367 : i32 to vector<16xi32>
      %add3A_369 = arith.addi %iota3A_366, %add3A_368 : vector<16xi32>
      %and3A_370 = arith.constant 15 : i32
      %and3A_371 = vector.broadcast %and3A_370 : i32 to vector<16xi32>
      %and3A_372 = arith.andi %add3A_369, %and3A_371 : vector<16xi32>
      %lt3A_373 = arith.constant 0 : i32
      %lt3A_374 = vector.broadcast %lt3A_373 : i32 to vector<16xi32>
      %lt3A_375 = arith.cmpi slt, %and3A_372, %lt3A_374 : vector<16xi32>
      %add3A_376 = arith.constant 16 : i32
      %add3A_377 = vector.broadcast %add3A_376 : i32 to vector<16xi32>
      %add3A_378 = arith.addi %and3A_372, %add3A_377 : vector<16xi32>
      %select_n3A_379 = arith.select %lt3A_375, %add3A_378, %and3A_372 : vector<16xi1>, vector<16xi32>
      %broadcast_in_dim3A_380 = vector.shape_cast %select_n3A_379 : vector<16xi32> to vector<16x1xi32>
      %gather3A_381 = vector.shape_cast %broadcast_in_dim3A_380 : vector<16x1xi32> to vector<16xi32>
      %gather3A_382 = tpu.dynamic_gather %max3A_365[%gather3A_381] in [0] : vector<16xf32>, vector<16xi32> -> vector<16xf32>
      %max3A_383 = arith.maximumf %max3A_365, %gather3A_382 : vector<16xf32>
      %slice3A_384 = vector.extract_strided_slice %max3A_383 {offsets = [0], sizes = [1], strides = [1]} : vector<16xf32> to vector<1xf32>
      %squeeze3A_385 = vector.extract %slice3A_384[0] : f32 from vector<1xf32>
      %eq3A_386 = vector.broadcast %squeeze3A_385 : f32 to vector<16xf32>
      %eq3A_387 = arith.cmpf oeq, %scan3A_310#0, %eq3A_386 : vector<16xf32>
      %jit3A_388 = arith.constant 16 : i32
      %broadcast_in_dim3A_389 = vector.broadcast %jit3A_388 : i32 to vector<16xi32>
      %select_n3A_390 = arith.select %eq3A_387, %iota3A_5, %broadcast_in_dim3A_389 : vector<16xi1>, vector<16xi32>
      %iota3A_391 = tpu.iota {dimensions = array<i32: 0>} : vector<16xi32>
      %add3A_392 = arith.constant 8 : i32
      %add3A_393 = vector.broadcast %add3A_392 : i32 to vector<16xi32>
      %add3A_394 = arith.addi %iota3A_391, %add3A_393 : vector<16xi32>
      %and3A_395 = arith.constant 15 : i32
      %and3A_396 = vector.broadcast %and3A_395 : i32 to vector<16xi32>
      %and3A_397 = arith.andi %add3A_394, %and3A_396 : vector<16xi32>
      %lt3A_398 = arith.constant 0 : i32
      %lt3A_399 = vector.broadcast %lt3A_398 : i32 to vector<16xi32>
      %lt3A_400 = arith.cmpi slt, %and3A_397, %lt3A_399 : vector<16xi32>
      %add3A_401 = arith.constant 16 : i32
      %add3A_402 = vector.broadcast %add3A_401 : i32 to vector<16xi32>
      %add3A_403 = arith.addi %and3A_397, %add3A_402 : vector<16xi32>
      %select_n3A_404 = arith.select %lt3A_400, %add3A_403, %and3A_397 : vector<16xi1>, vector<16xi32>
      %broadcast_in_dim3A_405 = vector.shape_cast %select_n3A_404 : vector<16xi32> to vector<16x1xi32>
      %gather3A_406 = vector.shape_cast %broadcast_in_dim3A_405 : vector<16x1xi32> to vector<16xi32>
      %gather3A_407 = tpu.dynamic_gather %select_n3A_390[%gather3A_406] in [0] : vector<16xi32>, vector<16xi32> -> vector<16xi32>
      %min3A = arith.minsi %select_n3A_390, %gather3A_407 : vector<16xi32>
      %iota3A_408 = tpu.iota {dimensions = array<i32: 0>} : vector<16xi32>
      %add3A_409 = arith.constant 4 : i32
      %add3A_410 = vector.broadcast %add3A_409 : i32 to vector<16xi32>
      %add3A_411 = arith.addi %iota3A_408, %add3A_410 : vector<16xi32>
      %and3A_412 = arith.constant 15 : i32
      %and3A_413 = vector.broadcast %and3A_412 : i32 to vector<16xi32>
      %and3A_414 = arith.andi %add3A_411, %and3A_413 : vector<16xi32>
      %lt3A_415 = arith.constant 0 : i32
      %lt3A_416 = vector.broadcast %lt3A_415 : i32 to vector<16xi32>
      %lt3A_417 = arith.cmpi slt, %and3A_414, %lt3A_416 : vector<16xi32>
      %add3A_418 = arith.constant 16 : i32
      %add3A_419 = vector.broadcast %add3A_418 : i32 to vector<16xi32>
      %add3A_420 = arith.addi %and3A_414, %add3A_419 : vector<16xi32>
      %select_n3A_421 = arith.select %lt3A_417, %add3A_420, %and3A_414 : vector<16xi1>, vector<16xi32>
      %broadcast_in_dim3A_422 = vector.shape_cast %select_n3A_421 : vector<16xi32> to vector<16x1xi32>
      %gather3A_423 = vector.shape_cast %broadcast_in_dim3A_422 : vector<16x1xi32> to vector<16xi32>
      %gather3A_424 = tpu.dynamic_gather %min3A[%gather3A_423] in [0] : vector<16xi32>, vector<16xi32> -> vector<16xi32>
      %min3A_425 = arith.minsi %min3A, %gather3A_424 : vector<16xi32>
      %iota3A_426 = tpu.iota {dimensions = array<i32: 0>} : vector<16xi32>
      %add3A_427 = arith.constant 2 : i32
      %add3A_428 = vector.broadcast %add3A_427 : i32 to vector<16xi32>
      %add3A_429 = arith.addi %iota3A_426, %add3A_428 : vector<16xi32>
      %and3A_430 = arith.constant 15 : i32
      %and3A_431 = vector.broadcast %and3A_430 : i32 to vector<16xi32>
      %and3A_432 = arith.andi %add3A_429, %and3A_431 : vector<16xi32>
      %lt3A_433 = arith.constant 0 : i32
      %lt3A_434 = vector.broadcast %lt3A_433 : i32 to vector<16xi32>
      %lt3A_435 = arith.cmpi slt, %and3A_432, %lt3A_434 : vector<16xi32>
      %add3A_436 = arith.constant 16 : i32
      %add3A_437 = vector.broadcast %add3A_436 : i32 to vector<16xi32>
      %add3A_438 = arith.addi %and3A_432, %add3A_437 : vector<16xi32>
      %select_n3A_439 = arith.select %lt3A_435, %add3A_438, %and3A_432 : vector<16xi1>, vector<16xi32>
      %broadcast_in_dim3A_440 = vector.shape_cast %select_n3A_439 : vector<16xi32> to vector<16x1xi32>
      %gather3A_441 = vector.shape_cast %broadcast_in_dim3A_440 : vector<16x1xi32> to vector<16xi32>
      %gather3A_442 = tpu.dynamic_gather %min3A_425[%gather3A_441] in [0] : vector<16xi32>, vector<16xi32> -> vector<16xi32>
      %min3A_443 = arith.minsi %min3A_425, %gather3A_442 : vector<16xi32>
      %iota3A_444 = tpu.iota {dimensions = array<i32: 0>} : vector<16xi32>
      %add3A_445 = arith.constant 1 : i32
      %add3A_446 = vector.broadcast %add3A_445 : i32 to vector<16xi32>
      %add3A_447 = arith.addi %iota3A_444, %add3A_446 : vector<16xi32>
      %and3A_448 = arith.constant 15 : i32
      %and3A_449 = vector.broadcast %and3A_448 : i32 to vector<16xi32>
      %and3A_450 = arith.andi %add3A_447, %and3A_449 : vector<16xi32>
      %lt3A_451 = arith.constant 0 : i32
      %lt3A_452 = vector.broadcast %lt3A_451 : i32 to vector<16xi32>
      %lt3A_453 = arith.cmpi slt, %and3A_450, %lt3A_452 : vector<16xi32>
      %add3A_454 = arith.constant 16 : i32
      %add3A_455 = vector.broadcast %add3A_454 : i32 to vector<16xi32>
      %add3A_456 = arith.addi %and3A_450, %add3A_455 : vector<16xi32>
      %select_n3A_457 = arith.select %lt3A_453, %add3A_456, %and3A_450 : vector<16xi1>, vector<16xi32>
      %broadcast_in_dim3A_458 = vector.shape_cast %select_n3A_457 : vector<16xi32> to vector<16x1xi32>
      %gather3A_459 = vector.shape_cast %broadcast_in_dim3A_458 : vector<16x1xi32> to vector<16xi32>
      %gather3A_460 = tpu.dynamic_gather %min3A_443[%gather3A_459] in [0] : vector<16xi32>, vector<16xi32> -> vector<16xi32>
      %min3A_461 = arith.minsi %min3A_443, %gather3A_460 : vector<16xi32>
      %slice3A_462 = vector.extract_strided_slice %min3A_461 {offsets = [0], sizes = [1], strides = [1]} : vector<16xi32> to vector<1xi32>
      %squeeze3A_463 = vector.extract %slice3A_462[0] : i32 from vector<1xi32>
      %iota3A_464 = tpu.iota {dimensions = array<i32: 0>} : vector<16xi32>
      %eq3A_465 = vector.broadcast %squeeze3A_463 : i32 to vector<16xi32>
      %eq3A_466 = arith.cmpi eq, %iota3A_464, %eq3A_465 : vector<16xi32>
      %neg3A_467 = arith.constant 0 : i32
      %neg3A_468 = arith.constant 2147483647 : i32
      %neg3A_469 = arith.subi %neg3A_467, %neg3A_468 : i32
      %broadcast_in_dim3A_470 = vector.broadcast %neg3A_469 : i32 to vector<16xi32>
      %select_n3A_471 = arith.select %eq3A_466, %scan3A_310#1, %broadcast_in_dim3A_470 : vector<16xi1>, vector<16xi32>
      %iota3A_472 = tpu.iota {dimensions = array<i32: 0>} : vector<16xi32>
      %add3A_473 = arith.constant 8 : i32
      %add3A_474 = vector.broadcast %add3A_473 : i32 to vector<16xi32>
      %add3A_475 = arith.addi %iota3A_472, %add3A_474 : vector<16xi32>
      %and3A_476 = arith.constant 15 : i32
      %and3A_477 = vector.broadcast %and3A_476 : i32 to vector<16xi32>
      %and3A_478 = arith.andi %add3A_475, %and3A_477 : vector<16xi32>
      %lt3A_479 = arith.constant 0 : i32
      %lt3A_480 = vector.broadcast %lt3A_479 : i32 to vector<16xi32>
      %lt3A_481 = arith.cmpi slt, %and3A_478, %lt3A_480 : vector<16xi32>
      %add3A_482 = arith.constant 16 : i32
      %add3A_483 = vector.broadcast %add3A_482 : i32 to vector<16xi32>
      %add3A_484 = arith.addi %and3A_478, %add3A_483 : vector<16xi32>
      %select_n3A_485 = arith.select %lt3A_481, %add3A_484, %and3A_478 : vector<16xi1>, vector<16xi32>
      %broadcast_in_dim3A_486 = vector.shape_cast %select_n3A_485 : vector<16xi32> to vector<16x1xi32>
      %gather3A_487 = vector.shape_cast %broadcast_in_dim3A_486 : vector<16x1xi32> to vector<16xi32>
      %gather3A_488 = tpu.dynamic_gather %select_n3A_471[%gather3A_487] in [0] : vector<16xi32>, vector<16xi32> -> vector<16xi32>
      %max3A_489 = arith.maxsi %select_n3A_471, %gather3A_488 : vector<16xi32>
      %iota3A_490 = tpu.iota {dimensions = array<i32: 0>} : vector<16xi32>
      %add3A_491 = arith.constant 4 : i32
      %add3A_492 = vector.broadcast %add3A_491 : i32 to vector<16xi32>
      %add3A_493 = arith.addi %iota3A_490, %add3A_492 : vector<16xi32>
      %and3A_494 = arith.constant 15 : i32
      %and3A_495 = vector.broadcast %and3A_494 : i32 to vector<16xi32>
      %and3A_496 = arith.andi %add3A_493, %and3A_495 : vector<16xi32>
      %lt3A_497 = arith.constant 0 : i32
      %lt3A_498 = vector.broadcast %lt3A_497 : i32 to vector<16xi32>
      %lt3A_499 = arith.cmpi slt, %and3A_496, %lt3A_498 : vector<16xi32>
      %add3A_500 = arith.constant 16 : i32
      %add3A_501 = vector.broadcast %add3A_500 : i32 to vector<16xi32>
      %add3A_502 = arith.addi %and3A_496, %add3A_501 : vector<16xi32>
      %select_n3A_503 = arith.select %lt3A_499, %add3A_502, %and3A_496 : vector<16xi1>, vector<16xi32>
      %broadcast_in_dim3A_504 = vector.shape_cast %select_n3A_503 : vector<16xi32> to vector<16x1xi32>
      %gather3A_505 = vector.shape_cast %broadcast_in_dim3A_504 : vector<16x1xi32> to vector<16xi32>
      %gather3A_506 = tpu.dynamic_gather %max3A_489[%gather3A_505] in [0] : vector<16xi32>, vector<16xi32> -> vector<16xi32>
      %max3A_507 = arith.maxsi %max3A_489, %gather3A_506 : vector<16xi32>
      %iota3A_508 = tpu.iota {dimensions = array<i32: 0>} : vector<16xi32>
      %add3A_509 = arith.constant 2 : i32
      %add3A_510 = vector.broadcast %add3A_509 : i32 to vector<16xi32>
      %add3A_511 = arith.addi %iota3A_508, %add3A_510 : vector<16xi32>
      %and3A_512 = arith.constant 15 : i32
      %and3A_513 = vector.broadcast %and3A_512 : i32 to vector<16xi32>
      %and3A_514 = arith.andi %add3A_511, %and3A_513 : vector<16xi32>
      %lt3A_515 = arith.constant 0 : i32
      %lt3A_516 = vector.broadcast %lt3A_515 : i32 to vector<16xi32>
      %lt3A_517 = arith.cmpi slt, %and3A_514, %lt3A_516 : vector<16xi32>
      %add3A_518 = arith.constant 16 : i32
      %add3A_519 = vector.broadcast %add3A_518 : i32 to vector<16xi32>
      %add3A_520 = arith.addi %and3A_514, %add3A_519 : vector<16xi32>
      %select_n3A_521 = arith.select %lt3A_517, %add3A_520, %and3A_514 : vector<16xi1>, vector<16xi32>
      %broadcast_in_dim3A_522 = vector.shape_cast %select_n3A_521 : vector<16xi32> to vector<16x1xi32>
      %gather3A_523 = vector.shape_cast %broadcast_in_dim3A_522 : vector<16x1xi32> to vector<16xi32>
      %gather3A_524 = tpu.dynamic_gather %max3A_507[%gather3A_523] in [0] : vector<16xi32>, vector<16xi32> -> vector<16xi32>
      %max3A_525 = arith.maxsi %max3A_507, %gather3A_524 : vector<16xi32>
      %iota3A_526 = tpu.iota {dimensions = array<i32: 0>} : vector<16xi32>
      %add3A_527 = arith.constant 1 : i32
      %add3A_528 = vector.broadcast %add3A_527 : i32 to vector<16xi32>
      %add3A_529 = arith.addi %iota3A_526, %add3A_528 : vector<16xi32>
      %and3A_530 = arith.constant 15 : i32
      %and3A_531 = vector.broadcast %and3A_530 : i32 to vector<16xi32>
      %and3A_532 = arith.andi %add3A_529, %and3A_531 : vector<16xi32>
      %lt3A_533 = arith.constant 0 : i32
      %lt3A_534 = vector.broadcast %lt3A_533 : i32 to vector<16xi32>
      %lt3A_535 = arith.cmpi slt, %and3A_532, %lt3A_534 : vector<16xi32>
      %add3A_536 = arith.constant 16 : i32
      %add3A_537 = vector.broadcast %add3A_536 : i32 to vector<16xi32>
      %add3A_538 = arith.addi %and3A_532, %add3A_537 : vector<16xi32>
      %select_n3A_539 = arith.select %lt3A_535, %add3A_538, %and3A_532 : vector<16xi1>, vector<16xi32>
      %broadcast_in_dim3A_540 = vector.shape_cast %select_n3A_539 : vector<16xi32> to vector<16x1xi32>
      %gather3A_541 = vector.shape_cast %broadcast_in_dim3A_540 : vector<16x1xi32> to vector<16xi32>
      %gather3A_542 = tpu.dynamic_gather %max3A_525[%gather3A_541] in [0] : vector<16xi32>, vector<16xi32> -> vector<16xi32>
      %max3A_543 = arith.maxsi %max3A_525, %gather3A_542 : vector<16xi32>
      %slice3A_544 = vector.extract_strided_slice %max3A_543 {offsets = [0], sizes = [1], strides = [1]} : vector<16xi32> to vector<1xi32>
      %squeeze3A_545 = vector.extract %slice3A_544[0] : i32 from vector<1xi32>
      %mul3A_546 = arith.constant 16 : i32
      %mul3A_547 = arith.muli %squeeze3A_545, %mul3A_546 : i32
      %mul3A_548 = arith.constant 16 : i32
      %mul3A_549 = arith.muli %mul3A_547, %mul3A_548 : i32
      %broadcast_in_dim3A_550 = arith.constant 2147483647 : i32
      %broadcast_in_dim3A_551 = vector.broadcast %broadcast_in_dim3A_550 : i32 to vector<16xi32>
      %scan3A_552 = arith.constant 0 : i32
      %scan3A_553 = arith.constant 16 : i32
      %scan3A_554 = arith.addi %scan3A_552, %scan3A_553 : i32
      %scan3A_555 = arith.constant 1 : i32
      %scan3A_556 = scf.for %scan3A_671 = %scan3A_552 to %scan3A_554 step %scan3A_555 iter_args(%scan3A_672 = %broadcast_in_dim3A_551) -> (vector<16xi32>)  : i32 {
        %mul3A_673 = arith.constant 16 : i32
        %mul3A_674 = arith.muli %scan3A_671, %mul3A_673 : i32
        %add3A_675 = arith.addi %mul3A_549, %mul3A_674 : i32
        %get3A_676 = arith.index_cast %add3A_675 : i32 to index
        %get3A_677 = tpu.vector_load %arg9[%get3A_676] {strides = array<i32>} : memref<2048xf32, #tpu.memory_space<vmem>>, vector<16xf32>,
        %get3A_678 = vector.shape_cast %get3A_677 : vector<16xf32> to vector<16xf32>
        %eq3A_679 = vector.broadcast %squeeze3A_385 : f32 to vector<16xf32>
        %eq3A_680 = arith.cmpf oeq, %get3A_678, %eq3A_679 : vector<16xf32>
        %add3A_681 = arith.constant 0 : i32
        %add3A_682 = arith.addi %add3A_681, %mul3A_549 : i32
        %mul3A_683 = arith.constant 16 : i32
        %mul3A_684 = arith.muli %scan3A_671, %mul3A_683 : i32
        %add3A_685 = arith.addi %add3A_682, %mul3A_684 : i32
        %add3A_686 = vector.broadcast %add3A_685 : i32 to vector<16xi32>
        %add3A_687 = arith.addi %add3A_686, %iota3A_5 : vector<16xi32>
        %jit3A_688 = arith.constant 2147483647 : i32
        %broadcast_in_dim3A_689 = vector.broadcast %jit3A_688 : i32 to vector<16xi32>
        %select_n3A_690 = arith.select %eq3A_680, %add3A_687, %broadcast_in_dim3A_689 : vector<16xi1>, vector<16xi32>
        %min3A_691 = arith.minsi %scan3A_672, %select_n3A_690 : vector<16xi32>
        scf.yield %min3A_691 : vector<16xi32>
      }
      %scan3A_557 = arith.constant 16 : i32
      %iota3A_558 = tpu.iota {dimensions = array<i32: 0>} : vector<16xi32>
      %add3A_559 = arith.constant 8 : i32
      %add3A_560 = vector.broadcast %add3A_559 : i32 to vector<16xi32>
      %add3A_561 = arith.addi %iota3A_558, %add3A_560 : vector<16xi32>
      %and3A_562 = arith.constant 15 : i32
      %and3A_563 = vector.broadcast %and3A_562 : i32 to vector<16xi32>
      %and3A_564 = arith.andi %add3A_561, %and3A_563 : vector<16xi32>
      %lt3A_565 = arith.constant 0 : i32
      %lt3A_566 = vector.broadcast %lt3A_565 : i32 to vector<16xi32>
      %lt3A_567 = arith.cmpi slt, %and3A_564, %lt3A_566 : vector<16xi32>
      %add3A_568 = arith.constant 16 : i32
      %add3A_569 = vector.broadcast %add3A_568 : i32 to vector<16xi32>
      %add3A_570 = arith.addi %and3A_564, %add3A_569 : vector<16xi32>
      %select_n3A_571 = arith.select %lt3A_567, %add3A_570, %and3A_564 : vector<16xi1>, vector<16xi32>
      %broadcast_in_dim3A_572 = vector.shape_cast %select_n3A_571 : vector<16xi32> to vector<16x1xi32>
      %gather3A_573 = vector.shape_cast %broadcast_in_dim3A_572 : vector<16x1xi32> to vector<16xi32>
      %gather3A_574 = tpu.dynamic_gather %scan3A_556[%gather3A_573] in [0] : vector<16xi32>, vector<16xi32> -> vector<16xi32>
      %min3A_575 = arith.minsi %scan3A_556, %gather3A_574 : vector<16xi32>
      %iota3A_576 = tpu.iota {dimensions = array<i32: 0>} : vector<16xi32>
      %add3A_577 = arith.constant 4 : i32
      %add3A_578 = vector.broadcast %add3A_577 : i32 to vector<16xi32>
      %add3A_579 = arith.addi %iota3A_576, %add3A_578 : vector<16xi32>
      %and3A_580 = arith.constant 15 : i32
      %and3A_581 = vector.broadcast %and3A_580 : i32 to vector<16xi32>
      %and3A_582 = arith.andi %add3A_579, %and3A_581 : vector<16xi32>
      %lt3A_583 = arith.constant 0 : i32
      %lt3A_584 = vector.broadcast %lt3A_583 : i32 to vector<16xi32>
      %lt3A_585 = arith.cmpi slt, %and3A_582, %lt3A_584 : vector<16xi32>
      %add3A_586 = arith.constant 16 : i32
      %add3A_587 = vector.broadcast %add3A_586 : i32 to vector<16xi32>
      %add3A_588 = arith.addi %and3A_582, %add3A_587 : vector<16xi32>
      %select_n3A_589 = arith.select %lt3A_585, %add3A_588, %and3A_582 : vector<16xi1>, vector<16xi32>
      %broadcast_in_dim3A_590 = vector.shape_cast %select_n3A_589 : vector<16xi32> to vector<16x1xi32>
      %gather3A_591 = vector.shape_cast %broadcast_in_dim3A_590 : vector<16x1xi32> to vector<16xi32>
      %gather3A_592 = tpu.dynamic_gather %min3A_575[%gather3A_591] in [0] : vector<16xi32>, vector<16xi32> -> vector<16xi32>
      %min3A_593 = arith.minsi %min3A_575, %gather3A_592 : vector<16xi32>
      %iota3A_594 = tpu.iota {dimensions = array<i32: 0>} : vector<16xi32>
      %add3A_595 = arith.constant 2 : i32
      %add3A_596 = vector.broadcast %add3A_595 : i32 to vector<16xi32>
      %add3A_597 = arith.addi %iota3A_594, %add3A_596 : vector<16xi32>
      %and3A_598 = arith.constant 15 : i32
      %and3A_599 = vector.broadcast %and3A_598 : i32 to vector<16xi32>
      %and3A_600 = arith.andi %add3A_597, %and3A_599 : vector<16xi32>
      %lt3A_601 = arith.constant 0 : i32
      %lt3A_602 = vector.broadcast %lt3A_601 : i32 to vector<16xi32>
      %lt3A_603 = arith.cmpi slt, %and3A_600, %lt3A_602 : vector<16xi32>
      %add3A_604 = arith.constant 16 : i32
      %add3A_605 = vector.broadcast %add3A_604 : i32 to vector<16xi32>
      %add3A_606 = arith.addi %and3A_600, %add3A_605 : vector<16xi32>
      %select_n3A_607 = arith.select %lt3A_603, %add3A_606, %and3A_600 : vector<16xi1>, vector<16xi32>
      %broadcast_in_dim3A_608 = vector.shape_cast %select_n3A_607 : vector<16xi32> to vector<16x1xi32>
      %gather3A_609 = vector.shape_cast %broadcast_in_dim3A_608 : vector<16x1xi32> to vector<16xi32>
      %gather3A_610 = tpu.dynamic_gather %min3A_593[%gather3A_609] in [0] : vector<16xi32>, vector<16xi32> -> vector<16xi32>
      %min3A_611 = arith.minsi %min3A_593, %gather3A_610 : vector<16xi32>
      %iota3A_612 = tpu.iota {dimensions = array<i32: 0>} : vector<16xi32>
      %add3A_613 = arith.constant 1 : i32
      %add3A_614 = vector.broadcast %add3A_613 : i32 to vector<16xi32>
      %add3A_615 = arith.addi %iota3A_612, %add3A_614 : vector<16xi32>
      %and3A_616 = arith.constant 15 : i32
      %and3A_617 = vector.broadcast %and3A_616 : i32 to vector<16xi32>
      %and3A_618 = arith.andi %add3A_615, %and3A_617 : vector<16xi32>
      %lt3A_619 = arith.constant 0 : i32
      %lt3A_620 = vector.broadcast %lt3A_619 : i32 to vector<16xi32>
      %lt3A_621 = arith.cmpi slt, %and3A_618, %lt3A_620 : vector<16xi32>
      %add3A_622 = arith.constant 16 : i32
      %add3A_623 = vector.broadcast %add3A_622 : i32 to vector<16xi32>
      %add3A_624 = arith.addi %and3A_618, %add3A_623 : vector<16xi32>
      %select_n3A_625 = arith.select %lt3A_621, %add3A_624, %and3A_618 : vector<16xi1>, vector<16xi32>
      %broadcast_in_dim3A_626 = vector.shape_cast %select_n3A_625 : vector<16xi32> to vector<16x1xi32>
      %gather3A_627 = vector.shape_cast %broadcast_in_dim3A_626 : vector<16x1xi32> to vector<16xi32>
      %gather3A_628 = tpu.dynamic_gather %min3A_611[%gather3A_627] in [0] : vector<16xi32>, vector<16xi32> -> vector<16xi32>
      %min3A_629 = arith.minsi %min3A_611, %gather3A_628 : vector<16xi32>
      %slice3A_630 = vector.extract_strided_slice %min3A_629 {offsets = [0], sizes = [1], strides = [1]} : vector<16xi32> to vector<1xi32>
      %squeeze3A_631 = vector.extract %slice3A_630[0] : i32 from vector<1xi32>
      %sub3A = arith.constant 0 : i32
      %sub3A_632 = arith.subi %squeeze3A_631, %sub3A : i32
      %and3A_633 = arith.constant -16 : i32
      %and3A_634 = arith.andi %sub3A_632, %and3A_633 : i32
      %get3A_635 = arith.index_cast %and3A_634 : i32 to index
      %get3A_636 = tpu.vector_load %arg9[%get3A_635] {strides = array<i32>} : memref<2048xf32, #tpu.memory_space<vmem>>, vector<16xf32>,
      %get3A_637 = vector.shape_cast %get3A_636 : vector<16xf32> to vector<16xf32>
      %and3A_638 = arith.constant 15 : i32
      %and3A_639 = arith.andi %sub3A_632, %and3A_638 : i32
      %eq3A_640 = vector.broadcast %and3A_639 : i32 to vector<16xi32>
      %eq3A_641 = arith.cmpi eq, %iota3A_5, %eq3A_640 : vector<16xi32>
      %jit3A_642 = arith.constant -3.000000e+38 : f32
      %broadcast_in_dim3A_643 = vector.broadcast %jit3A_642 : f32 to vector<16xf32>
      %select_n3A_644 = arith.select %eq3A_641, %broadcast_in_dim3A_643, %get3A_637 : vector<16xi1>, vector<16xf32>
      %swap3A_645 = arith.index_cast %and3A_634 : i32 to index
      %swap3A_646 = tpu.vector_load %arg9[%swap3A_645] {strides = array<i32>} : memref<2048xf32, #tpu.memory_space<vmem>>, vector<16xf32>,
      %swap3A_647 = vector.shape_cast %swap3A_646 : vector<16xf32> to vector<16xf32>
      %swap3A_648 = vector.shape_cast %select_n3A_644 : vector<16xf32> to vector<16xf32>
      tpu.vector_store %arg9[%swap3A_645], %swap3A_648 {strides = array<i32>} : memref<2048xf32, #tpu.memory_space<vmem>>, vector<16xf32>,
      %broadcast_in_dim3A_649 = arith.constant -3.000000e+38 : f32
      %broadcast_in_dim3A_650 = vector.broadcast %broadcast_in_dim3A_649 : f32 to vector<16xf32>
      %scan3A_651 = arith.constant 0 : i32
      %scan3A_652 = arith.constant 16 : i32
      %scan3A_653 = arith.addi %scan3A_651, %scan3A_652 : i32
      %scan3A_654 = arith.constant 1 : i32
      %scan3A_655 = scf.for %scan3A_671 = %scan3A_651 to %scan3A_653 step %scan3A_654 iter_args(%scan3A_672 = %broadcast_in_dim3A_650) -> (vector<16xf32>)  : i32 {
        %mul3A_673 = arith.constant 16 : i32
        %mul3A_674 = arith.muli %scan3A_671, %mul3A_673 : i32
        %add3A_675 = arith.addi %mul3A_549, %mul3A_674 : i32
        %get3A_676 = arith.index_cast %add3A_675 : i32 to index
        %get3A_677 = tpu.vector_load %arg9[%get3A_676] {strides = array<i32>} : memref<2048xf32, #tpu.memory_space<vmem>>, vector<16xf32>,
        %get3A_678 = vector.shape_cast %get3A_677 : vector<16xf32> to vector<16xf32>
        %max3A_679 = arith.maximumf %scan3A_672, %get3A_678 : vector<16xf32>
        scf.yield %max3A_679 : vector<16xf32>
      }
      %scan3A_656 = arith.constant 16 : i32
      %mul3A_657 = arith.constant 16 : i32
      %mul3A_658 = arith.muli %squeeze3A_545, %mul3A_657 : i32
      %swap3A_659 = arith.index_cast %mul3A_658 : i32 to index
      %swap3A_660 = tpu.vector_load %arg10[%swap3A_659] {strides = array<i32>} : memref<128xf32, #tpu.memory_space<vmem>>, vector<16xf32>,
      %swap3A_661 = vector.shape_cast %swap3A_660 : vector<16xf32> to vector<16xf32>
      %swap3A_662 = vector.shape_cast %scan3A_655 : vector<16xf32> to vector<16xf32>
      tpu.vector_store %arg10[%swap3A_659], %swap3A_662 {strides = array<i32>} : memref<128xf32, #tpu.memory_space<vmem>>, vector<16xf32>,
      %eq3A_663 = vector.broadcast %scan3A_299 : i32 to vector<16xi32>
      %eq3A_664 = arith.cmpi eq, %iota3A_5, %eq3A_663 : vector<16xi32>
      %broadcast_in_dim3A_665 = vector.broadcast %squeeze3A_385 : f32 to vector<16xf32>
      %select_n3A_666 = arith.select %eq3A_664, %broadcast_in_dim3A_665, %scan3A_300 : vector<16xi1>, vector<16xf32>
      %eq3A_667 = vector.broadcast %scan3A_299 : i32 to vector<16xi32>
      %eq3A_668 = arith.cmpi eq, %iota3A_5, %eq3A_667 : vector<16xi32>
      %broadcast_in_dim3A_669 = vector.broadcast %squeeze3A_631 : i32 to vector<16xi32>
      %select_n3A_670 = arith.select %eq3A_668, %broadcast_in_dim3A_669, %scan3A_301 : vector<16xi1>, vector<16xi32>
      scf.yield %select_n3A_666, %select_n3A_670 : vector<16xf32>, vector<16xi32>
    }
    %scan3A_16 = arith.constant 16 : i32
    %iota3A_17 = tpu.iota {dimensions = array<i32: 0>} : vector<16xi32>
    %eq3A = vector.broadcast %arg1 : i32 to vector<16xi32>
    %eq3A_18 = arith.cmpi eq, %iota3A_17, %eq3A : vector<16xi32>
    %neg3A_19 = arith.constant 0 : i32
    %neg3A_20 = arith.constant 2147483647 : i32
    %neg3A_21 = arith.subi %neg3A_19, %neg3A_20 : i32
    %broadcast_in_dim3A_22 = vector.broadcast %neg3A_21 : i32 to vector<16xi32>
    %select_n3A = arith.select %eq3A_18, %scan3A_15#1, %broadcast_in_dim3A_22 : vector<16xi1>, vector<16xi32>
    %iota3A_23 = tpu.iota {dimensions = array<i32: 0>} : vector<16xi32>
    %add3A_24 = arith.constant 8 : i32
    %add3A_25 = vector.broadcast %add3A_24 : i32 to vector<16xi32>
    %add3A_26 = arith.addi %iota3A_23, %add3A_25 : vector<16xi32>
    %and3A = arith.constant 15 : i32
    %and3A_27 = vector.broadcast %and3A : i32 to vector<16xi32>
    %and3A_28 = arith.andi %add3A_26, %and3A_27 : vector<16xi32>
    %lt3A = arith.constant 0 : i32
    %lt3A_29 = vector.broadcast %lt3A : i32 to vector<16xi32>
    %lt3A_30 = arith.cmpi slt, %and3A_28, %lt3A_29 : vector<16xi32>
    %add3A_31 = arith.constant 16 : i32
    %add3A_32 = vector.broadcast %add3A_31 : i32 to vector<16xi32>
    %add3A_33 = arith.addi %and3A_28, %add3A_32 : vector<16xi32>
    %select_n3A_34 = arith.select %lt3A_30, %add3A_33, %and3A_28 : vector<16xi1>, vector<16xi32>
    %broadcast_in_dim3A_35 = vector.shape_cast %select_n3A_34 : vector<16xi32> to vector<16x1xi32>
    %gather3A = vector.shape_cast %broadcast_in_dim3A_35 : vector<16x1xi32> to vector<16xi32>
    %gather3A_36 = tpu.dynamic_gather %select_n3A[%gather3A] in [0] : vector<16xi32>, vector<16xi32> -> vector<16xi32>
    %max3A = arith.maxsi %select_n3A, %gather3A_36 : vector<16xi32>
    %iota3A_37 = tpu.iota {dimensions = array<i32: 0>} : vector<16xi32>
    %add3A_38 = arith.constant 4 : i32
    %add3A_39 = vector.broadcast %add3A_38 : i32 to vector<16xi32>
    %add3A_40 = arith.addi %iota3A_37, %add3A_39 : vector<16xi32>
    %and3A_41 = arith.constant 15 : i32
    %and3A_42 = vector.broadcast %and3A_41 : i32 to vector<16xi32>
    %and3A_43 = arith.andi %add3A_40, %and3A_42 : vector<16xi32>
    %lt3A_44 = arith.constant 0 : i32
    %lt3A_45 = vector.broadcast %lt3A_44 : i32 to vector<16xi32>
    %lt3A_46 = arith.cmpi slt, %and3A_43, %lt3A_45 : vector<16xi32>
    %add3A_47 = arith.constant 16 : i32
    %add3A_48 = vector.broadcast %add3A_47 : i32 to vector<16xi32>
    %add3A_49 = arith.addi %and3A_43, %add3A_48 : vector<16xi32>
    %select_n3A_50 = arith.select %lt3A_46, %add3A_49, %and3A_43 : vector<16xi1>, vector<16xi32>
    %broadcast_in_dim3A_51 = vector.shape_cast %select_n3A_50 : vector<16xi32> to vector<16x1xi32>
    %gather3A_52 = vector.shape_cast %broadcast_in_dim3A_51 : vector<16x1xi32> to vector<16xi32>
    %gather3A_53 = tpu.dynamic_gather %max3A[%gather3A_52] in [0] : vector<16xi32>, vector<16xi32> -> vector<16xi32>
    %max3A_54 = arith.maxsi %max3A, %gather3A_53 : vector<16xi32>
    %iota3A_55 = tpu.iota {dimensions = array<i32: 0>} : vector<16xi32>
    %add3A_56 = arith.constant 2 : i32
    %add3A_57 = vector.broadcast %add3A_56 : i32 to vector<16xi32>
    %add3A_58 = arith.addi %iota3A_55, %add3A_57 : vector<16xi32>
    %and3A_59 = arith.constant 15 : i32
    %and3A_60 = vector.broadcast %and3A_59 : i32 to vector<16xi32>
    %and3A_61 = arith.andi %add3A_58, %and3A_60 : vector<16xi32>
    %lt3A_62 = arith.constant 0 : i32
    %lt3A_63 = vector.broadcast %lt3A_62 : i32 to vector<16xi32>
    %lt3A_64 = arith.cmpi slt, %and3A_61, %lt3A_63 : vector<16xi32>
    %add3A_65 = arith.constant 16 : i32
    %add3A_66 = vector.broadcast %add3A_65 : i32 to vector<16xi32>
    %add3A_67 = arith.addi %and3A_61, %add3A_66 : vector<16xi32>
    %select_n3A_68 = arith.select %lt3A_64, %add3A_67, %and3A_61 : vector<16xi1>, vector<16xi32>
    %broadcast_in_dim3A_69 = vector.shape_cast %select_n3A_68 : vector<16xi32> to vector<16x1xi32>
    %gather3A_70 = vector.shape_cast %broadcast_in_dim3A_69 : vector<16x1xi32> to vector<16xi32>
    %gather3A_71 = tpu.dynamic_gather %max3A_54[%gather3A_70] in [0] : vector<16xi32>, vector<16xi32> -> vector<16xi32>
    %max3A_72 = arith.maxsi %max3A_54, %gather3A_71 : vector<16xi32>
    %iota3A_73 = tpu.iota {dimensions = array<i32: 0>} : vector<16xi32>
    %add3A_74 = arith.constant 1 : i32
    %add3A_75 = vector.broadcast %add3A_74 : i32 to vector<16xi32>
    %add3A_76 = arith.addi %iota3A_73, %add3A_75 : vector<16xi32>
    %and3A_77 = arith.constant 15 : i32
    %and3A_78 = vector.broadcast %and3A_77 : i32 to vector<16xi32>
    %and3A_79 = arith.andi %add3A_76, %and3A_78 : vector<16xi32>
    %lt3A_80 = arith.constant 0 : i32
    %lt3A_81 = vector.broadcast %lt3A_80 : i32 to vector<16xi32>
    %lt3A_82 = arith.cmpi slt, %and3A_79, %lt3A_81 : vector<16xi32>
    %add3A_83 = arith.constant 16 : i32
    %add3A_84 = vector.broadcast %add3A_83 : i32 to vector<16xi32>
    %add3A_85 = arith.addi %and3A_79, %add3A_84 : vector<16xi32>
    %select_n3A_86 = arith.select %lt3A_82, %add3A_85, %and3A_79 : vector<16xi1>, vector<16xi32>
    %broadcast_in_dim3A_87 = vector.shape_cast %select_n3A_86 : vector<16xi32> to vector<16x1xi32>
    %gather3A_88 = vector.shape_cast %broadcast_in_dim3A_87 : vector<16x1xi32> to vector<16xi32>
    %gather3A_89 = tpu.dynamic_gather %max3A_72[%gather3A_88] in [0] : vector<16xi32>, vector<16xi32> -> vector<16xi32>
    %max3A_90 = arith.maxsi %max3A_72, %gather3A_89 : vector<16xi32>
    %slice3A = vector.extract_strided_slice %max3A_90 {offsets = [0], sizes = [1], strides = [1]} : vector<16xi32> to vector<1xi32>
    %squeeze3A = vector.extract %slice3A[0] : i32 from vector<1xi32>
    %and3A_91 = arith.constant 15 : i32
    %and3A_92 = arith.andi %squeeze3A, %and3A_91 : i32
    %shift_right_arithmetic3A = arith.constant 4 : i32
    %shift_right_arithmetic3A_93 = arith.shrsi %squeeze3A, %shift_right_arithmetic3A : i32
    %mul3A = arith.constant 8192 : i32
    %mul3A_94 = arith.muli %shift_right_arithmetic3A_93, %mul3A : i32
    "tpu.region"() ({
      %run_scoped3A = tpu.sem_alloc : memref<!tpu.dma_semaphore, #tpu.memory_space<semaphore_mem>>
      %dma_start3A = tpu.memref_slice %arg2[%and3A_92, %mul3A_94] : memref<16x1000000xf32, #tpu.memory_space<hbm>> -> memref<1x8192xf32, #tpu.memory_space<hbm>>
      %dma_start3A_299 = tpu.memref_squeeze %dma_start3A : memref<1x8192xf32, #tpu.memory_space<hbm>> -> memref<8192xf32, #tpu.memory_space<hbm>>
      %dma_start3A_300 = tpu.memref_slice %arg2[%and3A_92, %mul3A_94] : memref<16x1000000xf32, #tpu.memory_space<hbm>> -> memref<1x8192xf32, #tpu.memory_space<hbm>>
      %dma_start3A_301 = tpu.memref_squeeze %dma_start3A_300 : memref<1x8192xf32, #tpu.memory_space<hbm>> -> memref<8192xf32, #tpu.memory_space<hbm>>
      tpu.enqueue_dma source(%dma_start3A_301 : memref<8192xf32, #tpu.memory_space<hbm>>) target(%arg11 : memref<8192xf32, #tpu.memory_space<vmem>>) target_semaphore(%run_scoped3A : memref<!tpu.dma_semaphore, #tpu.memory_space<semaphore_mem>>)
      %dma_wait3A = tpu.memref_slice %arg2[%and3A_92, %mul3A_94] : memref<16x1000000xf32, #tpu.memory_space<hbm>> -> memref<1x8192xf32, #tpu.memory_space<hbm>>
      %dma_wait3A_302 = tpu.memref_squeeze %dma_wait3A : memref<1x8192xf32, #tpu.memory_space<hbm>> -> memref<8192xf32, #tpu.memory_space<hbm>>
      %dma_wait3A_303 = tpu.memref_slice %arg2[%and3A_92, %mul3A_94] : memref<16x1000000xf32, #tpu.memory_space<hbm>> -> memref<1x8192xf32, #tpu.memory_space<hbm>>
      %dma_wait3A_304 = tpu.memref_squeeze %dma_wait3A_303 : memref<1x8192xf32, #tpu.memory_space<hbm>> -> memref<8192xf32, #tpu.memory_space<hbm>>
      tpu.wait_dma2 semaphore(%run_scoped3A : memref<!tpu.dma_semaphore, #tpu.memory_space<semaphore_mem>>) src(%dma_wait3A_304 : memref<8192xf32, #tpu.memory_space<hbm>>) dst(%arg11 : memref<8192xf32, #tpu.memory_space<vmem>>)
      tpu.yield
    }) : () -> ()
    %get3A = arith.constant 0 : index
    %get3A_95 = tpu.vector_load %arg15[%get3A] {strides = array<i32>} : memref<16xf32, #tpu.memory_space<vmem>>, vector<16xf32>,
    %get3A_96 = vector.shape_cast %get3A_95 : vector<16xf32> to vector<16xf32>
    %iota3A_97 = tpu.iota {dimensions = array<i32: 0>} : vector<16xi32>
    %eq3A_98 = vector.broadcast %and3A_92 : i32 to vector<16xi32>
    %eq3A_99 = arith.cmpi eq, %iota3A_97, %eq3A_98 : vector<16xi32>
    %jit3A = arith.constant -3.000000e+38 : f32
    %broadcast_in_dim3A_100 = vector.broadcast %jit3A : f32 to vector<16xf32>
    %select_n3A_101 = arith.select %eq3A_99, %get3A_96, %broadcast_in_dim3A_100 : vector<16xi1>, vector<16xf32>
    %iota3A_102 = tpu.iota {dimensions = array<i32: 0>} : vector<16xi32>
    %add3A_103 = arith.constant 8 : i32
    %add3A_104 = vector.broadcast %add3A_103 : i32 to vector<16xi32>
    %add3A_105 = arith.addi %iota3A_102, %add3A_104 : vector<16xi32>
    %and3A_106 = arith.constant 15 : i32
    %and3A_107 = vector.broadcast %and3A_106 : i32 to vector<16xi32>
    %and3A_108 = arith.andi %add3A_105, %and3A_107 : vector<16xi32>
    %lt3A_109 = arith.constant 0 : i32
    %lt3A_110 = vector.broadcast %lt3A_109 : i32 to vector<16xi32>
    %lt3A_111 = arith.cmpi slt, %and3A_108, %lt3A_110 : vector<16xi32>
    %add3A_112 = arith.constant 16 : i32
    %add3A_113 = vector.broadcast %add3A_112 : i32 to vector<16xi32>
    %add3A_114 = arith.addi %and3A_108, %add3A_113 : vector<16xi32>
    %select_n3A_115 = arith.select %lt3A_111, %add3A_114, %and3A_108 : vector<16xi1>, vector<16xi32>
    %broadcast_in_dim3A_116 = vector.shape_cast %select_n3A_115 : vector<16xi32> to vector<16x1xi32>
    %gather3A_117 = vector.shape_cast %broadcast_in_dim3A_116 : vector<16x1xi32> to vector<16xi32>
    %gather3A_118 = tpu.dynamic_gather %select_n3A_101[%gather3A_117] in [0] : vector<16xf32>, vector<16xi32> -> vector<16xf32>
    %max3A_119 = arith.maximumf %select_n3A_101, %gather3A_118 : vector<16xf32>
    %iota3A_120 = tpu.iota {dimensions = array<i32: 0>} : vector<16xi32>
    %add3A_121 = arith.constant 4 : i32
    %add3A_122 = vector.broadcast %add3A_121 : i32 to vector<16xi32>
    %add3A_123 = arith.addi %iota3A_120, %add3A_122 : vector<16xi32>
    %and3A_124 = arith.constant 15 : i32
    %and3A_125 = vector.broadcast %and3A_124 : i32 to vector<16xi32>
    %and3A_126 = arith.andi %add3A_123, %and3A_125 : vector<16xi32>
    %lt3A_127 = arith.constant 0 : i32
    %lt3A_128 = vector.broadcast %lt3A_127 : i32 to vector<16xi32>
    %lt3A_129 = arith.cmpi slt, %and3A_126, %lt3A_128 : vector<16xi32>
    %add3A_130 = arith.constant 16 : i32
    %add3A_131 = vector.broadcast %add3A_130 : i32 to vector<16xi32>
    %add3A_132 = arith.addi %and3A_126, %add3A_131 : vector<16xi32>
    %select_n3A_133 = arith.select %lt3A_129, %add3A_132, %and3A_126 : vector<16xi1>, vector<16xi32>
    %broadcast_in_dim3A_134 = vector.shape_cast %select_n3A_133 : vector<16xi32> to vector<16x1xi32>
    %gather3A_135 = vector.shape_cast %broadcast_in_dim3A_134 : vector<16x1xi32> to vector<16xi32>
    %gather3A_136 = tpu.dynamic_gather %max3A_119[%gather3A_135] in [0] : vector<16xf32>, vector<16xi32> -> vector<16xf32>
    %max3A_137 = arith.maximumf %max3A_119, %gather3A_136 : vector<16xf32>
    %iota3A_138 = tpu.iota {dimensions = array<i32: 0>} : vector<16xi32>
    %add3A_139 = arith.constant 2 : i32
    %add3A_140 = vector.broadcast %add3A_139 : i32 to vector<16xi32>
    %add3A_141 = arith.addi %iota3A_138, %add3A_140 : vector<16xi32>
    %and3A_142 = arith.constant 15 : i32
    %and3A_143 = vector.broadcast %and3A_142 : i32 to vector<16xi32>
    %and3A_144 = arith.andi %add3A_141, %and3A_143 : vector<16xi32>
    %lt3A_145 = arith.constant 0 : i32
    %lt3A_146 = vector.broadcast %lt3A_145 : i32 to vector<16xi32>
    %lt3A_147 = arith.cmpi slt, %and3A_144, %lt3A_146 : vector<16xi32>
    %add3A_148 = arith.constant 16 : i32
    %add3A_149 = vector.broadcast %add3A_148 : i32 to vector<16xi32>
    %add3A_150 = arith.addi %and3A_144, %add3A_149 : vector<16xi32>
    %select_n3A_151 = arith.select %lt3A_147, %add3A_150, %and3A_144 : vector<16xi1>, vector<16xi32>
    %broadcast_in_dim3A_152 = vector.shape_cast %select_n3A_151 : vector<16xi32> to vector<16x1xi32>
    %gather3A_153 = vector.shape_cast %broadcast_in_dim3A_152 : vector<16x1xi32> to vector<16xi32>
    %gather3A_154 = tpu.dynamic_gather %max3A_137[%gather3A_153] in [0] : vector<16xf32>, vector<16xi32> -> vector<16xf32>
    %max3A_155 = arith.maximumf %max3A_137, %gather3A_154 : vector<16xf32>
    %iota3A_156 = tpu.iota {dimensions = array<i32: 0>} : vector<16xi32>
    %add3A_157 = arith.constant 1 : i32
    %add3A_158 = vector.broadcast %add3A_157 : i32 to vector<16xi32>
    %add3A_159 = arith.addi %iota3A_156, %add3A_158 : vector<16xi32>
    %and3A_160 = arith.constant 15 : i32
    %and3A_161 = vector.broadcast %and3A_160 : i32 to vector<16xi32>
    %and3A_162 = arith.andi %add3A_159, %and3A_161 : vector<16xi32>
    %lt3A_163 = arith.constant 0 : i32
    %lt3A_164 = vector.broadcast %lt3A_163 : i32 to vector<16xi32>
    %lt3A_165 = arith.cmpi slt, %and3A_162, %lt3A_164 : vector<16xi32>
    %add3A_166 = arith.constant 16 : i32
    %add3A_167 = vector.broadcast %add3A_166 : i32 to vector<16xi32>
    %add3A_168 = arith.addi %and3A_162, %add3A_167 : vector<16xi32>
    %select_n3A_169 = arith.select %lt3A_165, %add3A_168, %and3A_162 : vector<16xi1>, vector<16xi32>
    %broadcast_in_dim3A_170 = vector.shape_cast %select_n3A_169 : vector<16xi32> to vector<16x1xi32>
    %gather3A_171 = vector.shape_cast %broadcast_in_dim3A_170 : vector<16x1xi32> to vector<16xi32>
    %gather3A_172 = tpu.dynamic_gather %max3A_155[%gather3A_171] in [0] : vector<16xf32>, vector<16xi32> -> vector<16xf32>
    %max3A_173 = arith.maximumf %max3A_155, %gather3A_172 : vector<16xf32>
    %slice3A_174 = vector.extract_strided_slice %max3A_173 {offsets = [0], sizes = [1], strides = [1]} : vector<16xf32> to vector<1xf32>
    %squeeze3A_175 = vector.extract %slice3A_174[0] : f32 from vector<1xf32>
    %get3A_176 = arith.constant 0 : index
    %get3A_177 = tpu.vector_load %arg14[%get3A_176] {strides = array<i32>} : memref<16xf32, #tpu.memory_space<vmem>>, vector<16xf32>,
    %get3A_178 = vector.shape_cast %get3A_177 : vector<16xf32> to vector<16xf32>
    %iota3A_179 = tpu.iota {dimensions = array<i32: 0>} : vector<16xi32>
    %eq3A_180 = vector.broadcast %and3A_92 : i32 to vector<16xi32>
    %eq3A_181 = arith.cmpi eq, %iota3A_179, %eq3A_180 : vector<16xi32>
    %jit3A_182 = arith.constant -3.000000e+38 : f32
    %broadcast_in_dim3A_183 = vector.broadcast %jit3A_182 : f32 to vector<16xf32>
    %select_n3A_184 = arith.select %eq3A_181, %get3A_178, %broadcast_in_dim3A_183 : vector<16xi1>, vector<16xf32>
    %iota3A_185 = tpu.iota {dimensions = array<i32: 0>} : vector<16xi32>
    %add3A_186 = arith.constant 8 : i32
    %add3A_187 = vector.broadcast %add3A_186 : i32 to vector<16xi32>
    %add3A_188 = arith.addi %iota3A_185, %add3A_187 : vector<16xi32>
    %and3A_189 = arith.constant 15 : i32
    %and3A_190 = vector.broadcast %and3A_189 : i32 to vector<16xi32>
    %and3A_191 = arith.andi %add3A_188, %and3A_190 : vector<16xi32>
    %lt3A_192 = arith.constant 0 : i32
    %lt3A_193 = vector.broadcast %lt3A_192 : i32 to vector<16xi32>
    %lt3A_194 = arith.cmpi slt, %and3A_191, %lt3A_193 : vector<16xi32>
    %add3A_195 = arith.constant 16 : i32
    %add3A_196 = vector.broadcast %add3A_195 : i32 to vector<16xi32>
    %add3A_197 = arith.addi %and3A_191, %add3A_196 : vector<16xi32>
    %select_n3A_198 = arith.select %lt3A_194, %add3A_197, %and3A_191 : vector<16xi1>, vector<16xi32>
    %broadcast_in_dim3A_199 = vector.shape_cast %select_n3A_198 : vector<16xi32> to vector<16x1xi32>
    %gather3A_200 = vector.shape_cast %broadcast_in_dim3A_199 : vector<16x1xi32> to vector<16xi32>
    %gather3A_201 = tpu.dynamic_gather %select_n3A_184[%gather3A_200] in [0] : vector<16xf32>, vector<16xi32> -> vector<16xf32>
    %max3A_202 = arith.maximumf %select_n3A_184, %gather3A_201 : vector<16xf32>
    %iota3A_203 = tpu.iota {dimensions = array<i32: 0>} : vector<16xi32>
    %add3A_204 = arith.constant 4 : i32
    %add3A_205 = vector.broadcast %add3A_204 : i32 to vector<16xi32>
    %add3A_206 = arith.addi %iota3A_203, %add3A_205 : vector<16xi32>
    %and3A_207 = arith.constant 15 : i32
    %and3A_208 = vector.broadcast %and3A_207 : i32 to vector<16xi32>
    %and3A_209 = arith.andi %add3A_206, %and3A_208 : vector<16xi32>
    %lt3A_210 = arith.constant 0 : i32
    %lt3A_211 = vector.broadcast %lt3A_210 : i32 to vector<16xi32>
    %lt3A_212 = arith.cmpi slt, %and3A_209, %lt3A_211 : vector<16xi32>
    %add3A_213 = arith.constant 16 : i32
    %add3A_214 = vector.broadcast %add3A_213 : i32 to vector<16xi32>
    %add3A_215 = arith.addi %and3A_209, %add3A_214 : vector<16xi32>
    %select_n3A_216 = arith.select %lt3A_212, %add3A_215, %and3A_209 : vector<16xi1>, vector<16xi32>
    %broadcast_in_dim3A_217 = vector.shape_cast %select_n3A_216 : vector<16xi32> to vector<16x1xi32>
    %gather3A_218 = vector.shape_cast %broadcast_in_dim3A_217 : vector<16x1xi32> to vector<16xi32>
    %gather3A_219 = tpu.dynamic_gather %max3A_202[%gather3A_218] in [0] : vector<16xf32>, vector<16xi32> -> vector<16xf32>
    %max3A_220 = arith.maximumf %max3A_202, %gather3A_219 : vector<16xf32>
    %iota3A_221 = tpu.iota {dimensions = array<i32: 0>} : vector<16xi32>
    %add3A_222 = arith.constant 2 : i32
    %add3A_223 = vector.broadcast %add3A_222 : i32 to vector<16xi32>
    %add3A_224 = arith.addi %iota3A_221, %add3A_223 : vector<16xi32>
    %and3A_225 = arith.constant 15 : i32
    %and3A_226 = vector.broadcast %and3A_225 : i32 to vector<16xi32>
    %and3A_227 = arith.andi %add3A_224, %and3A_226 : vector<16xi32>
    %lt3A_228 = arith.constant 0 : i32
    %lt3A_229 = vector.broadcast %lt3A_228 : i32 to vector<16xi32>
    %lt3A_230 = arith.cmpi slt, %and3A_227, %lt3A_229 : vector<16xi32>
    %add3A_231 = arith.constant 16 : i32
    %add3A_232 = vector.broadcast %add3A_231 : i32 to vector<16xi32>
    %add3A_233 = arith.addi %and3A_227, %add3A_232 : vector<16xi32>
    %select_n3A_234 = arith.select %lt3A_230, %add3A_233, %and3A_227 : vector<16xi1>, vector<16xi32>
    %broadcast_in_dim3A_235 = vector.shape_cast %select_n3A_234 : vector<16xi32> to vector<16x1xi32>
    %gather3A_236 = vector.shape_cast %broadcast_in_dim3A_235 : vector<16x1xi32> to vector<16xi32>
    %gather3A_237 = tpu.dynamic_gather %max3A_220[%gather3A_236] in [0] : vector<16xf32>, vector<16xi32> -> vector<16xf32>
    %max3A_238 = arith.maximumf %max3A_220, %gather3A_237 : vector<16xf32>
    %iota3A_239 = tpu.iota {dimensions = array<i32: 0>} : vector<16xi32>
    %add3A_240 = arith.constant 1 : i32
    %add3A_241 = vector.broadcast %add3A_240 : i32 to vector<16xi32>
    %add3A_242 = arith.addi %iota3A_239, %add3A_241 : vector<16xi32>
    %and3A_243 = arith.constant 15 : i32
    %and3A_244 = vector.broadcast %and3A_243 : i32 to vector<16xi32>
    %and3A_245 = arith.andi %add3A_242, %and3A_244 : vector<16xi32>
    %lt3A_246 = arith.constant 0 : i32
    %lt3A_247 = vector.broadcast %lt3A_246 : i32 to vector<16xi32>
    %lt3A_248 = arith.cmpi slt, %and3A_245, %lt3A_247 : vector<16xi32>
    %add3A_249 = arith.constant 16 : i32
    %add3A_250 = vector.broadcast %add3A_249 : i32 to vector<16xi32>
    %add3A_251 = arith.addi %and3A_245, %add3A_250 : vector<16xi32>
    %select_n3A_252 = arith.select %lt3A_248, %add3A_251, %and3A_245 : vector<16xi1>, vector<16xi32>
    %broadcast_in_dim3A_253 = vector.shape_cast %select_n3A_252 : vector<16xi32> to vector<16x1xi32>
    %gather3A_254 = vector.shape_cast %broadcast_in_dim3A_253 : vector<16x1xi32> to vector<16xi32>
    %gather3A_255 = tpu.dynamic_gather %max3A_238[%gather3A_254] in [0] : vector<16xf32>, vector<16xi32> -> vector<16xf32>
    %max3A_256 = arith.maximumf %max3A_238, %gather3A_255 : vector<16xf32>
    %slice3A_257 = vector.extract_strided_slice %max3A_256 {offsets = [0], sizes = [1], strides = [1]} : vector<16xf32> to vector<1xf32>
    %squeeze3A_258 = vector.extract %slice3A_257[0] : f32 from vector<1xf32>
    %mul3A_259 = arith.constant 8192 : i32
    %mul3A_260 = arith.muli %shift_right_arithmetic3A_93, %mul3A_259 : i32
    %mul3A_261 = arith.constant 1048576 : i32
    %mul3A_262 = arith.muli %and3A_92, %mul3A_261 : i32
    %add3A_263 = arith.addi %mul3A_262, %mul3A_260 : i32
    %scan3A_264 = arith.constant 0 : i32
    %scan3A_265 = arith.constant 0 : i32
    %scan3A_266 = arith.constant 32 : i32
    %scan3A_267 = arith.addi %scan3A_265, %scan3A_266 : i32
    %scan3A_268 = arith.constant 1 : i32
    scf.for %scan3A_299 = %scan3A_265 to %scan3A_267 step %scan3A_268  : i32 {
      %broadcast_in_dim3A_300 = arith.constant -3.000000e+38 : f32
      %broadcast_in_dim3A_301 = vector.broadcast %broadcast_in_dim3A_300 : f32 to vector<16xf32>
      %scan3A_302 = arith.constant 0 : i32
      %scan3A_303 = arith.constant 16 : i32
      %scan3A_304 = arith.addi %scan3A_302, %scan3A_303 : i32
      %scan3A_305 = arith.constant 1 : i32
      %scan3A_306 = scf.for %scan3A_314 = %scan3A_302 to %scan3A_304 step %scan3A_305 iter_args(%scan3A_315 = %broadcast_in_dim3A_301) -> (vector<16xf32>)  : i32 {
        %mul3A_316 = arith.constant 16 : i32
        %mul3A_317 = arith.muli %scan3A_299, %mul3A_316 : i32
        %add3A_318 = arith.addi %mul3A_317, %scan3A_314 : i32
        %mul3A_319 = arith.constant 16 : i32
        %mul3A_320 = arith.muli %add3A_318, %mul3A_319 : i32
        %get3A_321 = arith.index_cast %mul3A_320 : i32 to index
        %get3A_322 = tpu.vector_load %arg11[%get3A_321] {strides = array<i32>} : memref<8192xf32, #tpu.memory_space<vmem>>, vector<16xf32>,
        %get3A_323 = vector.shape_cast %get3A_322 : vector<16xf32> to vector<16xf32>
        %mul3A_324 = arith.constant 16 : i32
        %mul3A_325 = arith.muli %add3A_318, %mul3A_324 : i32
        %add3A_326 = arith.addi %mul3A_260, %mul3A_325 : i32
        %add3A_327 = vector.broadcast %add3A_326 : i32 to vector<16xi32>
        %add3A_328 = arith.addi %add3A_327, %iota3A : vector<16xi32>
        %lt3A_329 = arith.constant 4 : i32
        %lt3A_330 = vector.broadcast %lt3A_329 : i32 to vector<16xi32>
        %lt3A_331 = arith.cmpi slt, %add3A_328, %lt3A_330 : vector<16xi32>
        %jit3A_332 = arith.constant 9.999900e+04 : f32
        %jit3A_333 = arith.constant 0.000000e+00 : f32
        %broadcast_in_dim3A_334 = vector.broadcast %jit3A_332 : f32 to vector<16xf32>
        %broadcast_in_dim3A_335 = vector.broadcast %jit3A_333 : f32 to vector<16xf32>
        %select_n3A_336 = arith.select %lt3A_331, %broadcast_in_dim3A_334, %broadcast_in_dim3A_335 : vector<16xi1>, vector<16xf32>
        %sub3A = arith.subf %get3A_323, %select_n3A_336 : vector<16xf32>
        %le3A = arith.constant 999998 : i32
        %le3A_337 = vector.broadcast %le3A : i32 to vector<16xi32>
        %le3A_338 = arith.cmpi sle, %add3A_328, %le3A_337 : vector<16xi32>
        %gt3A = vector.broadcast %squeeze3A_175 : f32 to vector<16xf32>
        %gt3A_339 = arith.cmpf ogt, %sub3A, %gt3A : vector<16xf32>
        %and3A_340 = arith.andi %le3A_338, %gt3A_339 : vector<16xi1>
        %add3A_341 = vector.broadcast %squeeze3A_258 : f32 to vector<16xf32>
        %add3A_342 = arith.addf %sub3A, %add3A_341 : vector<16xf32>
        %jit3A_343 = arith.constant -3.000000e+38 : f32
        %broadcast_in_dim3A_344 = vector.broadcast %jit3A_343 : f32 to vector<16xf32>
        %select_n3A_345 = arith.select %and3A_340, %add3A_342, %broadcast_in_dim3A_344 : vector<16xi1>, vector<16xf32>
        %mul3A_346 = arith.constant 16 : i32
        %mul3A_347 = arith.muli %add3A_318, %mul3A_346 : i32
        %swap3A_348 = arith.index_cast %mul3A_347 : i32 to index
        %swap3A_349 = tpu.vector_load %arg12[%swap3A_348] {strides = array<i32>} : memref<8192xf32, #tpu.memory_space<vmem>>, vector<16xf32>,
        %swap3A_350 = vector.shape_cast %swap3A_349 : vector<16xf32> to vector<16xf32>
        %swap3A_351 = vector.shape_cast %select_n3A_345 : vector<16xf32> to vector<16xf32>
        tpu.vector_store %arg12[%swap3A_348], %swap3A_351 {strides = array<i32>} : memref<8192xf32, #tpu.memory_space<vmem>>, vector<16xf32>,
        %max3A_352 = arith.maximumf %scan3A_315, %select_n3A_345 : vector<16xf32>
        scf.yield %max3A_352 : vector<16xf32>
      }
      %scan3A_307 = arith.constant 16 : i32
      %mul3A_308 = arith.constant 16 : i32
      %mul3A_309 = arith.muli %scan3A_299, %mul3A_308 : i32
      %swap3A_310 = arith.index_cast %mul3A_309 : i32 to index
      %swap3A_311 = tpu.vector_load %arg13[%swap3A_310] {strides = array<i32>} : memref<512xf32, #tpu.memory_space<vmem>>, vector<16xf32>,
      %swap3A_312 = vector.shape_cast %swap3A_311 : vector<16xf32> to vector<16xf32>
      %swap3A_313 = vector.shape_cast %scan3A_306 : vector<16xf32> to vector<16xf32>
      tpu.vector_store %arg13[%swap3A_310], %swap3A_313 {strides = array<i32>} : memref<512xf32, #tpu.memory_space<vmem>>, vector<16xf32>,
    }
    %scan3A_269 = arith.constant 32 : i32
    %iota3A_270 = tpu.iota {dimensions = array<i32: 0>} : vector<16xi32>
    %broadcast_in_dim3A_271 = arith.constant -3.000000e+38 : f32
    %broadcast_in_dim3A_272 = vector.broadcast %broadcast_in_dim3A_271 : f32 to vector<16xf32>
    %add3A_273 = arith.constant 1 : i32
    %add3A_274 = vector.broadcast %add3A_273 : i32 to vector<16xi32>
    %add3A_275 = arith.addi %iota3A_270, %add3A_274 : vector<16xi32>
    %neg3A_276 = arith.constant 0 : i32
    %neg3A_277 = vector.broadcast %neg3A_276 : i32 to vector<16xi32>
    %neg3A_278 = arith.subi %neg3A_277, %add3A_275 : vector<16xi32>
    %scan3A_279 = arith.constant 0 : i32
    %scan3A_280 = arith.constant 16 : i32
    %scan3A_281 = arith.addi %scan3A_279, %scan3A_280 : i32
    %scan3A_282 = arith.constant 1 : i32
    %scan3A_283:2 = scf.for %scan3A_299 = %scan3A_279 to %scan3A_281 step %scan3A_282 iter_args(%scan3A_300 = %broadcast_in_dim3A_272, %scan3A_301 = %neg3A_278) -> (vector<16xf32>, vector<16xi32>)  : i32 {
      %broadcast_in_dim3A_302 = arith.constant -3.000000e+38 : f32
      %broadcast_in_dim3A_303 = vector.broadcast %broadcast_in_dim3A_302 : f32 to vector<16xf32>
      %broadcast_in_dim3A_304 = arith.constant 0 : i32
      %broadcast_in_dim3A_305 = vector.broadcast %broadcast_in_dim3A_304 : i32 to vector<16xi32>
      %scan3A_306 = arith.constant 0 : i32
      %scan3A_307 = arith.constant 32 : i32
      %scan3A_308 = arith.addi %scan3A_306, %scan3A_307 : i32
      %scan3A_309 = arith.constant 1 : i32
      %scan3A_310:2 = scf.for %scan3A_670 = %scan3A_306 to %scan3A_308 step %scan3A_309 iter_args(%scan3A_671 = %broadcast_in_dim3A_303, %scan3A_672 = %broadcast_in_dim3A_305) -> (vector<16xf32>, vector<16xi32>)  : i32 {
        %mul3A_673 = arith.constant 16 : i32
        %mul3A_674 = arith.muli %scan3A_670, %mul3A_673 : i32
        %get3A_675 = arith.index_cast %mul3A_674 : i32 to index
        %get3A_676 = tpu.vector_load %arg13[%get3A_675] {strides = array<i32>} : memref<512xf32, #tpu.memory_space<vmem>>, vector<16xf32>,
        %get3A_677 = vector.shape_cast %get3A_676 : vector<16xf32> to vector<16xf32>
        %gt3A = arith.cmpf ogt, %get3A_677, %scan3A_671 : vector<16xf32>
        %select_n3A_678 = arith.select %gt3A, %get3A_677, %scan3A_671 : vector<16xi1>, vector<16xf32>
        %broadcast_in_dim3A_679 = vector.broadcast %scan3A_670 : i32 to vector<16xi32>
        %select_n3A_680 = arith.select %gt3A, %broadcast_in_dim3A_679, %scan3A_672 : vector<16xi1>, vector<16xi32>
        scf.yield %select_n3A_678, %select_n3A_680 : vector<16xf32>, vector<16xi32>
      }
      %scan3A_311 = arith.constant 32 : i32
      %iota3A_312 = tpu.iota {dimensions = array<i32: 0>} : vector<16xi32>
      %add3A_313 = arith.constant 8 : i32
      %add3A_314 = vector.broadcast %add3A_313 : i32 to vector<16xi32>
      %add3A_315 = arith.addi %iota3A_312, %add3A_314 : vector<16xi32>
      %and3A_316 = arith.constant 15 : i32
      %and3A_317 = vector.broadcast %and3A_316 : i32 to vector<16xi32>
      %and3A_318 = arith.andi %add3A_315, %and3A_317 : vector<16xi32>
      %lt3A_319 = arith.constant 0 : i32
      %lt3A_320 = vector.broadcast %lt3A_319 : i32 to vector<16xi32>
      %lt3A_321 = arith.cmpi slt, %and3A_318, %lt3A_320 : vector<16xi32>
      %add3A_322 = arith.constant 16 : i32
      %add3A_323 = vector.broadcast %add3A_322 : i32 to vector<16xi32>
      %add3A_324 = arith.addi %and3A_318, %add3A_323 : vector<16xi32>
      %select_n3A_325 = arith.select %lt3A_321, %add3A_324, %and3A_318 : vector<16xi1>, vector<16xi32>
      %broadcast_in_dim3A_326 = vector.shape_cast %select_n3A_325 : vector<16xi32> to vector<16x1xi32>
      %gather3A_327 = vector.shape_cast %broadcast_in_dim3A_326 : vector<16x1xi32> to vector<16xi32>
      %gather3A_328 = tpu.dynamic_gather %scan3A_310#0[%gather3A_327] in [0] : vector<16xf32>, vector<16xi32> -> vector<16xf32>
      %max3A_329 = arith.maximumf %scan3A_310#0, %gather3A_328 : vector<16xf32>
      %iota3A_330 = tpu.iota {dimensions = array<i32: 0>} : vector<16xi32>
      %add3A_331 = arith.constant 4 : i32
      %add3A_332 = vector.broadcast %add3A_331 : i32 to vector<16xi32>
      %add3A_333 = arith.addi %iota3A_330, %add3A_332 : vector<16xi32>
      %and3A_334 = arith.constant 15 : i32
      %and3A_335 = vector.broadcast %and3A_334 : i32 to vector<16xi32>
      %and3A_336 = arith.andi %add3A_333, %and3A_335 : vector<16xi32>
      %lt3A_337 = arith.constant 0 : i32
      %lt3A_338 = vector.broadcast %lt3A_337 : i32 to vector<16xi32>
      %lt3A_339 = arith.cmpi slt, %and3A_336, %lt3A_338 : vector<16xi32>
      %add3A_340 = arith.constant 16 : i32
      %add3A_341 = vector.broadcast %add3A_340 : i32 to vector<16xi32>
      %add3A_342 = arith.addi %and3A_336, %add3A_341 : vector<16xi32>
      %select_n3A_343 = arith.select %lt3A_339, %add3A_342, %and3A_336 : vector<16xi1>, vector<16xi32>
      %broadcast_in_dim3A_344 = vector.shape_cast %select_n3A_343 : vector<16xi32> to vector<16x1xi32>
      %gather3A_345 = vector.shape_cast %broadcast_in_dim3A_344 : vector<16x1xi32> to vector<16xi32>
      %gather3A_346 = tpu.dynamic_gather %max3A_329[%gather3A_345] in [0] : vector<16xf32>, vector<16xi32> -> vector<16xf32>
      %max3A_347 = arith.maximumf %max3A_329, %gather3A_346 : vector<16xf32>
      %iota3A_348 = tpu.iota {dimensions = array<i32: 0>} : vector<16xi32>
      %add3A_349 = arith.constant 2 : i32
      %add3A_350 = vector.broadcast %add3A_349 : i32 to vector<16xi32>
      %add3A_351 = arith.addi %iota3A_348, %add3A_350 : vector<16xi32>
      %and3A_352 = arith.constant 15 : i32
      %and3A_353 = vector.broadcast %and3A_352 : i32 to vector<16xi32>
      %and3A_354 = arith.andi %add3A_351, %and3A_353 : vector<16xi32>
      %lt3A_355 = arith.constant 0 : i32
      %lt3A_356 = vector.broadcast %lt3A_355 : i32 to vector<16xi32>
      %lt3A_357 = arith.cmpi slt, %and3A_354, %lt3A_356 : vector<16xi32>
      %add3A_358 = arith.constant 16 : i32
      %add3A_359 = vector.broadcast %add3A_358 : i32 to vector<16xi32>
      %add3A_360 = arith.addi %and3A_354, %add3A_359 : vector<16xi32>
      %select_n3A_361 = arith.select %lt3A_357, %add3A_360, %and3A_354 : vector<16xi1>, vector<16xi32>
      %broadcast_in_dim3A_362 = vector.shape_cast %select_n3A_361 : vector<16xi32> to vector<16x1xi32>
      %gather3A_363 = vector.shape_cast %broadcast_in_dim3A_362 : vector<16x1xi32> to vector<16xi32>
      %gather3A_364 = tpu.dynamic_gather %max3A_347[%gather3A_363] in [0] : vector<16xf32>, vector<16xi32> -> vector<16xf32>
      %max3A_365 = arith.maximumf %max3A_347, %gather3A_364 : vector<16xf32>
      %iota3A_366 = tpu.iota {dimensions = array<i32: 0>} : vector<16xi32>
      %add3A_367 = arith.constant 1 : i32
      %add3A_368 = vector.broadcast %add3A_367 : i32 to vector<16xi32>
      %add3A_369 = arith.addi %iota3A_366, %add3A_368 : vector<16xi32>
      %and3A_370 = arith.constant 15 : i32
      %and3A_371 = vector.broadcast %and3A_370 : i32 to vector<16xi32>
      %and3A_372 = arith.andi %add3A_369, %and3A_371 : vector<16xi32>
      %lt3A_373 = arith.constant 0 : i32
      %lt3A_374 = vector.broadcast %lt3A_373 : i32 to vector<16xi32>
      %lt3A_375 = arith.cmpi slt, %and3A_372, %lt3A_374 : vector<16xi32>
      %add3A_376 = arith.constant 16 : i32
      %add3A_377 = vector.broadcast %add3A_376 : i32 to vector<16xi32>
      %add3A_378 = arith.addi %and3A_372, %add3A_377 : vector<16xi32>
      %select_n3A_379 = arith.select %lt3A_375, %add3A_378, %and3A_372 : vector<16xi1>, vector<16xi32>
      %broadcast_in_dim3A_380 = vector.shape_cast %select_n3A_379 : vector<16xi32> to vector<16x1xi32>
      %gather3A_381 = vector.shape_cast %broadcast_in_dim3A_380 : vector<16x1xi32> to vector<16xi32>
      %gather3A_382 = tpu.dynamic_gather %max3A_365[%gather3A_381] in [0] : vector<16xf32>, vector<16xi32> -> vector<16xf32>
      %max3A_383 = arith.maximumf %max3A_365, %gather3A_382 : vector<16xf32>
      %slice3A_384 = vector.extract_strided_slice %max3A_383 {offsets = [0], sizes = [1], strides = [1]} : vector<16xf32> to vector<1xf32>
      %squeeze3A_385 = vector.extract %slice3A_384[0] : f32 from vector<1xf32>
      %eq3A_386 = vector.broadcast %squeeze3A_385 : f32 to vector<16xf32>
      %eq3A_387 = arith.cmpf oeq, %scan3A_310#0, %eq3A_386 : vector<16xf32>
      %jit3A_388 = arith.constant 16 : i32
      %broadcast_in_dim3A_389 = vector.broadcast %jit3A_388 : i32 to vector<16xi32>
      %select_n3A_390 = arith.select %eq3A_387, %iota3A_270, %broadcast_in_dim3A_389 : vector<16xi1>, vector<16xi32>
      %iota3A_391 = tpu.iota {dimensions = array<i32: 0>} : vector<16xi32>
      %add3A_392 = arith.constant 8 : i32
      %add3A_393 = vector.broadcast %add3A_392 : i32 to vector<16xi32>
      %add3A_394 = arith.addi %iota3A_391, %add3A_393 : vector<16xi32>
      %and3A_395 = arith.constant 15 : i32
      %and3A_396 = vector.broadcast %and3A_395 : i32 to vector<16xi32>
      %and3A_397 = arith.andi %add3A_394, %and3A_396 : vector<16xi32>
      %lt3A_398 = arith.constant 0 : i32
      %lt3A_399 = vector.broadcast %lt3A_398 : i32 to vector<16xi32>
      %lt3A_400 = arith.cmpi slt, %and3A_397, %lt3A_399 : vector<16xi32>
      %add3A_401 = arith.constant 16 : i32
      %add3A_402 = vector.broadcast %add3A_401 : i32 to vector<16xi32>
      %add3A_403 = arith.addi %and3A_397, %add3A_402 : vector<16xi32>
      %select_n3A_404 = arith.select %lt3A_400, %add3A_403, %and3A_397 : vector<16xi1>, vector<16xi32>
      %broadcast_in_dim3A_405 = vector.shape_cast %select_n3A_404 : vector<16xi32> to vector<16x1xi32>
      %gather3A_406 = vector.shape_cast %broadcast_in_dim3A_405 : vector<16x1xi32> to vector<16xi32>
      %gather3A_407 = tpu.dynamic_gather %select_n3A_390[%gather3A_406] in [0] : vector<16xi32>, vector<16xi32> -> vector<16xi32>
      %min3A = arith.minsi %select_n3A_390, %gather3A_407 : vector<16xi32>
      %iota3A_408 = tpu.iota {dimensions = array<i32: 0>} : vector<16xi32>
      %add3A_409 = arith.constant 4 : i32
      %add3A_410 = vector.broadcast %add3A_409 : i32 to vector<16xi32>
      %add3A_411 = arith.addi %iota3A_408, %add3A_410 : vector<16xi32>
      %and3A_412 = arith.constant 15 : i32
      %and3A_413 = vector.broadcast %and3A_412 : i32 to vector<16xi32>
      %and3A_414 = arith.andi %add3A_411, %and3A_413 : vector<16xi32>
      %lt3A_415 = arith.constant 0 : i32
      %lt3A_416 = vector.broadcast %lt3A_415 : i32 to vector<16xi32>
      %lt3A_417 = arith.cmpi slt, %and3A_414, %lt3A_416 : vector<16xi32>
      %add3A_418 = arith.constant 16 : i32
      %add3A_419 = vector.broadcast %add3A_418 : i32 to vector<16xi32>
      %add3A_420 = arith.addi %and3A_414, %add3A_419 : vector<16xi32>
      %select_n3A_421 = arith.select %lt3A_417, %add3A_420, %and3A_414 : vector<16xi1>, vector<16xi32>
      %broadcast_in_dim3A_422 = vector.shape_cast %select_n3A_421 : vector<16xi32> to vector<16x1xi32>
      %gather3A_423 = vector.shape_cast %broadcast_in_dim3A_422 : vector<16x1xi32> to vector<16xi32>
      %gather3A_424 = tpu.dynamic_gather %min3A[%gather3A_423] in [0] : vector<16xi32>, vector<16xi32> -> vector<16xi32>
      %min3A_425 = arith.minsi %min3A, %gather3A_424 : vector<16xi32>
      %iota3A_426 = tpu.iota {dimensions = array<i32: 0>} : vector<16xi32>
      %add3A_427 = arith.constant 2 : i32
      %add3A_428 = vector.broadcast %add3A_427 : i32 to vector<16xi32>
      %add3A_429 = arith.addi %iota3A_426, %add3A_428 : vector<16xi32>
      %and3A_430 = arith.constant 15 : i32
      %and3A_431 = vector.broadcast %and3A_430 : i32 to vector<16xi32>
      %and3A_432 = arith.andi %add3A_429, %and3A_431 : vector<16xi32>
      %lt3A_433 = arith.constant 0 : i32
      %lt3A_434 = vector.broadcast %lt3A_433 : i32 to vector<16xi32>
      %lt3A_435 = arith.cmpi slt, %and3A_432, %lt3A_434 : vector<16xi32>
      %add3A_436 = arith.constant 16 : i32
      %add3A_437 = vector.broadcast %add3A_436 : i32 to vector<16xi32>
      %add3A_438 = arith.addi %and3A_432, %add3A_437 : vector<16xi32>
      %select_n3A_439 = arith.select %lt3A_435, %add3A_438, %and3A_432 : vector<16xi1>, vector<16xi32>
      %broadcast_in_dim3A_440 = vector.shape_cast %select_n3A_439 : vector<16xi32> to vector<16x1xi32>
      %gather3A_441 = vector.shape_cast %broadcast_in_dim3A_440 : vector<16x1xi32> to vector<16xi32>
      %gather3A_442 = tpu.dynamic_gather %min3A_425[%gather3A_441] in [0] : vector<16xi32>, vector<16xi32> -> vector<16xi32>
      %min3A_443 = arith.minsi %min3A_425, %gather3A_442 : vector<16xi32>
      %iota3A_444 = tpu.iota {dimensions = array<i32: 0>} : vector<16xi32>
      %add3A_445 = arith.constant 1 : i32
      %add3A_446 = vector.broadcast %add3A_445 : i32 to vector<16xi32>
      %add3A_447 = arith.addi %iota3A_444, %add3A_446 : vector<16xi32>
      %and3A_448 = arith.constant 15 : i32
      %and3A_449 = vector.broadcast %and3A_448 : i32 to vector<16xi32>
      %and3A_450 = arith.andi %add3A_447, %and3A_449 : vector<16xi32>
      %lt3A_451 = arith.constant 0 : i32
      %lt3A_452 = vector.broadcast %lt3A_451 : i32 to vector<16xi32>
      %lt3A_453 = arith.cmpi slt, %and3A_450, %lt3A_452 : vector<16xi32>
      %add3A_454 = arith.constant 16 : i32
      %add3A_455 = vector.broadcast %add3A_454 : i32 to vector<16xi32>
      %add3A_456 = arith.addi %and3A_450, %add3A_455 : vector<16xi32>
      %select_n3A_457 = arith.select %lt3A_453, %add3A_456, %and3A_450 : vector<16xi1>, vector<16xi32>
      %broadcast_in_dim3A_458 = vector.shape_cast %select_n3A_457 : vector<16xi32> to vector<16x1xi32>
      %gather3A_459 = vector.shape_cast %broadcast_in_dim3A_458 : vector<16x1xi32> to vector<16xi32>
      %gather3A_460 = tpu.dynamic_gather %min3A_443[%gather3A_459] in [0] : vector<16xi32>, vector<16xi32> -> vector<16xi32>
      %min3A_461 = arith.minsi %min3A_443, %gather3A_460 : vector<16xi32>
      %slice3A_462 = vector.extract_strided_slice %min3A_461 {offsets = [0], sizes = [1], strides = [1]} : vector<16xi32> to vector<1xi32>
      %squeeze3A_463 = vector.extract %slice3A_462[0] : i32 from vector<1xi32>
      %iota3A_464 = tpu.iota {dimensions = array<i32: 0>} : vector<16xi32>
      %eq3A_465 = vector.broadcast %squeeze3A_463 : i32 to vector<16xi32>
      %eq3A_466 = arith.cmpi eq, %iota3A_464, %eq3A_465 : vector<16xi32>
      %neg3A_467 = arith.constant 0 : i32
      %neg3A_468 = arith.constant 2147483647 : i32
      %neg3A_469 = arith.subi %neg3A_467, %neg3A_468 : i32
      %broadcast_in_dim3A_470 = vector.broadcast %neg3A_469 : i32 to vector<16xi32>
      %select_n3A_471 = arith.select %eq3A_466, %scan3A_310#1, %broadcast_in_dim3A_470 : vector<16xi1>, vector<16xi32>
      %iota3A_472 = tpu.iota {dimensions = array<i32: 0>} : vector<16xi32>
      %add3A_473 = arith.constant 8 : i32
      %add3A_474 = vector.broadcast %add3A_473 : i32 to vector<16xi32>
      %add3A_475 = arith.addi %iota3A_472, %add3A_474 : vector<16xi32>
      %and3A_476 = arith.constant 15 : i32
      %and3A_477 = vector.broadcast %and3A_476 : i32 to vector<16xi32>
      %and3A_478 = arith.andi %add3A_475, %and3A_477 : vector<16xi32>
      %lt3A_479 = arith.constant 0 : i32
      %lt3A_480 = vector.broadcast %lt3A_479 : i32 to vector<16xi32>
      %lt3A_481 = arith.cmpi slt, %and3A_478, %lt3A_480 : vector<16xi32>
      %add3A_482 = arith.constant 16 : i32
      %add3A_483 = vector.broadcast %add3A_482 : i32 to vector<16xi32>
      %add3A_484 = arith.addi %and3A_478, %add3A_483 : vector<16xi32>
      %select_n3A_485 = arith.select %lt3A_481, %add3A_484, %and3A_478 : vector<16xi1>, vector<16xi32>
      %broadcast_in_dim3A_486 = vector.shape_cast %select_n3A_485 : vector<16xi32> to vector<16x1xi32>
      %gather3A_487 = vector.shape_cast %broadcast_in_dim3A_486 : vector<16x1xi32> to vector<16xi32>
      %gather3A_488 = tpu.dynamic_gather %select_n3A_471[%gather3A_487] in [0] : vector<16xi32>, vector<16xi32> -> vector<16xi32>
      %max3A_489 = arith.maxsi %select_n3A_471, %gather3A_488 : vector<16xi32>
      %iota3A_490 = tpu.iota {dimensions = array<i32: 0>} : vector<16xi32>
      %add3A_491 = arith.constant 4 : i32
      %add3A_492 = vector.broadcast %add3A_491 : i32 to vector<16xi32>
      %add3A_493 = arith.addi %iota3A_490, %add3A_492 : vector<16xi32>
      %and3A_494 = arith.constant 15 : i32
      %and3A_495 = vector.broadcast %and3A_494 : i32 to vector<16xi32>
      %and3A_496 = arith.andi %add3A_493, %and3A_495 : vector<16xi32>
      %lt3A_497 = arith.constant 0 : i32
      %lt3A_498 = vector.broadcast %lt3A_497 : i32 to vector<16xi32>
      %lt3A_499 = arith.cmpi slt, %and3A_496, %lt3A_498 : vector<16xi32>
      %add3A_500 = arith.constant 16 : i32
      %add3A_501 = vector.broadcast %add3A_500 : i32 to vector<16xi32>
      %add3A_502 = arith.addi %and3A_496, %add3A_501 : vector<16xi32>
      %select_n3A_503 = arith.select %lt3A_499, %add3A_502, %and3A_496 : vector<16xi1>, vector<16xi32>
      %broadcast_in_dim3A_504 = vector.shape_cast %select_n3A_503 : vector<16xi32> to vector<16x1xi32>
      %gather3A_505 = vector.shape_cast %broadcast_in_dim3A_504 : vector<16x1xi32> to vector<16xi32>
      %gather3A_506 = tpu.dynamic_gather %max3A_489[%gather3A_505] in [0] : vector<16xi32>, vector<16xi32> -> vector<16xi32>
      %max3A_507 = arith.maxsi %max3A_489, %gather3A_506 : vector<16xi32>
      %iota3A_508 = tpu.iota {dimensions = array<i32: 0>} : vector<16xi32>
      %add3A_509 = arith.constant 2 : i32
      %add3A_510 = vector.broadcast %add3A_509 : i32 to vector<16xi32>
      %add3A_511 = arith.addi %iota3A_508, %add3A_510 : vector<16xi32>
      %and3A_512 = arith.constant 15 : i32
      %and3A_513 = vector.broadcast %and3A_512 : i32 to vector<16xi32>
      %and3A_514 = arith.andi %add3A_511, %and3A_513 : vector<16xi32>
      %lt3A_515 = arith.constant 0 : i32
      %lt3A_516 = vector.broadcast %lt3A_515 : i32 to vector<16xi32>
      %lt3A_517 = arith.cmpi slt, %and3A_514, %lt3A_516 : vector<16xi32>
      %add3A_518 = arith.constant 16 : i32
      %add3A_519 = vector.broadcast %add3A_518 : i32 to vector<16xi32>
      %add3A_520 = arith.addi %and3A_514, %add3A_519 : vector<16xi32>
      %select_n3A_521 = arith.select %lt3A_517, %add3A_520, %and3A_514 : vector<16xi1>, vector<16xi32>
      %broadcast_in_dim3A_522 = vector.shape_cast %select_n3A_521 : vector<16xi32> to vector<16x1xi32>
      %gather3A_523 = vector.shape_cast %broadcast_in_dim3A_522 : vector<16x1xi32> to vector<16xi32>
      %gather3A_524 = tpu.dynamic_gather %max3A_507[%gather3A_523] in [0] : vector<16xi32>, vector<16xi32> -> vector<16xi32>
      %max3A_525 = arith.maxsi %max3A_507, %gather3A_524 : vector<16xi32>
      %iota3A_526 = tpu.iota {dimensions = array<i32: 0>} : vector<16xi32>
      %add3A_527 = arith.constant 1 : i32
      %add3A_528 = vector.broadcast %add3A_527 : i32 to vector<16xi32>
      %add3A_529 = arith.addi %iota3A_526, %add3A_528 : vector<16xi32>
      %and3A_530 = arith.constant 15 : i32
      %and3A_531 = vector.broadcast %and3A_530 : i32 to vector<16xi32>
      %and3A_532 = arith.andi %add3A_529, %and3A_531 : vector<16xi32>
      %lt3A_533 = arith.constant 0 : i32
      %lt3A_534 = vector.broadcast %lt3A_533 : i32 to vector<16xi32>
      %lt3A_535 = arith.cmpi slt, %and3A_532, %lt3A_534 : vector<16xi32>
      %add3A_536 = arith.constant 16 : i32
      %add3A_537 = vector.broadcast %add3A_536 : i32 to vector<16xi32>
      %add3A_538 = arith.addi %and3A_532, %add3A_537 : vector<16xi32>
      %select_n3A_539 = arith.select %lt3A_535, %add3A_538, %and3A_532 : vector<16xi1>, vector<16xi32>
      %broadcast_in_dim3A_540 = vector.shape_cast %select_n3A_539 : vector<16xi32> to vector<16x1xi32>
      %gather3A_541 = vector.shape_cast %broadcast_in_dim3A_540 : vector<16x1xi32> to vector<16xi32>
      %gather3A_542 = tpu.dynamic_gather %max3A_525[%gather3A_541] in [0] : vector<16xi32>, vector<16xi32> -> vector<16xi32>
      %max3A_543 = arith.maxsi %max3A_525, %gather3A_542 : vector<16xi32>
      %slice3A_544 = vector.extract_strided_slice %max3A_543 {offsets = [0], sizes = [1], strides = [1]} : vector<16xi32> to vector<1xi32>
      %squeeze3A_545 = vector.extract %slice3A_544[0] : i32 from vector<1xi32>
      %mul3A_546 = arith.constant 16 : i32
      %mul3A_547 = arith.muli %squeeze3A_545, %mul3A_546 : i32
      %mul3A_548 = arith.constant 16 : i32
      %mul3A_549 = arith.muli %mul3A_547, %mul3A_548 : i32
      %broadcast_in_dim3A_550 = arith.constant 2147483647 : i32
      %broadcast_in_dim3A_551 = vector.broadcast %broadcast_in_dim3A_550 : i32 to vector<16xi32>
      %scan3A_552 = arith.constant 0 : i32
      %scan3A_553 = arith.constant 16 : i32
      %scan3A_554 = arith.addi %scan3A_552, %scan3A_553 : i32
      %scan3A_555 = arith.constant 1 : i32
      %scan3A_556 = scf.for %scan3A_670 = %scan3A_552 to %scan3A_554 step %scan3A_555 iter_args(%scan3A_671 = %broadcast_in_dim3A_551) -> (vector<16xi32>)  : i32 {
        %mul3A_672 = arith.constant 16 : i32
        %mul3A_673 = arith.muli %scan3A_670, %mul3A_672 : i32
        %add3A_674 = arith.addi %mul3A_549, %mul3A_673 : i32
        %get3A_675 = arith.index_cast %add3A_674 : i32 to index
        %get3A_676 = tpu.vector_load %arg12[%get3A_675] {strides = array<i32>} : memref<8192xf32, #tpu.memory_space<vmem>>, vector<16xf32>,
        %get3A_677 = vector.shape_cast %get3A_676 : vector<16xf32> to vector<16xf32>
        %eq3A_678 = vector.broadcast %squeeze3A_385 : f32 to vector<16xf32>
        %eq3A_679 = arith.cmpf oeq, %get3A_677, %eq3A_678 : vector<16xf32>
        %add3A_680 = arith.addi %add3A_263, %mul3A_549 : i32
        %mul3A_681 = arith.constant 16 : i32
        %mul3A_682 = arith.muli %scan3A_670, %mul3A_681 : i32
        %add3A_683 = arith.addi %add3A_680, %mul3A_682 : i32
        %add3A_684 = vector.broadcast %add3A_683 : i32 to vector<16xi32>
        %add3A_685 = arith.addi %add3A_684, %iota3A_270 : vector<16xi32>
        %jit3A_686 = arith.constant 2147483647 : i32
        %broadcast_in_dim3A_687 = vector.broadcast %jit3A_686 : i32 to vector<16xi32>
        %select_n3A_688 = arith.select %eq3A_679, %add3A_685, %broadcast_in_dim3A_687 : vector<16xi1>, vector<16xi32>
        %min3A_689 = arith.minsi %scan3A_671, %select_n3A_688 : vector<16xi32>
        scf.yield %min3A_689 : vector<16xi32>
      }
      %scan3A_557 = arith.constant 16 : i32
      %iota3A_558 = tpu.iota {dimensions = array<i32: 0>} : vector<16xi32>
      %add3A_559 = arith.constant 8 : i32
      %add3A_560 = vector.broadcast %add3A_559 : i32 to vector<16xi32>
      %add3A_561 = arith.addi %iota3A_558, %add3A_560 : vector<16xi32>
      %and3A_562 = arith.constant 15 : i32
      %and3A_563 = vector.broadcast %and3A_562 : i32 to vector<16xi32>
      %and3A_564 = arith.andi %add3A_561, %and3A_563 : vector<16xi32>
      %lt3A_565 = arith.constant 0 : i32
      %lt3A_566 = vector.broadcast %lt3A_565 : i32 to vector<16xi32>
      %lt3A_567 = arith.cmpi slt, %and3A_564, %lt3A_566 : vector<16xi32>
      %add3A_568 = arith.constant 16 : i32
      %add3A_569 = vector.broadcast %add3A_568 : i32 to vector<16xi32>
      %add3A_570 = arith.addi %and3A_564, %add3A_569 : vector<16xi32>
      %select_n3A_571 = arith.select %lt3A_567, %add3A_570, %and3A_564 : vector<16xi1>, vector<16xi32>
      %broadcast_in_dim3A_572 = vector.shape_cast %select_n3A_571 : vector<16xi32> to vector<16x1xi32>
      %gather3A_573 = vector.shape_cast %broadcast_in_dim3A_572 : vector<16x1xi32> to vector<16xi32>
      %gather3A_574 = tpu.dynamic_gather %scan3A_556[%gather3A_573] in [0] : vector<16xi32>, vector<16xi32> -> vector<16xi32>
      %min3A_575 = arith.minsi %scan3A_556, %gather3A_574 : vector<16xi32>
      %iota3A_576 = tpu.iota {dimensions = array<i32: 0>} : vector<16xi32>
      %add3A_577 = arith.constant 4 : i32
      %add3A_578 = vector.broadcast %add3A_577 : i32 to vector<16xi32>
      %add3A_579 = arith.addi %iota3A_576, %add3A_578 : vector<16xi32>
      %and3A_580 = arith.constant 15 : i32
      %and3A_581 = vector.broadcast %and3A_580 : i32 to vector<16xi32>
      %and3A_582 = arith.andi %add3A_579, %and3A_581 : vector<16xi32>
      %lt3A_583 = arith.constant 0 : i32
      %lt3A_584 = vector.broadcast %lt3A_583 : i32 to vector<16xi32>
      %lt3A_585 = arith.cmpi slt, %and3A_582, %lt3A_584 : vector<16xi32>
      %add3A_586 = arith.constant 16 : i32
      %add3A_587 = vector.broadcast %add3A_586 : i32 to vector<16xi32>
      %add3A_588 = arith.addi %and3A_582, %add3A_587 : vector<16xi32>
      %select_n3A_589 = arith.select %lt3A_585, %add3A_588, %and3A_582 : vector<16xi1>, vector<16xi32>
      %broadcast_in_dim3A_590 = vector.shape_cast %select_n3A_589 : vector<16xi32> to vector<16x1xi32>
      %gather3A_591 = vector.shape_cast %broadcast_in_dim3A_590 : vector<16x1xi32> to vector<16xi32>
      %gather3A_592 = tpu.dynamic_gather %min3A_575[%gather3A_591] in [0] : vector<16xi32>, vector<16xi32> -> vector<16xi32>
      %min3A_593 = arith.minsi %min3A_575, %gather3A_592 : vector<16xi32>
      %iota3A_594 = tpu.iota {dimensions = array<i32: 0>} : vector<16xi32>
      %add3A_595 = arith.constant 2 : i32
      %add3A_596 = vector.broadcast %add3A_595 : i32 to vector<16xi32>
      %add3A_597 = arith.addi %iota3A_594, %add3A_596 : vector<16xi32>
      %and3A_598 = arith.constant 15 : i32
      %and3A_599 = vector.broadcast %and3A_598 : i32 to vector<16xi32>
      %and3A_600 = arith.andi %add3A_597, %and3A_599 : vector<16xi32>
      %lt3A_601 = arith.constant 0 : i32
      %lt3A_602 = vector.broadcast %lt3A_601 : i32 to vector<16xi32>
      %lt3A_603 = arith.cmpi slt, %and3A_600, %lt3A_602 : vector<16xi32>
      %add3A_604 = arith.constant 16 : i32
      %add3A_605 = vector.broadcast %add3A_604 : i32 to vector<16xi32>
      %add3A_606 = arith.addi %and3A_600, %add3A_605 : vector<16xi32>
      %select_n3A_607 = arith.select %lt3A_603, %add3A_606, %and3A_600 : vector<16xi1>, vector<16xi32>
      %broadcast_in_dim3A_608 = vector.shape_cast %select_n3A_607 : vector<16xi32> to vector<16x1xi32>
      %gather3A_609 = vector.shape_cast %broadcast_in_dim3A_608 : vector<16x1xi32> to vector<16xi32>
      %gather3A_610 = tpu.dynamic_gather %min3A_593[%gather3A_609] in [0] : vector<16xi32>, vector<16xi32> -> vector<16xi32>
      %min3A_611 = arith.minsi %min3A_593, %gather3A_610 : vector<16xi32>
      %iota3A_612 = tpu.iota {dimensions = array<i32: 0>} : vector<16xi32>
      %add3A_613 = arith.constant 1 : i32
      %add3A_614 = vector.broadcast %add3A_613 : i32 to vector<16xi32>
      %add3A_615 = arith.addi %iota3A_612, %add3A_614 : vector<16xi32>
      %and3A_616 = arith.constant 15 : i32
      %and3A_617 = vector.broadcast %and3A_616 : i32 to vector<16xi32>
      %and3A_618 = arith.andi %add3A_615, %and3A_617 : vector<16xi32>
      %lt3A_619 = arith.constant 0 : i32
      %lt3A_620 = vector.broadcast %lt3A_619 : i32 to vector<16xi32>
      %lt3A_621 = arith.cmpi slt, %and3A_618, %lt3A_620 : vector<16xi32>
      %add3A_622 = arith.constant 16 : i32
      %add3A_623 = vector.broadcast %add3A_622 : i32 to vector<16xi32>
      %add3A_624 = arith.addi %and3A_618, %add3A_623 : vector<16xi32>
      %select_n3A_625 = arith.select %lt3A_621, %add3A_624, %and3A_618 : vector<16xi1>, vector<16xi32>
      %broadcast_in_dim3A_626 = vector.shape_cast %select_n3A_625 : vector<16xi32> to vector<16x1xi32>
      %gather3A_627 = vector.shape_cast %broadcast_in_dim3A_626 : vector<16x1xi32> to vector<16xi32>
      %gather3A_628 = tpu.dynamic_gather %min3A_611[%gather3A_627] in [0] : vector<16xi32>, vector<16xi32> -> vector<16xi32>
      %min3A_629 = arith.minsi %min3A_611, %gather3A_628 : vector<16xi32>
      %slice3A_630 = vector.extract_strided_slice %min3A_629 {offsets = [0], sizes = [1], strides = [1]} : vector<16xi32> to vector<1xi32>
      %squeeze3A_631 = vector.extract %slice3A_630[0] : i32 from vector<1xi32>
      %sub3A = arith.subi %squeeze3A_631, %add3A_263 : i32
      %and3A_632 = arith.constant -16 : i32
      %and3A_633 = arith.andi %sub3A, %and3A_632 : i32
      %get3A_634 = arith.index_cast %and3A_633 : i32 to index
      %get3A_635 = tpu.vector_load %arg12[%get3A_634] {strides = array<i32>} : memref<8192xf32, #tpu.memory_space<vmem>>, vector<16xf32>,
      %get3A_636 = vector.shape_cast %get3A_635 : vector<16xf32> to vector<16xf32>
      %and3A_637 = arith.constant 15 : i32
      %and3A_638 = arith.andi %sub3A, %and3A_637 : i32
      %eq3A_639 = vector.broadcast %and3A_638 : i32 to vector<16xi32>
      %eq3A_640 = arith.cmpi eq, %iota3A_270, %eq3A_639 : vector<16xi32>
      %jit3A_641 = arith.constant -3.000000e+38 : f32
      %broadcast_in_dim3A_642 = vector.broadcast %jit3A_641 : f32 to vector<16xf32>
      %select_n3A_643 = arith.select %eq3A_640, %broadcast_in_dim3A_642, %get3A_636 : vector<16xi1>, vector<16xf32>
      %swap3A_644 = arith.index_cast %and3A_633 : i32 to index
      %swap3A_645 = tpu.vector_load %arg12[%swap3A_644] {strides = array<i32>} : memref<8192xf32, #tpu.memory_space<vmem>>, vector<16xf32>,
      %swap3A_646 = vector.shape_cast %swap3A_645 : vector<16xf32> to vector<16xf32>
      %swap3A_647 = vector.shape_cast %select_n3A_643 : vector<16xf32> to vector<16xf32>
      tpu.vector_store %arg12[%swap3A_644], %swap3A_647 {strides = array<i32>} : memref<8192xf32, #tpu.memory_space<vmem>>, vector<16xf32>,
      %broadcast_in_dim3A_648 = arith.constant -3.000000e+38 : f32
      %broadcast_in_dim3A_649 = vector.broadcast %broadcast_in_dim3A_648 : f32 to vector<16xf32>
      %scan3A_650 = arith.constant 0 : i32
      %scan3A_651 = arith.constant 16 : i32
      %scan3A_652 = arith.addi %scan3A_650, %scan3A_651 : i32
      %scan3A_653 = arith.constant 1 : i32
      %scan3A_654 = scf.for %scan3A_670 = %scan3A_650 to %scan3A_652 step %scan3A_653 iter_args(%scan3A_671 = %broadcast_in_dim3A_649) -> (vector<16xf32>)  : i32 {
        %mul3A_672 = arith.constant 16 : i32
        %mul3A_673 = arith.muli %scan3A_670, %mul3A_672 : i32
        %add3A_674 = arith.addi %mul3A_549, %mul3A_673 : i32
        %get3A_675 = arith.index_cast %add3A_674 : i32 to index
        %get3A_676 = tpu.vector_load %arg12[%get3A_675] {strides = array<i32>} : memref<8192xf32, #tpu.memory_space<vmem>>, vector<16xf32>,
        %get3A_677 = vector.shape_cast %get3A_676 : vector<16xf32> to vector<16xf32>
        %max3A_678 = arith.maximumf %scan3A_671, %get3A_677 : vector<16xf32>
        scf.yield %max3A_678 : vector<16xf32>
      }
      %scan3A_655 = arith.constant 16 : i32
      %mul3A_656 = arith.constant 16 : i32
      %mul3A_657 = arith.muli %squeeze3A_545, %mul3A_656 : i32
      %swap3A_658 = arith.index_cast %mul3A_657 : i32 to index
      %swap3A_659 = tpu.vector_load %arg13[%swap3A_658] {strides = array<i32>} : memref<512xf32, #tpu.memory_space<vmem>>, vector<16xf32>,
      %swap3A_660 = vector.shape_cast %swap3A_659 : vector<16xf32> to vector<16xf32>
      %swap3A_661 = vector.shape_cast %scan3A_654 : vector<16xf32> to vector<16xf32>
      tpu.vector_store %arg13[%swap3A_658], %swap3A_661 {strides = array<i32>} : memref<512xf32, #tpu.memory_space<vmem>>, vector<16xf32>,
      %eq3A_662 = vector.broadcast %scan3A_299 : i32 to vector<16xi32>
      %eq3A_663 = arith.cmpi eq, %iota3A_270, %eq3A_662 : vector<16xi32>
      %broadcast_in_dim3A_664 = vector.broadcast %squeeze3A_385 : f32 to vector<16xf32>
      %select_n3A_665 = arith.select %eq3A_663, %broadcast_in_dim3A_664, %scan3A_300 : vector<16xi1>, vector<16xf32>
      %eq3A_666 = vector.broadcast %scan3A_299 : i32 to vector<16xi32>
      %eq3A_667 = arith.cmpi eq, %iota3A_270, %eq3A_666 : vector<16xi32>
      %broadcast_in_dim3A_668 = vector.broadcast %squeeze3A_631 : i32 to vector<16xi32>
      %select_n3A_669 = arith.select %eq3A_667, %broadcast_in_dim3A_668, %scan3A_301 : vector<16xi1>, vector<16xi32>
      scf.yield %select_n3A_665, %select_n3A_669 : vector<16xf32>, vector<16xi32>
    }
    %scan3A_284 = arith.constant 16 : i32
    %swap3A = arith.constant 0 : index
    %swap3A_285 = tpu.vector_load %arg23[%swap3A] {strides = array<i32>} : memref<16xf32, #tpu.memory_space<vmem>>, vector<16xf32>,
    %swap3A_286 = vector.shape_cast %swap3A_285 : vector<16xf32> to vector<16xf32>
    %swap3A_287 = vector.shape_cast %scan3A_283#0 : vector<16xf32> to vector<16xf32>
    tpu.vector_store %arg23[%swap3A], %swap3A_287 {strides = array<i32>} : memref<16xf32, #tpu.memory_space<vmem>>, vector<16xf32>,
    %swap3A_288 = arith.constant 0 : index
    %swap3A_289 = tpu.vector_load %arg24[%swap3A_288] {strides = array<i32>} : memref<16xi32, #tpu.memory_space<vmem>>, vector<16xi32>,
    %swap3A_290 = vector.shape_cast %swap3A_289 : vector<16xi32> to vector<16xi32>
    %swap3A_291 = vector.shape_cast %scan3A_283#1 : vector<16xi32> to vector<16xi32>
    tpu.vector_store %arg24[%swap3A_288], %swap3A_291 {strides = array<i32>} : memref<16xi32, #tpu.memory_space<vmem>>, vector<16xi32>,
    %mul3A_292 = arith.constant 16 : i32
    %mul3A_293 = arith.muli %arg1, %mul3A_292 : i32
    "tpu.region"() ({
      %run_scoped3A = tpu.sem_alloc : memref<!tpu.dma_semaphore, #tpu.memory_space<semaphore_mem>>
      %dma_start3A = tpu.memref_slice %arg16[%mul3A_293] : memref<256xf32, #tpu.memory_space<vmem_shared>> -> memref<16xf32, #tpu.memory_space<vmem_shared>>
      %dma_start3A_299 = tpu.memref_slice %arg16[%mul3A_293] : memref<256xf32, #tpu.memory_space<vmem_shared>> -> memref<16xf32, #tpu.memory_space<vmem_shared>>
      tpu.enqueue_dma source(%arg23 : memref<16xf32, #tpu.memory_space<vmem>>) target(%dma_start3A_299 : memref<16xf32, #tpu.memory_space<vmem_shared>>) target_semaphore(%run_scoped3A : memref<!tpu.dma_semaphore, #tpu.memory_space<semaphore_mem>>)
      %dma_wait3A = tpu.memref_slice %arg16[%mul3A_293] : memref<256xf32, #tpu.memory_space<vmem_shared>> -> memref<16xf32, #tpu.memory_space<vmem_shared>>
      %dma_wait3A_300 = tpu.memref_slice %arg16[%mul3A_293] : memref<256xf32, #tpu.memory_space<vmem_shared>> -> memref<16xf32, #tpu.memory_space<vmem_shared>>
      tpu.wait_dma2 semaphore(%run_scoped3A : memref<!tpu.dma_semaphore, #tpu.memory_space<semaphore_mem>>) src(%arg23 : memref<16xf32, #tpu.memory_space<vmem>>) dst(%dma_wait3A_300 : memref<16xf32, #tpu.memory_space<vmem_shared>>)
      tpu.yield
    }) : () -> ()
    %mul3A_294 = arith.constant 16 : i32
    %mul3A_295 = arith.muli %arg1, %mul3A_294 : i32
    "tpu.region"() ({
      %run_scoped3A = tpu.sem_alloc : memref<!tpu.dma_semaphore, #tpu.memory_space<semaphore_mem>>
      %dma_start3A = tpu.memref_slice %arg17[%mul3A_295] : memref<256xi32, #tpu.memory_space<vmem_shared>> -> memref<16xi32, #tpu.memory_space<vmem_shared>>
      %dma_start3A_299 = tpu.memref_slice %arg17[%mul3A_295] : memref<256xi32, #tpu.memory_space<vmem_shared>> -> memref<16xi32, #tpu.memory_space<vmem_shared>>
      tpu.enqueue_dma source(%arg24 : memref<16xi32, #tpu.memory_space<vmem>>) target(%dma_start3A_299 : memref<16xi32, #tpu.memory_space<vmem_shared>>) target_semaphore(%run_scoped3A : memref<!tpu.dma_semaphore, #tpu.memory_space<semaphore_mem>>)
      %dma_wait3A = tpu.memref_slice %arg17[%mul3A_295] : memref<256xi32, #tpu.memory_space<vmem_shared>> -> memref<16xi32, #tpu.memory_space<vmem_shared>>
      %dma_wait3A_300 = tpu.memref_slice %arg17[%mul3A_295] : memref<256xi32, #tpu.memory_space<vmem_shared>> -> memref<16xi32, #tpu.memory_space<vmem_shared>>
      tpu.wait_dma2 semaphore(%run_scoped3A : memref<!tpu.dma_semaphore, #tpu.memory_space<semaphore_mem>>) src(%arg24 : memref<16xi32, #tpu.memory_space<vmem>>) dst(%dma_wait3A_300 : memref<16xi32, #tpu.memory_space<vmem_shared>>)
      tpu.yield
    }) : () -> ()
    %barrier3A = arith.constant 0 : index
    tpu.barrier barrier_id(%barrier3A)
    %eq3A_296 = arith.constant 0 : i32
    %eq3A_297 = arith.cmpi eq, %arg1, %eq3A_296 : i32
    %convert_element_type3A = arith.extui %eq3A_297 : i1 to i32
    %cond3A = arith.constant 0 : i32
    %cond3A_298 = arith.cmpi ne, %convert_element_type3A, %cond3A : i32
    scf.if %cond3A_298 {
      "tpu.region"() ({
        %run_scoped3A = tpu.sem_alloc : memref<!tpu.dma_semaphore, #tpu.memory_space<semaphore_mem>>
        tpu.enqueue_dma source(%arg16 : memref<256xf32, #tpu.memory_space<vmem_shared>>) target(%arg18 : memref<256xf32, #tpu.memory_space<vmem>>) target_semaphore(%run_scoped3A : memref<!tpu.dma_semaphore, #tpu.memory_space<semaphore_mem>>)
        tpu.wait_dma2 semaphore(%run_scoped3A : memref<!tpu.dma_semaphore, #tpu.memory_space<semaphore_mem>>) src(%arg16 : memref<256xf32, #tpu.memory_space<vmem_shared>>) dst(%arg18 : memref<256xf32, #tpu.memory_space<vmem>>)
        tpu.yield
      }) : () -> ()
      "tpu.region"() ({
        %run_scoped3A = tpu.sem_alloc : memref<!tpu.dma_semaphore, #tpu.memory_space<semaphore_mem>>
        tpu.enqueue_dma source(%arg17 : memref<256xi32, #tpu.memory_space<vmem_shared>>) target(%arg19 : memref<256xi32, #tpu.memory_space<vmem>>) target_semaphore(%run_scoped3A : memref<!tpu.dma_semaphore, #tpu.memory_space<semaphore_mem>>)
        tpu.wait_dma2 semaphore(%run_scoped3A : memref<!tpu.dma_semaphore, #tpu.memory_space<semaphore_mem>>) src(%arg17 : memref<256xi32, #tpu.memory_space<vmem_shared>>) dst(%arg19 : memref<256xi32, #tpu.memory_space<vmem>>)
        tpu.yield
      }) : () -> ()
      %broadcast_in_dim3A_299 = arith.constant -3.000000e+38 : f32
      %broadcast_in_dim3A_300 = vector.broadcast %broadcast_in_dim3A_299 : f32 to vector<16xf32>
      %add3A_301 = arith.constant 1 : i32
      %add3A_302 = vector.broadcast %add3A_301 : i32 to vector<16xi32>
      %add3A_303 = arith.addi %iota3A, %add3A_302 : vector<16xi32>
      %neg3A_304 = arith.constant 0 : i32
      %neg3A_305 = vector.broadcast %neg3A_304 : i32 to vector<16xi32>
      %neg3A_306 = arith.subi %neg3A_305, %add3A_303 : vector<16xi32>
      %scan3A_307 = arith.constant 0 : i32
      %scan3A_308 = arith.constant 16 : i32
      %scan3A_309 = arith.addi %scan3A_307, %scan3A_308 : i32
      %scan3A_310 = arith.constant 1 : i32
      %scan3A_311:2 = scf.for %scan3A_331 = %scan3A_307 to %scan3A_309 step %scan3A_310 iter_args(%scan3A_332 = %broadcast_in_dim3A_300, %scan3A_333 = %neg3A_306) -> (vector<16xf32>, vector<16xi32>)  : i32 {
        %broadcast_in_dim3A_334 = arith.constant -3.000000e+38 : f32
        %broadcast_in_dim3A_335 = vector.broadcast %broadcast_in_dim3A_334 : f32 to vector<16xf32>
        %scan3A_336 = arith.constant 0 : i32
        %scan3A_337 = arith.constant 16 : i32
        %scan3A_338 = arith.addi %scan3A_336, %scan3A_337 : i32
        %scan3A_339 = arith.constant 1 : i32
        %scan3A_340 = scf.for %scan3A_603 = %scan3A_336 to %scan3A_338 step %scan3A_339 iter_args(%scan3A_604 = %broadcast_in_dim3A_335) -> (vector<16xf32>)  : i32 {
          %mul3A_605 = arith.constant 16 : i32
          %mul3A_606 = arith.muli %scan3A_603, %mul3A_605 : i32
          %get3A_607 = arith.index_cast %mul3A_606 : i32 to index
          %get3A_608 = tpu.vector_load %arg18[%get3A_607] {strides = array<i32>} : memref<256xf32, #tpu.memory_space<vmem>>, vector<16xf32>,
          %get3A_609 = vector.shape_cast %get3A_608 : vector<16xf32> to vector<16xf32>
          %max3A_610 = arith.maximumf %scan3A_604, %get3A_609 : vector<16xf32>
          scf.yield %max3A_610 : vector<16xf32>
        }
        %scan3A_341 = arith.constant 16 : i32
        %iota3A_342 = tpu.iota {dimensions = array<i32: 0>} : vector<16xi32>
        %add3A_343 = arith.constant 8 : i32
        %add3A_344 = vector.broadcast %add3A_343 : i32 to vector<16xi32>
        %add3A_345 = arith.addi %iota3A_342, %add3A_344 : vector<16xi32>
        %and3A_346 = arith.constant 15 : i32
        %and3A_347 = vector.broadcast %and3A_346 : i32 to vector<16xi32>
        %and3A_348 = arith.andi %add3A_345, %and3A_347 : vector<16xi32>
        %lt3A_349 = arith.constant 0 : i32
        %lt3A_350 = vector.broadcast %lt3A_349 : i32 to vector<16xi32>
        %lt3A_351 = arith.cmpi slt, %and3A_348, %lt3A_350 : vector<16xi32>
        %add3A_352 = arith.constant 16 : i32
        %add3A_353 = vector.broadcast %add3A_352 : i32 to vector<16xi32>
        %add3A_354 = arith.addi %and3A_348, %add3A_353 : vector<16xi32>
        %select_n3A_355 = arith.select %lt3A_351, %add3A_354, %and3A_348 : vector<16xi1>, vector<16xi32>
        %broadcast_in_dim3A_356 = vector.shape_cast %select_n3A_355 : vector<16xi32> to vector<16x1xi32>
        %gather3A_357 = vector.shape_cast %broadcast_in_dim3A_356 : vector<16x1xi32> to vector<16xi32>
        %gather3A_358 = tpu.dynamic_gather %scan3A_340[%gather3A_357] in [0] : vector<16xf32>, vector<16xi32> -> vector<16xf32>
        %max3A_359 = arith.maximumf %scan3A_340, %gather3A_358 : vector<16xf32>
        %iota3A_360 = tpu.iota {dimensions = array<i32: 0>} : vector<16xi32>
        %add3A_361 = arith.constant 4 : i32
        %add3A_362 = vector.broadcast %add3A_361 : i32 to vector<16xi32>
        %add3A_363 = arith.addi %iota3A_360, %add3A_362 : vector<16xi32>
        %and3A_364 = arith.constant 15 : i32
        %and3A_365 = vector.broadcast %and3A_364 : i32 to vector<16xi32>
        %and3A_366 = arith.andi %add3A_363, %and3A_365 : vector<16xi32>
        %lt3A_367 = arith.constant 0 : i32
        %lt3A_368 = vector.broadcast %lt3A_367 : i32 to vector<16xi32>
        %lt3A_369 = arith.cmpi slt, %and3A_366, %lt3A_368 : vector<16xi32>
        %add3A_370 = arith.constant 16 : i32
        %add3A_371 = vector.broadcast %add3A_370 : i32 to vector<16xi32>
        %add3A_372 = arith.addi %and3A_366, %add3A_371 : vector<16xi32>
        %select_n3A_373 = arith.select %lt3A_369, %add3A_372, %and3A_366 : vector<16xi1>, vector<16xi32>
        %broadcast_in_dim3A_374 = vector.shape_cast %select_n3A_373 : vector<16xi32> to vector<16x1xi32>
        %gather3A_375 = vector.shape_cast %broadcast_in_dim3A_374 : vector<16x1xi32> to vector<16xi32>
        %gather3A_376 = tpu.dynamic_gather %max3A_359[%gather3A_375] in [0] : vector<16xf32>, vector<16xi32> -> vector<16xf32>
        %max3A_377 = arith.maximumf %max3A_359, %gather3A_376 : vector<16xf32>
        %iota3A_378 = tpu.iota {dimensions = array<i32: 0>} : vector<16xi32>
        %add3A_379 = arith.constant 2 : i32
        %add3A_380 = vector.broadcast %add3A_379 : i32 to vector<16xi32>
        %add3A_381 = arith.addi %iota3A_378, %add3A_380 : vector<16xi32>
        %and3A_382 = arith.constant 15 : i32
        %and3A_383 = vector.broadcast %and3A_382 : i32 to vector<16xi32>
        %and3A_384 = arith.andi %add3A_381, %and3A_383 : vector<16xi32>
        %lt3A_385 = arith.constant 0 : i32
        %lt3A_386 = vector.broadcast %lt3A_385 : i32 to vector<16xi32>
        %lt3A_387 = arith.cmpi slt, %and3A_384, %lt3A_386 : vector<16xi32>
        %add3A_388 = arith.constant 16 : i32
        %add3A_389 = vector.broadcast %add3A_388 : i32 to vector<16xi32>
        %add3A_390 = arith.addi %and3A_384, %add3A_389 : vector<16xi32>
        %select_n3A_391 = arith.select %lt3A_387, %add3A_390, %and3A_384 : vector<16xi1>, vector<16xi32>
        %broadcast_in_dim3A_392 = vector.shape_cast %select_n3A_391 : vector<16xi32> to vector<16x1xi32>
        %gather3A_393 = vector.shape_cast %broadcast_in_dim3A_392 : vector<16x1xi32> to vector<16xi32>
        %gather3A_394 = tpu.dynamic_gather %max3A_377[%gather3A_393] in [0] : vector<16xf32>, vector<16xi32> -> vector<16xf32>
        %max3A_395 = arith.maximumf %max3A_377, %gather3A_394 : vector<16xf32>
        %iota3A_396 = tpu.iota {dimensions = array<i32: 0>} : vector<16xi32>
        %add3A_397 = arith.constant 1 : i32
        %add3A_398 = vector.broadcast %add3A_397 : i32 to vector<16xi32>
        %add3A_399 = arith.addi %iota3A_396, %add3A_398 : vector<16xi32>
        %and3A_400 = arith.constant 15 : i32
        %and3A_401 = vector.broadcast %and3A_400 : i32 to vector<16xi32>
        %and3A_402 = arith.andi %add3A_399, %and3A_401 : vector<16xi32>
        %lt3A_403 = arith.constant 0 : i32
        %lt3A_404 = vector.broadcast %lt3A_403 : i32 to vector<16xi32>
        %lt3A_405 = arith.cmpi slt, %and3A_402, %lt3A_404 : vector<16xi32>
        %add3A_406 = arith.constant 16 : i32
        %add3A_407 = vector.broadcast %add3A_406 : i32 to vector<16xi32>
        %add3A_408 = arith.addi %and3A_402, %add3A_407 : vector<16xi32>
        %select_n3A_409 = arith.select %lt3A_405, %add3A_408, %and3A_402 : vector<16xi1>, vector<16xi32>
        %broadcast_in_dim3A_410 = vector.shape_cast %select_n3A_409 : vector<16xi32> to vector<16x1xi32>
        %gather3A_411 = vector.shape_cast %broadcast_in_dim3A_410 : vector<16x1xi32> to vector<16xi32>
        %gather3A_412 = tpu.dynamic_gather %max3A_395[%gather3A_411] in [0] : vector<16xf32>, vector<16xi32> -> vector<16xf32>
        %max3A_413 = arith.maximumf %max3A_395, %gather3A_412 : vector<16xf32>
        %slice3A_414 = vector.extract_strided_slice %max3A_413 {offsets = [0], sizes = [1], strides = [1]} : vector<16xf32> to vector<1xf32>
        %squeeze3A_415 = vector.extract %slice3A_414[0] : f32 from vector<1xf32>
        %broadcast_in_dim3A_416 = arith.constant 2147483647 : i32
        %broadcast_in_dim3A_417 = vector.broadcast %broadcast_in_dim3A_416 : i32 to vector<16xi32>
        %scan3A_418 = arith.constant 0 : i32
        %scan3A_419 = arith.constant 16 : i32
        %scan3A_420 = arith.addi %scan3A_418, %scan3A_419 : i32
        %scan3A_421 = arith.constant 1 : i32
        %scan3A_422 = scf.for %scan3A_603 = %scan3A_418 to %scan3A_420 step %scan3A_421 iter_args(%scan3A_604 = %broadcast_in_dim3A_417) -> (vector<16xi32>)  : i32 {
          %mul3A_605 = arith.constant 16 : i32
          %mul3A_606 = arith.muli %scan3A_603, %mul3A_605 : i32
          %get3A_607 = arith.index_cast %mul3A_606 : i32 to index
          %get3A_608 = tpu.vector_load %arg18[%get3A_607] {strides = array<i32>} : memref<256xf32, #tpu.memory_space<vmem>>, vector<16xf32>,
          %get3A_609 = vector.shape_cast %get3A_608 : vector<16xf32> to vector<16xf32>
          %mul3A_610 = arith.constant 16 : i32
          %mul3A_611 = arith.muli %scan3A_603, %mul3A_610 : i32
          %get3A_612 = arith.index_cast %mul3A_611 : i32 to index
          %get3A_613 = tpu.vector_load %arg19[%get3A_612] {strides = array<i32>} : memref<256xi32, #tpu.memory_space<vmem>>, vector<16xi32>,
          %get3A_614 = vector.shape_cast %get3A_613 : vector<16xi32> to vector<16xi32>
          %eq3A_615 = vector.broadcast %squeeze3A_415 : f32 to vector<16xf32>
          %eq3A_616 = arith.cmpf oeq, %get3A_609, %eq3A_615 : vector<16xf32>
          %jit3A_617 = arith.constant 2147483647 : i32
          %broadcast_in_dim3A_618 = vector.broadcast %jit3A_617 : i32 to vector<16xi32>
          %select_n3A_619 = arith.select %eq3A_616, %get3A_614, %broadcast_in_dim3A_618 : vector<16xi1>, vector<16xi32>
          %min3A_620 = arith.minsi %scan3A_604, %select_n3A_619 : vector<16xi32>
          scf.yield %min3A_620 : vector<16xi32>
        }
        %scan3A_423 = arith.constant 16 : i32
        %iota3A_424 = tpu.iota {dimensions = array<i32: 0>} : vector<16xi32>
        %add3A_425 = arith.constant 8 : i32
        %add3A_426 = vector.broadcast %add3A_425 : i32 to vector<16xi32>
        %add3A_427 = arith.addi %iota3A_424, %add3A_426 : vector<16xi32>
        %and3A_428 = arith.constant 15 : i32
        %and3A_429 = vector.broadcast %and3A_428 : i32 to vector<16xi32>
        %and3A_430 = arith.andi %add3A_427, %and3A_429 : vector<16xi32>
        %lt3A_431 = arith.constant 0 : i32
        %lt3A_432 = vector.broadcast %lt3A_431 : i32 to vector<16xi32>
        %lt3A_433 = arith.cmpi slt, %and3A_430, %lt3A_432 : vector<16xi32>
        %add3A_434 = arith.constant 16 : i32
        %add3A_435 = vector.broadcast %add3A_434 : i32 to vector<16xi32>
        %add3A_436 = arith.addi %and3A_430, %add3A_435 : vector<16xi32>
        %select_n3A_437 = arith.select %lt3A_433, %add3A_436, %and3A_430 : vector<16xi1>, vector<16xi32>
        %broadcast_in_dim3A_438 = vector.shape_cast %select_n3A_437 : vector<16xi32> to vector<16x1xi32>
        %gather3A_439 = vector.shape_cast %broadcast_in_dim3A_438 : vector<16x1xi32> to vector<16xi32>
        %gather3A_440 = tpu.dynamic_gather %scan3A_422[%gather3A_439] in [0] : vector<16xi32>, vector<16xi32> -> vector<16xi32>
        %min3A = arith.minsi %scan3A_422, %gather3A_440 : vector<16xi32>
        %iota3A_441 = tpu.iota {dimensions = array<i32: 0>} : vector<16xi32>
        %add3A_442 = arith.constant 4 : i32
        %add3A_443 = vector.broadcast %add3A_442 : i32 to vector<16xi32>
        %add3A_444 = arith.addi %iota3A_441, %add3A_443 : vector<16xi32>
        %and3A_445 = arith.constant 15 : i32
        %and3A_446 = vector.broadcast %and3A_445 : i32 to vector<16xi32>
        %and3A_447 = arith.andi %add3A_444, %and3A_446 : vector<16xi32>
        %lt3A_448 = arith.constant 0 : i32
        %lt3A_449 = vector.broadcast %lt3A_448 : i32 to vector<16xi32>
        %lt3A_450 = arith.cmpi slt, %and3A_447, %lt3A_449 : vector<16xi32>
        %add3A_451 = arith.constant 16 : i32
        %add3A_452 = vector.broadcast %add3A_451 : i32 to vector<16xi32>
        %add3A_453 = arith.addi %and3A_447, %add3A_452 : vector<16xi32>
        %select_n3A_454 = arith.select %lt3A_450, %add3A_453, %and3A_447 : vector<16xi1>, vector<16xi32>
        %broadcast_in_dim3A_455 = vector.shape_cast %select_n3A_454 : vector<16xi32> to vector<16x1xi32>
        %gather3A_456 = vector.shape_cast %broadcast_in_dim3A_455 : vector<16x1xi32> to vector<16xi32>
        %gather3A_457 = tpu.dynamic_gather %min3A[%gather3A_456] in [0] : vector<16xi32>, vector<16xi32> -> vector<16xi32>
        %min3A_458 = arith.minsi %min3A, %gather3A_457 : vector<16xi32>
        %iota3A_459 = tpu.iota {dimensions = array<i32: 0>} : vector<16xi32>
        %add3A_460 = arith.constant 2 : i32
        %add3A_461 = vector.broadcast %add3A_460 : i32 to vector<16xi32>
        %add3A_462 = arith.addi %iota3A_459, %add3A_461 : vector<16xi32>
        %and3A_463 = arith.constant 15 : i32
        %and3A_464 = vector.broadcast %and3A_463 : i32 to vector<16xi32>
        %and3A_465 = arith.andi %add3A_462, %and3A_464 : vector<16xi32>
        %lt3A_466 = arith.constant 0 : i32
        %lt3A_467 = vector.broadcast %lt3A_466 : i32 to vector<16xi32>
        %lt3A_468 = arith.cmpi slt, %and3A_465, %lt3A_467 : vector<16xi32>
        %add3A_469 = arith.constant 16 : i32
        %add3A_470 = vector.broadcast %add3A_469 : i32 to vector<16xi32>
        %add3A_471 = arith.addi %and3A_465, %add3A_470 : vector<16xi32>
        %select_n3A_472 = arith.select %lt3A_468, %add3A_471, %and3A_465 : vector<16xi1>, vector<16xi32>
        %broadcast_in_dim3A_473 = vector.shape_cast %select_n3A_472 : vector<16xi32> to vector<16x1xi32>
        %gather3A_474 = vector.shape_cast %broadcast_in_dim3A_473 : vector<16x1xi32> to vector<16xi32>
        %gather3A_475 = tpu.dynamic_gather %min3A_458[%gather3A_474] in [0] : vector<16xi32>, vector<16xi32> -> vector<16xi32>
        %min3A_476 = arith.minsi %min3A_458, %gather3A_475 : vector<16xi32>
        %iota3A_477 = tpu.iota {dimensions = array<i32: 0>} : vector<16xi32>
        %add3A_478 = arith.constant 1 : i32
        %add3A_479 = vector.broadcast %add3A_478 : i32 to vector<16xi32>
        %add3A_480 = arith.addi %iota3A_477, %add3A_479 : vector<16xi32>
        %and3A_481 = arith.constant 15 : i32
        %and3A_482 = vector.broadcast %and3A_481 : i32 to vector<16xi32>
        %and3A_483 = arith.andi %add3A_480, %and3A_482 : vector<16xi32>
        %lt3A_484 = arith.constant 0 : i32
        %lt3A_485 = vector.broadcast %lt3A_484 : i32 to vector<16xi32>
        %lt3A_486 = arith.cmpi slt, %and3A_483, %lt3A_485 : vector<16xi32>
        %add3A_487 = arith.constant 16 : i32
        %add3A_488 = vector.broadcast %add3A_487 : i32 to vector<16xi32>
        %add3A_489 = arith.addi %and3A_483, %add3A_488 : vector<16xi32>
        %select_n3A_490 = arith.select %lt3A_486, %add3A_489, %and3A_483 : vector<16xi1>, vector<16xi32>
        %broadcast_in_dim3A_491 = vector.shape_cast %select_n3A_490 : vector<16xi32> to vector<16x1xi32>
        %gather3A_492 = vector.shape_cast %broadcast_in_dim3A_491 : vector<16x1xi32> to vector<16xi32>
        %gather3A_493 = tpu.dynamic_gather %min3A_476[%gather3A_492] in [0] : vector<16xi32>, vector<16xi32> -> vector<16xi32>
        %min3A_494 = arith.minsi %min3A_476, %gather3A_493 : vector<16xi32>
        %slice3A_495 = vector.extract_strided_slice %min3A_494 {offsets = [0], sizes = [1], strides = [1]} : vector<16xi32> to vector<1xi32>
        %squeeze3A_496 = vector.extract %slice3A_495[0] : i32 from vector<1xi32>
        %broadcast_in_dim3A_497 = arith.constant 2147483647 : i32
        %broadcast_in_dim3A_498 = vector.broadcast %broadcast_in_dim3A_497 : i32 to vector<16xi32>
        %scan3A_499 = arith.constant 0 : i32
        %scan3A_500 = arith.constant 16 : i32
        %scan3A_501 = arith.addi %scan3A_499, %scan3A_500 : i32
        %scan3A_502 = arith.constant 1 : i32
        %scan3A_503 = scf.for %scan3A_603 = %scan3A_499 to %scan3A_501 step %scan3A_502 iter_args(%scan3A_604 = %broadcast_in_dim3A_498) -> (vector<16xi32>)  : i32 {
          %mul3A_605 = arith.constant 16 : i32
          %mul3A_606 = arith.muli %scan3A_603, %mul3A_605 : i32
          %get3A_607 = arith.index_cast %mul3A_606 : i32 to index
          %get3A_608 = tpu.vector_load %arg18[%get3A_607] {strides = array<i32>} : memref<256xf32, #tpu.memory_space<vmem>>, vector<16xf32>,
          %get3A_609 = vector.shape_cast %get3A_608 : vector<16xf32> to vector<16xf32>
          %mul3A_610 = arith.constant 16 : i32
          %mul3A_611 = arith.muli %scan3A_603, %mul3A_610 : i32
          %get3A_612 = arith.index_cast %mul3A_611 : i32 to index
          %get3A_613 = tpu.vector_load %arg19[%get3A_612] {strides = array<i32>} : memref<256xi32, #tpu.memory_space<vmem>>, vector<16xi32>,
          %get3A_614 = vector.shape_cast %get3A_613 : vector<16xi32> to vector<16xi32>
          %eq3A_615 = vector.broadcast %squeeze3A_415 : f32 to vector<16xf32>
          %eq3A_616 = arith.cmpf oeq, %get3A_609, %eq3A_615 : vector<16xf32>
          %eq3A_617 = vector.broadcast %squeeze3A_496 : i32 to vector<16xi32>
          %eq3A_618 = arith.cmpi eq, %get3A_614, %eq3A_617 : vector<16xi32>
          %and3A_619 = arith.andi %eq3A_616, %eq3A_618 : vector<16xi1>
          %mul3A_620 = arith.constant 16 : i32
          %mul3A_621 = arith.muli %scan3A_603, %mul3A_620 : i32
          %add3A_622 = vector.broadcast %mul3A_621 : i32 to vector<16xi32>
          %add3A_623 = arith.addi %add3A_622, %iota3A : vector<16xi32>
          %jit3A_624 = arith.constant 2147483647 : i32
          %broadcast_in_dim3A_625 = vector.broadcast %jit3A_624 : i32 to vector<16xi32>
          %select_n3A_626 = arith.select %and3A_619, %add3A_623, %broadcast_in_dim3A_625 : vector<16xi1>, vector<16xi32>
          %min3A_627 = arith.minsi %scan3A_604, %select_n3A_626 : vector<16xi32>
          scf.yield %min3A_627 : vector<16xi32>
        }
        %scan3A_504 = arith.constant 16 : i32
        %iota3A_505 = tpu.iota {dimensions = array<i32: 0>} : vector<16xi32>
        %add3A_506 = arith.constant 8 : i32
        %add3A_507 = vector.broadcast %add3A_506 : i32 to vector<16xi32>
        %add3A_508 = arith.addi %iota3A_505, %add3A_507 : vector<16xi32>
        %and3A_509 = arith.constant 15 : i32
        %and3A_510 = vector.broadcast %and3A_509 : i32 to vector<16xi32>
        %and3A_511 = arith.andi %add3A_508, %and3A_510 : vector<16xi32>
        %lt3A_512 = arith.constant 0 : i32
        %lt3A_513 = vector.broadcast %lt3A_512 : i32 to vector<16xi32>
        %lt3A_514 = arith.cmpi slt, %and3A_511, %lt3A_513 : vector<16xi32>
        %add3A_515 = arith.constant 16 : i32
        %add3A_516 = vector.broadcast %add3A_515 : i32 to vector<16xi32>
        %add3A_517 = arith.addi %and3A_511, %add3A_516 : vector<16xi32>
        %select_n3A_518 = arith.select %lt3A_514, %add3A_517, %and3A_511 : vector<16xi1>, vector<16xi32>
        %broadcast_in_dim3A_519 = vector.shape_cast %select_n3A_518 : vector<16xi32> to vector<16x1xi32>
        %gather3A_520 = vector.shape_cast %broadcast_in_dim3A_519 : vector<16x1xi32> to vector<16xi32>
        %gather3A_521 = tpu.dynamic_gather %scan3A_503[%gather3A_520] in [0] : vector<16xi32>, vector<16xi32> -> vector<16xi32>
        %min3A_522 = arith.minsi %scan3A_503, %gather3A_521 : vector<16xi32>
        %iota3A_523 = tpu.iota {dimensions = array<i32: 0>} : vector<16xi32>
        %add3A_524 = arith.constant 4 : i32
        %add3A_525 = vector.broadcast %add3A_524 : i32 to vector<16xi32>
        %add3A_526 = arith.addi %iota3A_523, %add3A_525 : vector<16xi32>
        %and3A_527 = arith.constant 15 : i32
        %and3A_528 = vector.broadcast %and3A_527 : i32 to vector<16xi32>
        %and3A_529 = arith.andi %add3A_526, %and3A_528 : vector<16xi32>
        %lt3A_530 = arith.constant 0 : i32
        %lt3A_531 = vector.broadcast %lt3A_530 : i32 to vector<16xi32>
        %lt3A_532 = arith.cmpi slt, %and3A_529, %lt3A_531 : vector<16xi32>
        %add3A_533 = arith.constant 16 : i32
        %add3A_534 = vector.broadcast %add3A_533 : i32 to vector<16xi32>
        %add3A_535 = arith.addi %and3A_529, %add3A_534 : vector<16xi32>
        %select_n3A_536 = arith.select %lt3A_532, %add3A_535, %and3A_529 : vector<16xi1>, vector<16xi32>
        %broadcast_in_dim3A_537 = vector.shape_cast %select_n3A_536 : vector<16xi32> to vector<16x1xi32>
        %gather3A_538 = vector.shape_cast %broadcast_in_dim3A_537 : vector<16x1xi32> to vector<16xi32>
        %gather3A_539 = tpu.dynamic_gather %min3A_522[%gather3A_538] in [0] : vector<16xi32>, vector<16xi32> -> vector<16xi32>
        %min3A_540 = arith.minsi %min3A_522, %gather3A_539 : vector<16xi32>
        %iota3A_541 = tpu.iota {dimensions = array<i32: 0>} : vector<16xi32>
        %add3A_542 = arith.constant 2 : i32
        %add3A_543 = vector.broadcast %add3A_542 : i32 to vector<16xi32>
        %add3A_544 = arith.addi %iota3A_541, %add3A_543 : vector<16xi32>
        %and3A_545 = arith.constant 15 : i32
        %and3A_546 = vector.broadcast %and3A_545 : i32 to vector<16xi32>
        %and3A_547 = arith.andi %add3A_544, %and3A_546 : vector<16xi32>
        %lt3A_548 = arith.constant 0 : i32
        %lt3A_549 = vector.broadcast %lt3A_548 : i32 to vector<16xi32>
        %lt3A_550 = arith.cmpi slt, %and3A_547, %lt3A_549 : vector<16xi32>
        %add3A_551 = arith.constant 16 : i32
        %add3A_552 = vector.broadcast %add3A_551 : i32 to vector<16xi32>
        %add3A_553 = arith.addi %and3A_547, %add3A_552 : vector<16xi32>
        %select_n3A_554 = arith.select %lt3A_550, %add3A_553, %and3A_547 : vector<16xi1>, vector<16xi32>
        %broadcast_in_dim3A_555 = vector.shape_cast %select_n3A_554 : vector<16xi32> to vector<16x1xi32>
        %gather3A_556 = vector.shape_cast %broadcast_in_dim3A_555 : vector<16x1xi32> to vector<16xi32>
        %gather3A_557 = tpu.dynamic_gather %min3A_540[%gather3A_556] in [0] : vector<16xi32>, vector<16xi32> -> vector<16xi32>
        %min3A_558 = arith.minsi %min3A_540, %gather3A_557 : vector<16xi32>
        %iota3A_559 = tpu.iota {dimensions = array<i32: 0>} : vector<16xi32>
        %add3A_560 = arith.constant 1 : i32
        %add3A_561 = vector.broadcast %add3A_560 : i32 to vector<16xi32>
        %add3A_562 = arith.addi %iota3A_559, %add3A_561 : vector<16xi32>
        %and3A_563 = arith.constant 15 : i32
        %and3A_564 = vector.broadcast %and3A_563 : i32 to vector<16xi32>
        %and3A_565 = arith.andi %add3A_562, %and3A_564 : vector<16xi32>
        %lt3A_566 = arith.constant 0 : i32
        %lt3A_567 = vector.broadcast %lt3A_566 : i32 to vector<16xi32>
        %lt3A_568 = arith.cmpi slt, %and3A_565, %lt3A_567 : vector<16xi32>
        %add3A_569 = arith.constant 16 : i32
        %add3A_570 = vector.broadcast %add3A_569 : i32 to vector<16xi32>
        %add3A_571 = arith.addi %and3A_565, %add3A_570 : vector<16xi32>
        %select_n3A_572 = arith.select %lt3A_568, %add3A_571, %and3A_565 : vector<16xi1>, vector<16xi32>
        %broadcast_in_dim3A_573 = vector.shape_cast %select_n3A_572 : vector<16xi32> to vector<16x1xi32>
        %gather3A_574 = vector.shape_cast %broadcast_in_dim3A_573 : vector<16x1xi32> to vector<16xi32>
        %gather3A_575 = tpu.dynamic_gather %min3A_558[%gather3A_574] in [0] : vector<16xi32>, vector<16xi32> -> vector<16xi32>
        %min3A_576 = arith.minsi %min3A_558, %gather3A_575 : vector<16xi32>
        %slice3A_577 = vector.extract_strided_slice %min3A_576 {offsets = [0], sizes = [1], strides = [1]} : vector<16xi32> to vector<1xi32>
        %squeeze3A_578 = vector.extract %slice3A_577[0] : i32 from vector<1xi32>
        %and3A_579 = arith.constant -16 : i32
        %and3A_580 = arith.andi %squeeze3A_578, %and3A_579 : i32
        %get3A_581 = arith.index_cast %and3A_580 : i32 to index
        %get3A_582 = tpu.vector_load %arg18[%get3A_581] {strides = array<i32>} : memref<256xf32, #tpu.memory_space<vmem>>, vector<16xf32>,
        %get3A_583 = vector.shape_cast %get3A_582 : vector<16xf32> to vector<16xf32>
        %and3A_584 = arith.constant 15 : i32
        %and3A_585 = arith.andi %squeeze3A_578, %and3A_584 : i32
        %eq3A_586 = vector.broadcast %and3A_585 : i32 to vector<16xi32>
        %eq3A_587 = arith.cmpi eq, %iota3A, %eq3A_586 : vector<16xi32>
        %jit3A_588 = arith.constant -3.000000e+38 : f32
        %broadcast_in_dim3A_589 = vector.broadcast %jit3A_588 : f32 to vector<16xf32>
        %select_n3A_590 = arith.select %eq3A_587, %broadcast_in_dim3A_589, %get3A_583 : vector<16xi1>, vector<16xf32>
        %swap3A_591 = arith.index_cast %and3A_580 : i32 to index
        %swap3A_592 = tpu.vector_load %arg18[%swap3A_591] {strides = array<i32>} : memref<256xf32, #tpu.memory_space<vmem>>, vector<16xf32>,
        %swap3A_593 = vector.shape_cast %swap3A_592 : vector<16xf32> to vector<16xf32>
        %swap3A_594 = vector.shape_cast %select_n3A_590 : vector<16xf32> to vector<16xf32>
        tpu.vector_store %arg18[%swap3A_591], %swap3A_594 {strides = array<i32>} : memref<256xf32, #tpu.memory_space<vmem>>, vector<16xf32>,
        %eq3A_595 = vector.broadcast %scan3A_331 : i32 to vector<16xi32>
        %eq3A_596 = arith.cmpi eq, %iota3A, %eq3A_595 : vector<16xi32>
        %broadcast_in_dim3A_597 = vector.broadcast %squeeze3A_415 : f32 to vector<16xf32>
        %select_n3A_598 = arith.select %eq3A_596, %broadcast_in_dim3A_597, %scan3A_332 : vector<16xi1>, vector<16xf32>
        %eq3A_599 = vector.broadcast %scan3A_331 : i32 to vector<16xi32>
        %eq3A_600 = arith.cmpi eq, %iota3A, %eq3A_599 : vector<16xi32>
        %broadcast_in_dim3A_601 = vector.broadcast %squeeze3A_496 : i32 to vector<16xi32>
        %select_n3A_602 = arith.select %eq3A_600, %broadcast_in_dim3A_601, %scan3A_333 : vector<16xi1>, vector<16xi32>
        scf.yield %select_n3A_598, %select_n3A_602 : vector<16xf32>, vector<16xi32>
      }
      %scan3A_312 = arith.constant 16 : i32
      %swap3A_313 = arith.constant 0 : index
      %swap3A_314 = tpu.vector_load %arg20[%swap3A_313] {strides = array<i32>} : memref<16xf32, #tpu.memory_space<vmem>>, vector<16xf32>,
      %swap3A_315 = vector.shape_cast %swap3A_314 : vector<16xf32> to vector<16xf32>
      %swap3A_316 = vector.shape_cast %scan3A_311#0 : vector<16xf32> to vector<16xf32>
      tpu.vector_store %arg20[%swap3A_313], %swap3A_316 {strides = array<i32>} : memref<16xf32, #tpu.memory_space<vmem>>, vector<16xf32>,
      %shift_right_arithmetic3A_317 = arith.constant 20 : i32
      %shift_right_arithmetic3A_318 = vector.broadcast %shift_right_arithmetic3A_317 : i32 to vector<16xi32>
      %shift_right_arithmetic3A_319 = arith.shrsi %scan3A_311#1, %shift_right_arithmetic3A_318 : vector<16xi32>
      %swap3A_320 = arith.constant 0 : index
      %swap3A_321 = tpu.vector_load %arg21[%swap3A_320] {strides = array<i32>} : memref<16xi32, #tpu.memory_space<vmem>>, vector<16xi32>,
      %swap3A_322 = vector.shape_cast %swap3A_321 : vector<16xi32> to vector<16xi32>
      %swap3A_323 = vector.shape_cast %shift_right_arithmetic3A_319 : vector<16xi32> to vector<16xi32>
      tpu.vector_store %arg21[%swap3A_320], %swap3A_323 {strides = array<i32>} : memref<16xi32, #tpu.memory_space<vmem>>, vector<16xi32>,
      %and3A_324 = arith.constant 1048575 : i32
      %and3A_325 = vector.broadcast %and3A_324 : i32 to vector<16xi32>
      %and3A_326 = arith.andi %scan3A_311#1, %and3A_325 : vector<16xi32>
      %swap3A_327 = arith.constant 0 : index
      %swap3A_328 = tpu.vector_load %arg22[%swap3A_327] {strides = array<i32>} : memref<16xi32, #tpu.memory_space<vmem>>, vector<16xi32>,
      %swap3A_329 = vector.shape_cast %swap3A_328 : vector<16xi32> to vector<16xi32>
      %swap3A_330 = vector.shape_cast %and3A_326 : vector<16xi32> to vector<16xi32>
      tpu.vector_store %arg22[%swap3A_327], %swap3A_330 {strides = array<i32>} : memref<16xi32, #tpu.memory_space<vmem>>, vector<16xi32>,
      "tpu.region"() ({
        %run_scoped3A = tpu.sem_alloc : memref<!tpu.dma_semaphore, #tpu.memory_space<semaphore_mem>>
        tpu.enqueue_dma source(%arg20 : memref<16xf32, #tpu.memory_space<vmem>>) target(%arg6 : memref<16xf32, #tpu.memory_space<hbm>>) target_semaphore(%run_scoped3A : memref<!tpu.dma_semaphore, #tpu.memory_space<semaphore_mem>>)
        tpu.wait_dma2 semaphore(%run_scoped3A : memref<!tpu.dma_semaphore, #tpu.memory_space<semaphore_mem>>) src(%arg20 : memref<16xf32, #tpu.memory_space<vmem>>) dst(%arg6 : memref<16xf32, #tpu.memory_space<hbm>>)
        tpu.yield
      }) : () -> ()
      "tpu.region"() ({
        %run_scoped3A = tpu.sem_alloc : memref<!tpu.dma_semaphore, #tpu.memory_space<semaphore_mem>>
        tpu.enqueue_dma source(%arg21 : memref<16xi32, #tpu.memory_space<vmem>>) target(%arg7 : memref<16xi32, #tpu.memory_space<hbm>>) target_semaphore(%run_scoped3A : memref<!tpu.dma_semaphore, #tpu.memory_space<semaphore_mem>>)
        tpu.wait_dma2 semaphore(%run_scoped3A : memref<!tpu.dma_semaphore, #tpu.memory_space<semaphore_mem>>) src(%arg21 : memref<16xi32, #tpu.memory_space<vmem>>) dst(%arg7 : memref<16xi32, #tpu.memory_space<hbm>>)
        tpu.yield
      }) : () -> ()
      "tpu.region"() ({
        %run_scoped3A = tpu.sem_alloc : memref<!tpu.dma_semaphore, #tpu.memory_space<semaphore_mem>>
        tpu.enqueue_dma source(%arg22 : memref<16xi32, #tpu.memory_space<vmem>>) target(%arg8 : memref<16xi32, #tpu.memory_space<hbm>>) target_semaphore(%run_scoped3A : memref<!tpu.dma_semaphore, #tpu.memory_space<semaphore_mem>>)
        tpu.wait_dma2 semaphore(%run_scoped3A : memref<!tpu.dma_semaphore, #tpu.memory_space<semaphore_mem>>) src(%arg22 : memref<16xi32, #tpu.memory_space<vmem>>) dst(%arg8 : memref<16xi32, #tpu.memory_space<hbm>>)
        tpu.yield
      }) : () -> ()
    } else {
    }
    return
  }
}

module attributes {stable_mosaic.version = 14 : i64} {
  func.func @_prep_body(%arg0: i32, %arg1: memref<128x1x16xf32, #tpu.memory_space<vmem>>, %arg2: memref<128x1x16xf32, #tpu.memory_space<vmem>>, %arg3: memref<16x8192xf32, #tpu.memory_space<vmem>>, %arg4: memref<16x8192xf32, #tpu.memory_space<vmem>>, %arg5: memref<1x16xf32, #tpu.memory_space<vmem>>, %arg6: memref<128x16xf32, #tpu.memory_space<vmem>>, %arg7: memref<1x16xf32, #tpu.memory_space<vmem>>, %arg8: memref<1x16xf32, #tpu.memory_space<vmem>>) attributes {dimension_semantics = [#tpu.dimension_semantics<arbitrary>], iteration_bounds = array<i64: 1>, scalar_prefetch = 0 : i64, scratch_operands = 0 : i64, tpu.core_type = #tpu.core_type<tc>, window_params = [{pipeline_mode = #tpu.pipeline_mode<synchronous>, transform_indices = @transform_0, window_bounds = array<i64: 128, 1, 16>}, {pipeline_mode = #tpu.pipeline_mode<synchronous>, transform_indices = @transform_1, window_bounds = array<i64: 128, 1, 16>}, {transform_indices = @transform_2, window_bounds = array<i64: 16, 8192>}, {transform_indices = @transform_3, window_bounds = array<i64: 16, 8192>}, {pipeline_mode = #tpu.pipeline_mode<synchronous>, transform_indices = @transform_4, window_bounds = array<i64: 1, 16>}, {pipeline_mode = #tpu.pipeline_mode<synchronous>, transform_indices = @transform_5, window_bounds = array<i64: 128, 16>}, {pipeline_mode = #tpu.pipeline_mode<synchronous>, transform_indices = @transform_6, window_bounds = array<i64: 1, 16>}, {pipeline_mode = #tpu.pipeline_mode<synchronous>, transform_indices = @transform_7, window_bounds = array<i64: 1, 16>}]} {
    %get3A = arith.constant 0 : index
    %get3A_0 = arith.constant 0 : index
    %get3A_1 = arith.constant 0 : index
    %get3A_2 = vector.load %arg1[%get3A, %get3A_0, %get3A_1] : memref<128x1x16xf32, #tpu.memory_space<vmem>>, vector<128x1x16xf32>
    %reshape3A = vector.shape_cast %get3A_2 : vector<128x1x16xf32> to vector<128x16xf32>
    %get3A_3 = arith.constant 0 : index
    %get3A_4 = arith.constant 0 : index
    %get3A_5 = arith.constant 0 : index
    %get3A_6 = vector.load %arg2[%get3A_3, %get3A_4, %get3A_5] : memref<128x1x16xf32, #tpu.memory_space<vmem>>, vector<128x1x16xf32>
    %reshape3A_7 = vector.shape_cast %get3A_6 : vector<128x1x16xf32> to vector<128x16xf32>
    %reduce_sum3A = arith.constant dense<0.000000e+00> : vector<16xf32>
    %reduce_sum3A_8 = vector.multi_reduction <add>, %reshape3A_7, %reduce_sum3A [0] : vector<128x16xf32> to vector<16xf32>
    %log3A = math.log %reduce_sum3A_8 : vector<16xf32>
    %get3A_9 = arith.constant 0 : index
    %get3A_10 = arith.constant 0 : index
    %get3A_11 = vector.load %arg3[%get3A_9, %get3A_10] : memref<16x8192xf32, #tpu.memory_space<vmem>>, vector<16x8192xf32>
    %iota3A = tpu.iota {dimensions = array<i32: 1>} : vector<16x8192xi32>
    %lt3A = arith.constant 4 : i32
    %lt3A_12 = vector.broadcast %lt3A : i32 to vector<16x8192xi32>
    %lt3A_13 = arith.cmpi slt, %iota3A, %lt3A_12 : vector<16x8192xi32>
    %jit3A = arith.constant 9.999900e+04 : f32
    %jit3A_14 = arith.constant 0.000000e+00 : f32
    %broadcast_in_dim3A = vector.broadcast %jit3A : f32 to vector<16x8192xf32>
    %broadcast_in_dim3A_15 = vector.broadcast %jit3A_14 : f32 to vector<16x8192xf32>
    %select_n3A = arith.select %lt3A_13, %broadcast_in_dim3A, %broadcast_in_dim3A_15 : vector<16x8192xi1>, vector<16x8192xf32>
    %sub3A = arith.subf %get3A_11, %select_n3A : vector<16x8192xf32>
    %reduce_max3A = arith.constant dense<0xFF800000> : vector<16xf32>
    %reduce_max3A_16 = vector.multi_reduction <maximumf>, %sub3A, %reduce_max3A [1] : vector<16x8192xf32> to vector<16xf32>
    %get3A_17 = arith.constant 0 : index
    %get3A_18 = arith.constant 0 : index
    %get3A_19 = vector.load %arg4[%get3A_17, %get3A_18] : memref<16x8192xf32, #tpu.memory_space<vmem>>, vector<16x8192xf32>
    %add3A = arith.constant 999424 : i32
    %add3A_20 = vector.broadcast %add3A : i32 to vector<16x8192xi32>
    %add3A_21 = arith.addi %iota3A, %add3A_20 : vector<16x8192xi32>
    %le3A = arith.constant 999998 : i32
    %le3A_22 = vector.broadcast %le3A : i32 to vector<16x8192xi32>
    %le3A_23 = arith.cmpi sle, %add3A_21, %le3A_22 : vector<16x8192xi32>
    %jit3A_24 = arith.constant -3.000000e+38 : f32
    %broadcast_in_dim3A_25 = vector.broadcast %jit3A_24 : f32 to vector<16x8192xf32>
    %select_n3A_26 = arith.select %le3A_23, %get3A_19, %broadcast_in_dim3A_25 : vector<16x8192xi1>, vector<16x8192xf32>
    %reduce_max3A_27 = arith.constant dense<0xFF800000> : vector<16xf32>
    %reduce_max3A_28 = vector.multi_reduction <maximumf>, %select_n3A_26, %reduce_max3A_27 [1] : vector<16x8192xf32> to vector<16xf32>
    %iota3A_29 = tpu.iota {dimensions = array<i32: 0>} : vector<128x16xi32>
    %eq3A = arith.constant 0 : i32
    %eq3A_30 = vector.broadcast %eq3A : i32 to vector<128x16xi32>
    %eq3A_31 = arith.cmpi eq, %iota3A_29, %eq3A_30 : vector<128x16xi32>
    %broadcast_in_dim3A_32 = vector.shape_cast %reduce_max3A_16 : vector<16xf32> to vector<1x16xf32>
    %eq3A_33 = arith.constant 122 : i32
    %eq3A_34 = vector.broadcast %eq3A_33 : i32 to vector<128x16xi32>
    %eq3A_35 = arith.cmpi eq, %iota3A_29, %eq3A_34 : vector<128x16xi32>
    %broadcast_in_dim3A_36 = vector.shape_cast %reduce_max3A_28 : vector<16xf32> to vector<1x16xf32>
    %broadcast_in_dim3A_37 = vector.shape_cast %broadcast_in_dim3A_36 : vector<1x16xf32> to vector<1x16xf32>
    %broadcast_in_dim3A_38 = vector.broadcast %broadcast_in_dim3A_37 : vector<1x16xf32> to vector<128x16xf32>
    %select_n3A_39 = arith.select %eq3A_35, %broadcast_in_dim3A_38, %reshape3A : vector<128x16xi1>, vector<128x16xf32>
    %broadcast_in_dim3A_40 = vector.shape_cast %broadcast_in_dim3A_32 : vector<1x16xf32> to vector<1x16xf32>
    %broadcast_in_dim3A_41 = vector.broadcast %broadcast_in_dim3A_40 : vector<1x16xf32> to vector<128x16xf32>
    %select_n3A_42 = arith.select %eq3A_31, %broadcast_in_dim3A_41, %select_n3A_39 : vector<128x16xi1>, vector<128x16xf32>
    %reduce_max3A_43 = arith.constant dense<0xFF800000> : vector<16xf32>
    %reduce_max3A_44 = vector.multi_reduction <maximumf>, %select_n3A_42, %reduce_max3A_43 [0] : vector<128x16xf32> to vector<16xf32>
    %sub3A_45 = arith.constant 1.000000e+01 : f32
    %sub3A_46 = vector.broadcast %sub3A_45 : f32 to vector<16xf32>
    %sub3A_47 = arith.subf %reduce_max3A_44, %sub3A_46 : vector<16xf32>
    %get3A_48 = arith.constant 0 : index
    %get3A_49 = arith.constant 0 : index
    %get3A_50 = vector.load %arg5[%get3A_48, %get3A_49] : memref<1x16xf32, #tpu.memory_space<vmem>>, vector<1x16xf32>
    %get3A_51 = vector.shape_cast %get3A_50 : vector<1x16xf32> to vector<16xf32>
    %sub3A_52 = arith.subf %get3A_51, %log3A : vector<16xf32>
    %broadcast_in_dim3A_53 = vector.shape_cast %sub3A_47 : vector<16xf32> to vector<1x16xf32>
    %gt3A = vector.broadcast %broadcast_in_dim3A_53 : vector<1x16xf32> to vector<128x16xf32>
    %gt3A_54 = arith.cmpf ogt, %select_n3A_42, %gt3A : vector<128x16xf32>
    %broadcast_in_dim3A_55 = vector.shape_cast %sub3A_52 : vector<16xf32> to vector<1x16xf32>
    %add3A_56 = vector.broadcast %broadcast_in_dim3A_55 : vector<1x16xf32> to vector<128x16xf32>
    %add3A_57 = arith.addf %select_n3A_42, %add3A_56 : vector<128x16xf32>
    %jit3A_58 = arith.constant -3.000000e+38 : f32
    %broadcast_in_dim3A_59 = vector.broadcast %jit3A_58 : f32 to vector<128x16xf32>
    %select_n3A_60 = arith.select %gt3A_54, %add3A_57, %broadcast_in_dim3A_59 : vector<128x16xi1>, vector<128x16xf32>
    %swap3A = arith.constant 0 : index
    %swap3A_61 = arith.constant 0 : index
    %swap3A_62 = vector.load %arg6[%swap3A, %swap3A_61] : memref<128x16xf32, #tpu.memory_space<vmem>>, vector<128x16xf32>
    tpu.vector_store %arg6[%swap3A, %swap3A_61], %select_n3A_60 {strides = array<i32>} : memref<128x16xf32, #tpu.memory_space<vmem>>, vector<128x16xf32>,
    %swap3A_63 = arith.constant 0 : index
    %swap3A_64 = arith.constant 0 : index
    %swap3A_65 = vector.load %arg7[%swap3A_63, %swap3A_64] : memref<1x16xf32, #tpu.memory_space<vmem>>, vector<1x16xf32>
    %swap3A_66 = vector.shape_cast %swap3A_65 : vector<1x16xf32> to vector<16xf32>
    %swap3A_67 = vector.shape_cast %sub3A_52 : vector<16xf32> to vector<1x16xf32>
    tpu.vector_store %arg7[%swap3A_63, %swap3A_64], %swap3A_67 {strides = array<i32>} : memref<1x16xf32, #tpu.memory_space<vmem>>, vector<1x16xf32>,
    %swap3A_68 = arith.constant 0 : index
    %swap3A_69 = arith.constant 0 : index
    %swap3A_70 = vector.load %arg8[%swap3A_68, %swap3A_69] : memref<1x16xf32, #tpu.memory_space<vmem>>, vector<1x16xf32>
    %swap3A_71 = vector.shape_cast %swap3A_70 : vector<1x16xf32> to vector<16xf32>
    %swap3A_72 = vector.shape_cast %sub3A_47 : vector<16xf32> to vector<1x16xf32>
    tpu.vector_store %arg8[%swap3A_68, %swap3A_69], %swap3A_72 {strides = array<i32>} : memref<1x16xf32, #tpu.memory_space<vmem>>, vector<1x16xf32>,
    return
  }
  func.func @transform_0(%arg0: i32) -> (i32, i32, i32) {
    %c0_i32 = arith.constant 0 : i32
    %c0_i32_0 = arith.constant 0 : i32
    %c0_i32_1 = arith.constant 0 : i32
    %c0_i32_2 = arith.constant 0 : i32
    return %c0_i32, %c0_i32_0, %c0_i32_1 : i32, i32, i32
  }
  func.func @transform_1(%arg0: i32) -> (i32, i32, i32) {
    %c0_i32 = arith.constant 0 : i32
    %c0_i32_0 = arith.constant 0 : i32
    %c0_i32_1 = arith.constant 0 : i32
    %c0_i32_2 = arith.constant 0 : i32
    return %c0_i32, %c0_i32_0, %c0_i32_1 : i32, i32, i32
  }
  func.func @transform_2(%arg0: i32) -> (i32, i32) {
    %c0_i32 = arith.constant 0 : i32
    %c0_i32_0 = arith.constant 0 : i32
    %c0_i32_1 = arith.constant 0 : i32
    return %c0_i32, %c0_i32_0 : i32, i32
  }
  func.func @transform_3(%arg0: i32) -> (i32, i32) {
    %c0_i32 = arith.constant 0 : i32
    %c122_i32 = arith.constant 122 : i32
    %c0_i32_0 = arith.constant 0 : i32
    return %c0_i32, %c122_i32 : i32, i32
  }
  func.func @transform_4(%arg0: i32) -> (i32, i32) {
    %c0_i32 = arith.constant 0 : i32
    %c0_i32_0 = arith.constant 0 : i32
    %c0_i32_1 = arith.constant 0 : i32
    return %c0_i32, %c0_i32_0 : i32, i32
  }
  func.func @transform_5(%arg0: i32) -> (i32, i32) {
    %c0_i32 = arith.constant 0 : i32
    %c0_i32_0 = arith.constant 0 : i32
    %c0_i32_1 = arith.constant 0 : i32
    return %c0_i32, %c0_i32_0 : i32, i32
  }
  func.func @transform_6(%arg0: i32) -> (i32, i32) {
    %c0_i32 = arith.constant 0 : i32
    %c0_i32_0 = arith.constant 0 : i32
    %c0_i32_1 = arith.constant 0 : i32
    return %c0_i32, %c0_i32_0 : i32, i32
  }
  func.func @transform_7(%arg0: i32) -> (i32, i32) {
    %c0_i32 = arith.constant 0 : i32
    %c0_i32_0 = arith.constant 0 : i32
    %c0_i32_1 = arith.constant 0 : i32
    return %c0_i32, %c0_i32_0 : i32, i32
  }
}

module attributes {stable_mosaic.version = 14 : i64} {
  func.func @_scan_body(%arg0: i32, %arg1: memref<16x65536xf32, #tpu.memory_space<vmem>>, %arg2: memref<8x1x16xf32, #tpu.memory_space<vmem>>, %arg3: memref<8x1x16xf32, #tpu.memory_space<vmem>>) attributes {dimension_semantics = [#tpu.dimension_semantics<arbitrary>], iteration_bounds = array<i64: 16>, scalar_prefetch = 0 : i64, scratch_operands = 0 : i64, tpu.core_type = #tpu.core_type<tc>, window_params = [{transform_indices = @transform_0, window_bounds = array<i64: 16, 65536>}, {transform_indices = @transform_1, window_bounds = array<i64: 8, 1, 16>}, {transform_indices = @transform_2, window_bounds = array<i64: 8, 1, 16>}]} {
    %lt3A = arith.constant 15 : i32
    %lt3A_0 = arith.cmpi slt, %arg0, %lt3A : i32
    %convert_element_type3A = arith.extui %lt3A_0 : i1 to i32
    %cond3A = arith.constant 0 : i32
    %cond3A_1 = arith.cmpi ne, %convert_element_type3A, %cond3A : i32
    scf.if %cond3A_1 {
      %get3A = arith.constant 0 : index
      %get3A_6 = arith.constant 0 : index
      %get3A_7 = vector.load %arg1[%get3A, %get3A_6] : memref<16x65536xf32, #tpu.memory_space<vmem>>, vector<16x8192xf32>
      %reduce_max3A = arith.constant dense<0xFF800000> : vector<16xf32>
      %reduce_max3A_8 = vector.multi_reduction <maximumf>, %get3A_7, %reduce_max3A [1] : vector<16x8192xf32> to vector<16xf32>
      %swap3A = arith.constant 0 : index
      %swap3A_9 = arith.constant 0 : index
      %swap3A_10 = arith.constant 0 : index
      %swap3A_11 = vector.load %arg2[%swap3A, %swap3A_9, %swap3A_10] : memref<8x1x16xf32, #tpu.memory_space<vmem>>, vector<1x1x16xf32>
      %swap3A_12 = vector.shape_cast %swap3A_11 : vector<1x1x16xf32> to vector<16xf32>
      %swap3A_13 = vector.shape_cast %reduce_max3A_8 : vector<16xf32> to vector<1x1x16xf32>
      tpu.vector_store %arg2[%swap3A, %swap3A_9, %swap3A_10], %swap3A_13 {strides = array<i32>} : memref<8x1x16xf32, #tpu.memory_space<vmem>>, vector<1x1x16xf32>,
      %exp3A = math.exp %get3A_7 : vector<16x8192xf32>
      %reduce_sum3A = arith.constant dense<0.000000e+00> : vector<16xf32>
      %reduce_sum3A_14 = vector.multi_reduction <add>, %exp3A, %reduce_sum3A [1] : vector<16x8192xf32> to vector<16xf32>
      %swap3A_15 = arith.constant 0 : index
      %swap3A_16 = arith.constant 0 : index
      %swap3A_17 = arith.constant 0 : index
      %swap3A_18 = vector.load %arg3[%swap3A_15, %swap3A_16, %swap3A_17] : memref<8x1x16xf32, #tpu.memory_space<vmem>>, vector<1x1x16xf32>
      %swap3A_19 = vector.shape_cast %swap3A_18 : vector<1x1x16xf32> to vector<16xf32>
      %swap3A_20 = vector.shape_cast %reduce_sum3A_14 : vector<16xf32> to vector<1x1x16xf32>
      tpu.vector_store %arg3[%swap3A_15, %swap3A_16, %swap3A_17], %swap3A_20 {strides = array<i32>} : memref<8x1x16xf32, #tpu.memory_space<vmem>>, vector<1x1x16xf32>,
      %get3A_21 = arith.constant 0 : index
      %get3A_22 = arith.constant 8192 : index
      %get3A_23 = vector.load %arg1[%get3A_21, %get3A_22] : memref<16x65536xf32, #tpu.memory_space<vmem>>, vector<16x8192xf32>
      %reduce_max3A_24 = arith.constant dense<0xFF800000> : vector<16xf32>
      %reduce_max3A_25 = vector.multi_reduction <maximumf>, %get3A_23, %reduce_max3A_24 [1] : vector<16x8192xf32> to vector<16xf32>
      %swap3A_26 = arith.constant 1 : index
      %swap3A_27 = arith.constant 0 : index
      %swap3A_28 = arith.constant 0 : index
      %swap3A_29 = vector.load %arg2[%swap3A_26, %swap3A_27, %swap3A_28] : memref<8x1x16xf32, #tpu.memory_space<vmem>>, vector<1x1x16xf32>
      %swap3A_30 = vector.shape_cast %swap3A_29 : vector<1x1x16xf32> to vector<16xf32>
      %swap3A_31 = vector.shape_cast %reduce_max3A_25 : vector<16xf32> to vector<1x1x16xf32>
      tpu.vector_store %arg2[%swap3A_26, %swap3A_27, %swap3A_28], %swap3A_31 {strides = array<i32>} : memref<8x1x16xf32, #tpu.memory_space<vmem>>, vector<1x1x16xf32>,
      %exp3A_32 = math.exp %get3A_23 : vector<16x8192xf32>
      %reduce_sum3A_33 = arith.constant dense<0.000000e+00> : vector<16xf32>
      %reduce_sum3A_34 = vector.multi_reduction <add>, %exp3A_32, %reduce_sum3A_33 [1] : vector<16x8192xf32> to vector<16xf32>
      %swap3A_35 = arith.constant 1 : index
      %swap3A_36 = arith.constant 0 : index
      %swap3A_37 = arith.constant 0 : index
      %swap3A_38 = vector.load %arg3[%swap3A_35, %swap3A_36, %swap3A_37] : memref<8x1x16xf32, #tpu.memory_space<vmem>>, vector<1x1x16xf32>
      %swap3A_39 = vector.shape_cast %swap3A_38 : vector<1x1x16xf32> to vector<16xf32>
      %swap3A_40 = vector.shape_cast %reduce_sum3A_34 : vector<16xf32> to vector<1x1x16xf32>
      tpu.vector_store %arg3[%swap3A_35, %swap3A_36, %swap3A_37], %swap3A_40 {strides = array<i32>} : memref<8x1x16xf32, #tpu.memory_space<vmem>>, vector<1x1x16xf32>,
      %get3A_41 = arith.constant 0 : index
      %get3A_42 = arith.constant 16384 : index
      %get3A_43 = vector.load %arg1[%get3A_41, %get3A_42] : memref<16x65536xf32, #tpu.memory_space<vmem>>, vector<16x8192xf32>
      %reduce_max3A_44 = arith.constant dense<0xFF800000> : vector<16xf32>
      %reduce_max3A_45 = vector.multi_reduction <maximumf>, %get3A_43, %reduce_max3A_44 [1] : vector<16x8192xf32> to vector<16xf32>
      %swap3A_46 = arith.constant 2 : index
      %swap3A_47 = arith.constant 0 : index
      %swap3A_48 = arith.constant 0 : index
      %swap3A_49 = vector.load %arg2[%swap3A_46, %swap3A_47, %swap3A_48] : memref<8x1x16xf32, #tpu.memory_space<vmem>>, vector<1x1x16xf32>
      %swap3A_50 = vector.shape_cast %swap3A_49 : vector<1x1x16xf32> to vector<16xf32>
      %swap3A_51 = vector.shape_cast %reduce_max3A_45 : vector<16xf32> to vector<1x1x16xf32>
      tpu.vector_store %arg2[%swap3A_46, %swap3A_47, %swap3A_48], %swap3A_51 {strides = array<i32>} : memref<8x1x16xf32, #tpu.memory_space<vmem>>, vector<1x1x16xf32>,
      %exp3A_52 = math.exp %get3A_43 : vector<16x8192xf32>
      %reduce_sum3A_53 = arith.constant dense<0.000000e+00> : vector<16xf32>
      %reduce_sum3A_54 = vector.multi_reduction <add>, %exp3A_52, %reduce_sum3A_53 [1] : vector<16x8192xf32> to vector<16xf32>
      %swap3A_55 = arith.constant 2 : index
      %swap3A_56 = arith.constant 0 : index
      %swap3A_57 = arith.constant 0 : index
      %swap3A_58 = vector.load %arg3[%swap3A_55, %swap3A_56, %swap3A_57] : memref<8x1x16xf32, #tpu.memory_space<vmem>>, vector<1x1x16xf32>
      %swap3A_59 = vector.shape_cast %swap3A_58 : vector<1x1x16xf32> to vector<16xf32>
      %swap3A_60 = vector.shape_cast %reduce_sum3A_54 : vector<16xf32> to vector<1x1x16xf32>
      tpu.vector_store %arg3[%swap3A_55, %swap3A_56, %swap3A_57], %swap3A_60 {strides = array<i32>} : memref<8x1x16xf32, #tpu.memory_space<vmem>>, vector<1x1x16xf32>,
      %get3A_61 = arith.constant 0 : index
      %get3A_62 = arith.constant 24576 : index
      %get3A_63 = vector.load %arg1[%get3A_61, %get3A_62] : memref<16x65536xf32, #tpu.memory_space<vmem>>, vector<16x8192xf32>
      %reduce_max3A_64 = arith.constant dense<0xFF800000> : vector<16xf32>
      %reduce_max3A_65 = vector.multi_reduction <maximumf>, %get3A_63, %reduce_max3A_64 [1] : vector<16x8192xf32> to vector<16xf32>
      %swap3A_66 = arith.constant 3 : index
      %swap3A_67 = arith.constant 0 : index
      %swap3A_68 = arith.constant 0 : index
      %swap3A_69 = vector.load %arg2[%swap3A_66, %swap3A_67, %swap3A_68] : memref<8x1x16xf32, #tpu.memory_space<vmem>>, vector<1x1x16xf32>
      %swap3A_70 = vector.shape_cast %swap3A_69 : vector<1x1x16xf32> to vector<16xf32>
      %swap3A_71 = vector.shape_cast %reduce_max3A_65 : vector<16xf32> to vector<1x1x16xf32>
      tpu.vector_store %arg2[%swap3A_66, %swap3A_67, %swap3A_68], %swap3A_71 {strides = array<i32>} : memref<8x1x16xf32, #tpu.memory_space<vmem>>, vector<1x1x16xf32>,
      %exp3A_72 = math.exp %get3A_63 : vector<16x8192xf32>
      %reduce_sum3A_73 = arith.constant dense<0.000000e+00> : vector<16xf32>
      %reduce_sum3A_74 = vector.multi_reduction <add>, %exp3A_72, %reduce_sum3A_73 [1] : vector<16x8192xf32> to vector<16xf32>
      %swap3A_75 = arith.constant 3 : index
      %swap3A_76 = arith.constant 0 : index
      %swap3A_77 = arith.constant 0 : index
      %swap3A_78 = vector.load %arg3[%swap3A_75, %swap3A_76, %swap3A_77] : memref<8x1x16xf32, #tpu.memory_space<vmem>>, vector<1x1x16xf32>
      %swap3A_79 = vector.shape_cast %swap3A_78 : vector<1x1x16xf32> to vector<16xf32>
      %swap3A_80 = vector.shape_cast %reduce_sum3A_74 : vector<16xf32> to vector<1x1x16xf32>
      tpu.vector_store %arg3[%swap3A_75, %swap3A_76, %swap3A_77], %swap3A_80 {strides = array<i32>} : memref<8x1x16xf32, #tpu.memory_space<vmem>>, vector<1x1x16xf32>,
      %get3A_81 = arith.constant 0 : index
      %get3A_82 = arith.constant 32768 : index
      %get3A_83 = vector.load %arg1[%get3A_81, %get3A_82] : memref<16x65536xf32, #tpu.memory_space<vmem>>, vector<16x8192xf32>
      %reduce_max3A_84 = arith.constant dense<0xFF800000> : vector<16xf32>
      %reduce_max3A_85 = vector.multi_reduction <maximumf>, %get3A_83, %reduce_max3A_84 [1] : vector<16x8192xf32> to vector<16xf32>
      %swap3A_86 = arith.constant 4 : index
      %swap3A_87 = arith.constant 0 : index
      %swap3A_88 = arith.constant 0 : index
      %swap3A_89 = vector.load %arg2[%swap3A_86, %swap3A_87, %swap3A_88] : memref<8x1x16xf32, #tpu.memory_space<vmem>>, vector<1x1x16xf32>
      %swap3A_90 = vector.shape_cast %swap3A_89 : vector<1x1x16xf32> to vector<16xf32>
      %swap3A_91 = vector.shape_cast %reduce_max3A_85 : vector<16xf32> to vector<1x1x16xf32>
      tpu.vector_store %arg2[%swap3A_86, %swap3A_87, %swap3A_88], %swap3A_91 {strides = array<i32>} : memref<8x1x16xf32, #tpu.memory_space<vmem>>, vector<1x1x16xf32>,
      %exp3A_92 = math.exp %get3A_83 : vector<16x8192xf32>
      %reduce_sum3A_93 = arith.constant dense<0.000000e+00> : vector<16xf32>
      %reduce_sum3A_94 = vector.multi_reduction <add>, %exp3A_92, %reduce_sum3A_93 [1] : vector<16x8192xf32> to vector<16xf32>
      %swap3A_95 = arith.constant 4 : index
      %swap3A_96 = arith.constant 0 : index
      %swap3A_97 = arith.constant 0 : index
      %swap3A_98 = vector.load %arg3[%swap3A_95, %swap3A_96, %swap3A_97] : memref<8x1x16xf32, #tpu.memory_space<vmem>>, vector<1x1x16xf32>
      %swap3A_99 = vector.shape_cast %swap3A_98 : vector<1x1x16xf32> to vector<16xf32>
      %swap3A_100 = vector.shape_cast %reduce_sum3A_94 : vector<16xf32> to vector<1x1x16xf32>
      tpu.vector_store %arg3[%swap3A_95, %swap3A_96, %swap3A_97], %swap3A_100 {strides = array<i32>} : memref<8x1x16xf32, #tpu.memory_space<vmem>>, vector<1x1x16xf32>,
      %get3A_101 = arith.constant 0 : index
      %get3A_102 = arith.constant 40960 : index
      %get3A_103 = vector.load %arg1[%get3A_101, %get3A_102] : memref<16x65536xf32, #tpu.memory_space<vmem>>, vector<16x8192xf32>
      %reduce_max3A_104 = arith.constant dense<0xFF800000> : vector<16xf32>
      %reduce_max3A_105 = vector.multi_reduction <maximumf>, %get3A_103, %reduce_max3A_104 [1] : vector<16x8192xf32> to vector<16xf32>
      %swap3A_106 = arith.constant 5 : index
      %swap3A_107 = arith.constant 0 : index
      %swap3A_108 = arith.constant 0 : index
      %swap3A_109 = vector.load %arg2[%swap3A_106, %swap3A_107, %swap3A_108] : memref<8x1x16xf32, #tpu.memory_space<vmem>>, vector<1x1x16xf32>
      %swap3A_110 = vector.shape_cast %swap3A_109 : vector<1x1x16xf32> to vector<16xf32>
      %swap3A_111 = vector.shape_cast %reduce_max3A_105 : vector<16xf32> to vector<1x1x16xf32>
      tpu.vector_store %arg2[%swap3A_106, %swap3A_107, %swap3A_108], %swap3A_111 {strides = array<i32>} : memref<8x1x16xf32, #tpu.memory_space<vmem>>, vector<1x1x16xf32>,
      %exp3A_112 = math.exp %get3A_103 : vector<16x8192xf32>
      %reduce_sum3A_113 = arith.constant dense<0.000000e+00> : vector<16xf32>
      %reduce_sum3A_114 = vector.multi_reduction <add>, %exp3A_112, %reduce_sum3A_113 [1] : vector<16x8192xf32> to vector<16xf32>
      %swap3A_115 = arith.constant 5 : index
      %swap3A_116 = arith.constant 0 : index
      %swap3A_117 = arith.constant 0 : index
      %swap3A_118 = vector.load %arg3[%swap3A_115, %swap3A_116, %swap3A_117] : memref<8x1x16xf32, #tpu.memory_space<vmem>>, vector<1x1x16xf32>
      %swap3A_119 = vector.shape_cast %swap3A_118 : vector<1x1x16xf32> to vector<16xf32>
      %swap3A_120 = vector.shape_cast %reduce_sum3A_114 : vector<16xf32> to vector<1x1x16xf32>
      tpu.vector_store %arg3[%swap3A_115, %swap3A_116, %swap3A_117], %swap3A_120 {strides = array<i32>} : memref<8x1x16xf32, #tpu.memory_space<vmem>>, vector<1x1x16xf32>,
      %get3A_121 = arith.constant 0 : index
      %get3A_122 = arith.constant 49152 : index
      %get3A_123 = vector.load %arg1[%get3A_121, %get3A_122] : memref<16x65536xf32, #tpu.memory_space<vmem>>, vector<16x8192xf32>
      %reduce_max3A_124 = arith.constant dense<0xFF800000> : vector<16xf32>
      %reduce_max3A_125 = vector.multi_reduction <maximumf>, %get3A_123, %reduce_max3A_124 [1] : vector<16x8192xf32> to vector<16xf32>
      %swap3A_126 = arith.constant 6 : index
      %swap3A_127 = arith.constant 0 : index
      %swap3A_128 = arith.constant 0 : index
      %swap3A_129 = vector.load %arg2[%swap3A_126, %swap3A_127, %swap3A_128] : memref<8x1x16xf32, #tpu.memory_space<vmem>>, vector<1x1x16xf32>
      %swap3A_130 = vector.shape_cast %swap3A_129 : vector<1x1x16xf32> to vector<16xf32>
      %swap3A_131 = vector.shape_cast %reduce_max3A_125 : vector<16xf32> to vector<1x1x16xf32>
      tpu.vector_store %arg2[%swap3A_126, %swap3A_127, %swap3A_128], %swap3A_131 {strides = array<i32>} : memref<8x1x16xf32, #tpu.memory_space<vmem>>, vector<1x1x16xf32>,
      %exp3A_132 = math.exp %get3A_123 : vector<16x8192xf32>
      %reduce_sum3A_133 = arith.constant dense<0.000000e+00> : vector<16xf32>
      %reduce_sum3A_134 = vector.multi_reduction <add>, %exp3A_132, %reduce_sum3A_133 [1] : vector<16x8192xf32> to vector<16xf32>
      %swap3A_135 = arith.constant 6 : index
      %swap3A_136 = arith.constant 0 : index
      %swap3A_137 = arith.constant 0 : index
      %swap3A_138 = vector.load %arg3[%swap3A_135, %swap3A_136, %swap3A_137] : memref<8x1x16xf32, #tpu.memory_space<vmem>>, vector<1x1x16xf32>
      %swap3A_139 = vector.shape_cast %swap3A_138 : vector<1x1x16xf32> to vector<16xf32>
      %swap3A_140 = vector.shape_cast %reduce_sum3A_134 : vector<16xf32> to vector<1x1x16xf32>
      tpu.vector_store %arg3[%swap3A_135, %swap3A_136, %swap3A_137], %swap3A_140 {strides = array<i32>} : memref<8x1x16xf32, #tpu.memory_space<vmem>>, vector<1x1x16xf32>,
      %get3A_141 = arith.constant 0 : index
      %get3A_142 = arith.constant 57344 : index
      %get3A_143 = vector.load %arg1[%get3A_141, %get3A_142] : memref<16x65536xf32, #tpu.memory_space<vmem>>, vector<16x8192xf32>
      %reduce_max3A_144 = arith.constant dense<0xFF800000> : vector<16xf32>
      %reduce_max3A_145 = vector.multi_reduction <maximumf>, %get3A_143, %reduce_max3A_144 [1] : vector<16x8192xf32> to vector<16xf32>
      %swap3A_146 = arith.constant 7 : index
      %swap3A_147 = arith.constant 0 : index
      %swap3A_148 = arith.constant 0 : index
      %swap3A_149 = vector.load %arg2[%swap3A_146, %swap3A_147, %swap3A_148] : memref<8x1x16xf32, #tpu.memory_space<vmem>>, vector<1x1x16xf32>
      %swap3A_150 = vector.shape_cast %swap3A_149 : vector<1x1x16xf32> to vector<16xf32>
      %swap3A_151 = vector.shape_cast %reduce_max3A_145 : vector<16xf32> to vector<1x1x16xf32>
      tpu.vector_store %arg2[%swap3A_146, %swap3A_147, %swap3A_148], %swap3A_151 {strides = array<i32>} : memref<8x1x16xf32, #tpu.memory_space<vmem>>, vector<1x1x16xf32>,
      %exp3A_152 = math.exp %get3A_143 : vector<16x8192xf32>
      %reduce_sum3A_153 = arith.constant dense<0.000000e+00> : vector<16xf32>
      %reduce_sum3A_154 = vector.multi_reduction <add>, %exp3A_152, %reduce_sum3A_153 [1] : vector<16x8192xf32> to vector<16xf32>
      %swap3A_155 = arith.constant 7 : index
      %swap3A_156 = arith.constant 0 : index
      %swap3A_157 = arith.constant 0 : index
      %swap3A_158 = vector.load %arg3[%swap3A_155, %swap3A_156, %swap3A_157] : memref<8x1x16xf32, #tpu.memory_space<vmem>>, vector<1x1x16xf32>
      %swap3A_159 = vector.shape_cast %swap3A_158 : vector<1x1x16xf32> to vector<16xf32>
      %swap3A_160 = vector.shape_cast %reduce_sum3A_154 : vector<16xf32> to vector<1x1x16xf32>
      tpu.vector_store %arg3[%swap3A_155, %swap3A_156, %swap3A_157], %swap3A_160 {strides = array<i32>} : memref<8x1x16xf32, #tpu.memory_space<vmem>>, vector<1x1x16xf32>,
    } else {
    }
    %eq3A = arith.constant 15 : i32
    %eq3A_2 = arith.cmpi eq, %arg0, %eq3A : i32
    %convert_element_type3A_3 = arith.extui %eq3A_2 : i1 to i32
    %cond3A_4 = arith.constant 0 : i32
    %cond3A_5 = arith.cmpi ne, %convert_element_type3A_3, %cond3A_4 : i32
    scf.if %cond3A_5 {
      %get3A = arith.constant 0 : index
      %get3A_6 = arith.constant 0 : index
      %get3A_7 = vector.load %arg1[%get3A, %get3A_6] : memref<16x65536xf32, #tpu.memory_space<vmem>>, vector<16x8192xf32>
      %iota3A = tpu.iota {dimensions = array<i32: 1>} : vector<16x8192xi32>
      %mul3A = arith.constant 65536 : i32
      %mul3A_8 = arith.muli %arg0, %mul3A : i32
      %add3A = vector.broadcast %mul3A_8 : i32 to vector<16x8192xi32>
      %add3A_9 = arith.addi %iota3A, %add3A : vector<16x8192xi32>
      %add3A_10 = arith.constant 0 : i32
      %add3A_11 = vector.broadcast %add3A_10 : i32 to vector<16x8192xi32>
      %add3A_12 = arith.addi %add3A_9, %add3A_11 : vector<16x8192xi32>
      %lt3A_13 = arith.constant 1000000 : i32
      %lt3A_14 = vector.broadcast %lt3A_13 : i32 to vector<16x8192xi32>
      %lt3A_15 = arith.cmpi slt, %add3A_12, %lt3A_14 : vector<16x8192xi32>
      %jit3A = arith.constant -3.000000e+38 : f32
      %broadcast_in_dim3A = vector.broadcast %jit3A : f32 to vector<16x8192xf32>
      %select_n3A = arith.select %lt3A_15, %get3A_7, %broadcast_in_dim3A : vector<16x8192xi1>, vector<16x8192xf32>
      %reduce_max3A = arith.constant dense<0xFF800000> : vector<16xf32>
      %reduce_max3A_16 = vector.multi_reduction <maximumf>, %select_n3A, %reduce_max3A [1] : vector<16x8192xf32> to vector<16xf32>
      %swap3A = arith.constant 0 : index
      %swap3A_17 = arith.constant 0 : index
      %swap3A_18 = arith.constant 0 : index
      %swap3A_19 = vector.load %arg2[%swap3A, %swap3A_17, %swap3A_18] : memref<8x1x16xf32, #tpu.memory_space<vmem>>, vector<1x1x16xf32>
      %swap3A_20 = vector.shape_cast %swap3A_19 : vector<1x1x16xf32> to vector<16xf32>
      %swap3A_21 = vector.shape_cast %reduce_max3A_16 : vector<16xf32> to vector<1x1x16xf32>
      tpu.vector_store %arg2[%swap3A, %swap3A_17, %swap3A_18], %swap3A_21 {strides = array<i32>} : memref<8x1x16xf32, #tpu.memory_space<vmem>>, vector<1x1x16xf32>,
      %exp3A = math.exp %get3A_7 : vector<16x8192xf32>
      %jit3A_22 = arith.constant 0.000000e+00 : f32
      %broadcast_in_dim3A_23 = vector.broadcast %jit3A_22 : f32 to vector<16x8192xf32>
      %select_n3A_24 = arith.select %lt3A_15, %exp3A, %broadcast_in_dim3A_23 : vector<16x8192xi1>, vector<16x8192xf32>
      %reduce_sum3A = arith.constant dense<0.000000e+00> : vector<16xf32>
      %reduce_sum3A_25 = vector.multi_reduction <add>, %select_n3A_24, %reduce_sum3A [1] : vector<16x8192xf32> to vector<16xf32>
      %swap3A_26 = arith.constant 0 : index
      %swap3A_27 = arith.constant 0 : index
      %swap3A_28 = arith.constant 0 : index
      %swap3A_29 = vector.load %arg3[%swap3A_26, %swap3A_27, %swap3A_28] : memref<8x1x16xf32, #tpu.memory_space<vmem>>, vector<1x1x16xf32>
      %swap3A_30 = vector.shape_cast %swap3A_29 : vector<1x1x16xf32> to vector<16xf32>
      %swap3A_31 = vector.shape_cast %reduce_sum3A_25 : vector<16xf32> to vector<1x1x16xf32>
      tpu.vector_store %arg3[%swap3A_26, %swap3A_27, %swap3A_28], %swap3A_31 {strides = array<i32>} : memref<8x1x16xf32, #tpu.memory_space<vmem>>, vector<1x1x16xf32>,
      %get3A_32 = arith.constant 0 : index
      %get3A_33 = arith.constant 8192 : index
      %get3A_34 = vector.load %arg1[%get3A_32, %get3A_33] : memref<16x65536xf32, #tpu.memory_space<vmem>>, vector<16x8192xf32>
      %iota3A_35 = tpu.iota {dimensions = array<i32: 1>} : vector<16x8192xi32>
      %mul3A_36 = arith.constant 65536 : i32
      %mul3A_37 = arith.muli %arg0, %mul3A_36 : i32
      %add3A_38 = vector.broadcast %mul3A_37 : i32 to vector<16x8192xi32>
      %add3A_39 = arith.addi %iota3A_35, %add3A_38 : vector<16x8192xi32>
      %add3A_40 = arith.constant 8192 : i32
      %add3A_41 = vector.broadcast %add3A_40 : i32 to vector<16x8192xi32>
      %add3A_42 = arith.addi %add3A_39, %add3A_41 : vector<16x8192xi32>
      %lt3A_43 = arith.constant 1000000 : i32
      %lt3A_44 = vector.broadcast %lt3A_43 : i32 to vector<16x8192xi32>
      %lt3A_45 = arith.cmpi slt, %add3A_42, %lt3A_44 : vector<16x8192xi32>
      %jit3A_46 = arith.constant -3.000000e+38 : f32
      %broadcast_in_dim3A_47 = vector.broadcast %jit3A_46 : f32 to vector<16x8192xf32>
      %select_n3A_48 = arith.select %lt3A_45, %get3A_34, %broadcast_in_dim3A_47 : vector<16x8192xi1>, vector<16x8192xf32>
      %reduce_max3A_49 = arith.constant dense<0xFF800000> : vector<16xf32>
      %reduce_max3A_50 = vector.multi_reduction <maximumf>, %select_n3A_48, %reduce_max3A_49 [1] : vector<16x8192xf32> to vector<16xf32>
      %swap3A_51 = arith.constant 1 : index
      %swap3A_52 = arith.constant 0 : index
      %swap3A_53 = arith.constant 0 : index
      %swap3A_54 = vector.load %arg2[%swap3A_51, %swap3A_52, %swap3A_53] : memref<8x1x16xf32, #tpu.memory_space<vmem>>, vector<1x1x16xf32>
      %swap3A_55 = vector.shape_cast %swap3A_54 : vector<1x1x16xf32> to vector<16xf32>
      %swap3A_56 = vector.shape_cast %reduce_max3A_50 : vector<16xf32> to vector<1x1x16xf32>
      tpu.vector_store %arg2[%swap3A_51, %swap3A_52, %swap3A_53], %swap3A_56 {strides = array<i32>} : memref<8x1x16xf32, #tpu.memory_space<vmem>>, vector<1x1x16xf32>,
      %exp3A_57 = math.exp %get3A_34 : vector<16x8192xf32>
      %jit3A_58 = arith.constant 0.000000e+00 : f32
      %broadcast_in_dim3A_59 = vector.broadcast %jit3A_58 : f32 to vector<16x8192xf32>
      %select_n3A_60 = arith.select %lt3A_45, %exp3A_57, %broadcast_in_dim3A_59 : vector<16x8192xi1>, vector<16x8192xf32>
      %reduce_sum3A_61 = arith.constant dense<0.000000e+00> : vector<16xf32>
      %reduce_sum3A_62 = vector.multi_reduction <add>, %select_n3A_60, %reduce_sum3A_61 [1] : vector<16x8192xf32> to vector<16xf32>
      %swap3A_63 = arith.constant 1 : index
      %swap3A_64 = arith.constant 0 : index
      %swap3A_65 = arith.constant 0 : index
      %swap3A_66 = vector.load %arg3[%swap3A_63, %swap3A_64, %swap3A_65] : memref<8x1x16xf32, #tpu.memory_space<vmem>>, vector<1x1x16xf32>
      %swap3A_67 = vector.shape_cast %swap3A_66 : vector<1x1x16xf32> to vector<16xf32>
      %swap3A_68 = vector.shape_cast %reduce_sum3A_62 : vector<16xf32> to vector<1x1x16xf32>
      tpu.vector_store %arg3[%swap3A_63, %swap3A_64, %swap3A_65], %swap3A_68 {strides = array<i32>} : memref<8x1x16xf32, #tpu.memory_space<vmem>>, vector<1x1x16xf32>,
      %get3A_69 = arith.constant 0 : index
      %get3A_70 = arith.constant 16384 : index
      %get3A_71 = vector.load %arg1[%get3A_69, %get3A_70] : memref<16x65536xf32, #tpu.memory_space<vmem>>, vector<16x8192xf32>
      %iota3A_72 = tpu.iota {dimensions = array<i32: 1>} : vector<16x8192xi32>
      %mul3A_73 = arith.constant 65536 : i32
      %mul3A_74 = arith.muli %arg0, %mul3A_73 : i32
      %add3A_75 = vector.broadcast %mul3A_74 : i32 to vector<16x8192xi32>
      %add3A_76 = arith.addi %iota3A_72, %add3A_75 : vector<16x8192xi32>
      %add3A_77 = arith.constant 16384 : i32
      %add3A_78 = vector.broadcast %add3A_77 : i32 to vector<16x8192xi32>
      %add3A_79 = arith.addi %add3A_76, %add3A_78 : vector<16x8192xi32>
      %lt3A_80 = arith.constant 1000000 : i32
      %lt3A_81 = vector.broadcast %lt3A_80 : i32 to vector<16x8192xi32>
      %lt3A_82 = arith.cmpi slt, %add3A_79, %lt3A_81 : vector<16x8192xi32>
      %jit3A_83 = arith.constant -3.000000e+38 : f32
      %broadcast_in_dim3A_84 = vector.broadcast %jit3A_83 : f32 to vector<16x8192xf32>
      %select_n3A_85 = arith.select %lt3A_82, %get3A_71, %broadcast_in_dim3A_84 : vector<16x8192xi1>, vector<16x8192xf32>
      %reduce_max3A_86 = arith.constant dense<0xFF800000> : vector<16xf32>
      %reduce_max3A_87 = vector.multi_reduction <maximumf>, %select_n3A_85, %reduce_max3A_86 [1] : vector<16x8192xf32> to vector<16xf32>
      %swap3A_88 = arith.constant 2 : index
      %swap3A_89 = arith.constant 0 : index
      %swap3A_90 = arith.constant 0 : index
      %swap3A_91 = vector.load %arg2[%swap3A_88, %swap3A_89, %swap3A_90] : memref<8x1x16xf32, #tpu.memory_space<vmem>>, vector<1x1x16xf32>
      %swap3A_92 = vector.shape_cast %swap3A_91 : vector<1x1x16xf32> to vector<16xf32>
      %swap3A_93 = vector.shape_cast %reduce_max3A_87 : vector<16xf32> to vector<1x1x16xf32>
      tpu.vector_store %arg2[%swap3A_88, %swap3A_89, %swap3A_90], %swap3A_93 {strides = array<i32>} : memref<8x1x16xf32, #tpu.memory_space<vmem>>, vector<1x1x16xf32>,
      %exp3A_94 = math.exp %get3A_71 : vector<16x8192xf32>
      %jit3A_95 = arith.constant 0.000000e+00 : f32
      %broadcast_in_dim3A_96 = vector.broadcast %jit3A_95 : f32 to vector<16x8192xf32>
      %select_n3A_97 = arith.select %lt3A_82, %exp3A_94, %broadcast_in_dim3A_96 : vector<16x8192xi1>, vector<16x8192xf32>
      %reduce_sum3A_98 = arith.constant dense<0.000000e+00> : vector<16xf32>
      %reduce_sum3A_99 = vector.multi_reduction <add>, %select_n3A_97, %reduce_sum3A_98 [1] : vector<16x8192xf32> to vector<16xf32>
      %swap3A_100 = arith.constant 2 : index
      %swap3A_101 = arith.constant 0 : index
      %swap3A_102 = arith.constant 0 : index
      %swap3A_103 = vector.load %arg3[%swap3A_100, %swap3A_101, %swap3A_102] : memref<8x1x16xf32, #tpu.memory_space<vmem>>, vector<1x1x16xf32>
      %swap3A_104 = vector.shape_cast %swap3A_103 : vector<1x1x16xf32> to vector<16xf32>
      %swap3A_105 = vector.shape_cast %reduce_sum3A_99 : vector<16xf32> to vector<1x1x16xf32>
      tpu.vector_store %arg3[%swap3A_100, %swap3A_101, %swap3A_102], %swap3A_105 {strides = array<i32>} : memref<8x1x16xf32, #tpu.memory_space<vmem>>, vector<1x1x16xf32>,
      %get3A_106 = arith.constant 0 : index
      %get3A_107 = arith.constant 24576 : index
      %get3A_108 = vector.load %arg1[%get3A_106, %get3A_107] : memref<16x65536xf32, #tpu.memory_space<vmem>>, vector<16x8192xf32>
      %iota3A_109 = tpu.iota {dimensions = array<i32: 1>} : vector<16x8192xi32>
      %mul3A_110 = arith.constant 65536 : i32
      %mul3A_111 = arith.muli %arg0, %mul3A_110 : i32
      %add3A_112 = vector.broadcast %mul3A_111 : i32 to vector<16x8192xi32>
      %add3A_113 = arith.addi %iota3A_109, %add3A_112 : vector<16x8192xi32>
      %add3A_114 = arith.constant 24576 : i32
      %add3A_115 = vector.broadcast %add3A_114 : i32 to vector<16x8192xi32>
      %add3A_116 = arith.addi %add3A_113, %add3A_115 : vector<16x8192xi32>
      %lt3A_117 = arith.constant 1000000 : i32
      %lt3A_118 = vector.broadcast %lt3A_117 : i32 to vector<16x8192xi32>
      %lt3A_119 = arith.cmpi slt, %add3A_116, %lt3A_118 : vector<16x8192xi32>
      %jit3A_120 = arith.constant -3.000000e+38 : f32
      %broadcast_in_dim3A_121 = vector.broadcast %jit3A_120 : f32 to vector<16x8192xf32>
      %select_n3A_122 = arith.select %lt3A_119, %get3A_108, %broadcast_in_dim3A_121 : vector<16x8192xi1>, vector<16x8192xf32>
      %reduce_max3A_123 = arith.constant dense<0xFF800000> : vector<16xf32>
      %reduce_max3A_124 = vector.multi_reduction <maximumf>, %select_n3A_122, %reduce_max3A_123 [1] : vector<16x8192xf32> to vector<16xf32>
      %swap3A_125 = arith.constant 3 : index
      %swap3A_126 = arith.constant 0 : index
      %swap3A_127 = arith.constant 0 : index
      %swap3A_128 = vector.load %arg2[%swap3A_125, %swap3A_126, %swap3A_127] : memref<8x1x16xf32, #tpu.memory_space<vmem>>, vector<1x1x16xf32>
      %swap3A_129 = vector.shape_cast %swap3A_128 : vector<1x1x16xf32> to vector<16xf32>
      %swap3A_130 = vector.shape_cast %reduce_max3A_124 : vector<16xf32> to vector<1x1x16xf32>
      tpu.vector_store %arg2[%swap3A_125, %swap3A_126, %swap3A_127], %swap3A_130 {strides = array<i32>} : memref<8x1x16xf32, #tpu.memory_space<vmem>>, vector<1x1x16xf32>,
      %exp3A_131 = math.exp %get3A_108 : vector<16x8192xf32>
      %jit3A_132 = arith.constant 0.000000e+00 : f32
      %broadcast_in_dim3A_133 = vector.broadcast %jit3A_132 : f32 to vector<16x8192xf32>
      %select_n3A_134 = arith.select %lt3A_119, %exp3A_131, %broadcast_in_dim3A_133 : vector<16x8192xi1>, vector<16x8192xf32>
      %reduce_sum3A_135 = arith.constant dense<0.000000e+00> : vector<16xf32>
      %reduce_sum3A_136 = vector.multi_reduction <add>, %select_n3A_134, %reduce_sum3A_135 [1] : vector<16x8192xf32> to vector<16xf32>
      %swap3A_137 = arith.constant 3 : index
      %swap3A_138 = arith.constant 0 : index
      %swap3A_139 = arith.constant 0 : index
      %swap3A_140 = vector.load %arg3[%swap3A_137, %swap3A_138, %swap3A_139] : memref<8x1x16xf32, #tpu.memory_space<vmem>>, vector<1x1x16xf32>
      %swap3A_141 = vector.shape_cast %swap3A_140 : vector<1x1x16xf32> to vector<16xf32>
      %swap3A_142 = vector.shape_cast %reduce_sum3A_136 : vector<16xf32> to vector<1x1x16xf32>
      tpu.vector_store %arg3[%swap3A_137, %swap3A_138, %swap3A_139], %swap3A_142 {strides = array<i32>} : memref<8x1x16xf32, #tpu.memory_space<vmem>>, vector<1x1x16xf32>,
      %get3A_143 = arith.constant 0 : index
      %get3A_144 = arith.constant 32768 : index
      %get3A_145 = vector.load %arg1[%get3A_143, %get3A_144] : memref<16x65536xf32, #tpu.memory_space<vmem>>, vector<16x8192xf32>
      %iota3A_146 = tpu.iota {dimensions = array<i32: 1>} : vector<16x8192xi32>
      %mul3A_147 = arith.constant 65536 : i32
      %mul3A_148 = arith.muli %arg0, %mul3A_147 : i32
      %add3A_149 = vector.broadcast %mul3A_148 : i32 to vector<16x8192xi32>
      %add3A_150 = arith.addi %iota3A_146, %add3A_149 : vector<16x8192xi32>
      %add3A_151 = arith.constant 32768 : i32
      %add3A_152 = vector.broadcast %add3A_151 : i32 to vector<16x8192xi32>
      %add3A_153 = arith.addi %add3A_150, %add3A_152 : vector<16x8192xi32>
      %lt3A_154 = arith.constant 1000000 : i32
      %lt3A_155 = vector.broadcast %lt3A_154 : i32 to vector<16x8192xi32>
      %lt3A_156 = arith.cmpi slt, %add3A_153, %lt3A_155 : vector<16x8192xi32>
      %jit3A_157 = arith.constant -3.000000e+38 : f32
      %broadcast_in_dim3A_158 = vector.broadcast %jit3A_157 : f32 to vector<16x8192xf32>
      %select_n3A_159 = arith.select %lt3A_156, %get3A_145, %broadcast_in_dim3A_158 : vector<16x8192xi1>, vector<16x8192xf32>
      %reduce_max3A_160 = arith.constant dense<0xFF800000> : vector<16xf32>
      %reduce_max3A_161 = vector.multi_reduction <maximumf>, %select_n3A_159, %reduce_max3A_160 [1] : vector<16x8192xf32> to vector<16xf32>
      %swap3A_162 = arith.constant 4 : index
      %swap3A_163 = arith.constant 0 : index
      %swap3A_164 = arith.constant 0 : index
      %swap3A_165 = vector.load %arg2[%swap3A_162, %swap3A_163, %swap3A_164] : memref<8x1x16xf32, #tpu.memory_space<vmem>>, vector<1x1x16xf32>
      %swap3A_166 = vector.shape_cast %swap3A_165 : vector<1x1x16xf32> to vector<16xf32>
      %swap3A_167 = vector.shape_cast %reduce_max3A_161 : vector<16xf32> to vector<1x1x16xf32>
      tpu.vector_store %arg2[%swap3A_162, %swap3A_163, %swap3A_164], %swap3A_167 {strides = array<i32>} : memref<8x1x16xf32, #tpu.memory_space<vmem>>, vector<1x1x16xf32>,
      %exp3A_168 = math.exp %get3A_145 : vector<16x8192xf32>
      %jit3A_169 = arith.constant 0.000000e+00 : f32
      %broadcast_in_dim3A_170 = vector.broadcast %jit3A_169 : f32 to vector<16x8192xf32>
      %select_n3A_171 = arith.select %lt3A_156, %exp3A_168, %broadcast_in_dim3A_170 : vector<16x8192xi1>, vector<16x8192xf32>
      %reduce_sum3A_172 = arith.constant dense<0.000000e+00> : vector<16xf32>
      %reduce_sum3A_173 = vector.multi_reduction <add>, %select_n3A_171, %reduce_sum3A_172 [1] : vector<16x8192xf32> to vector<16xf32>
      %swap3A_174 = arith.constant 4 : index
      %swap3A_175 = arith.constant 0 : index
      %swap3A_176 = arith.constant 0 : index
      %swap3A_177 = vector.load %arg3[%swap3A_174, %swap3A_175, %swap3A_176] : memref<8x1x16xf32, #tpu.memory_space<vmem>>, vector<1x1x16xf32>
      %swap3A_178 = vector.shape_cast %swap3A_177 : vector<1x1x16xf32> to vector<16xf32>
      %swap3A_179 = vector.shape_cast %reduce_sum3A_173 : vector<16xf32> to vector<1x1x16xf32>
      tpu.vector_store %arg3[%swap3A_174, %swap3A_175, %swap3A_176], %swap3A_179 {strides = array<i32>} : memref<8x1x16xf32, #tpu.memory_space<vmem>>, vector<1x1x16xf32>,
      %get3A_180 = arith.constant 0 : index
      %get3A_181 = arith.constant 40960 : index
      %get3A_182 = vector.load %arg1[%get3A_180, %get3A_181] : memref<16x65536xf32, #tpu.memory_space<vmem>>, vector<16x8192xf32>
      %iota3A_183 = tpu.iota {dimensions = array<i32: 1>} : vector<16x8192xi32>
      %mul3A_184 = arith.constant 65536 : i32
      %mul3A_185 = arith.muli %arg0, %mul3A_184 : i32
      %add3A_186 = vector.broadcast %mul3A_185 : i32 to vector<16x8192xi32>
      %add3A_187 = arith.addi %iota3A_183, %add3A_186 : vector<16x8192xi32>
      %add3A_188 = arith.constant 40960 : i32
      %add3A_189 = vector.broadcast %add3A_188 : i32 to vector<16x8192xi32>
      %add3A_190 = arith.addi %add3A_187, %add3A_189 : vector<16x8192xi32>
      %lt3A_191 = arith.constant 1000000 : i32
      %lt3A_192 = vector.broadcast %lt3A_191 : i32 to vector<16x8192xi32>
      %lt3A_193 = arith.cmpi slt, %add3A_190, %lt3A_192 : vector<16x8192xi32>
      %jit3A_194 = arith.constant -3.000000e+38 : f32
      %broadcast_in_dim3A_195 = vector.broadcast %jit3A_194 : f32 to vector<16x8192xf32>
      %select_n3A_196 = arith.select %lt3A_193, %get3A_182, %broadcast_in_dim3A_195 : vector<16x8192xi1>, vector<16x8192xf32>
      %reduce_max3A_197 = arith.constant dense<0xFF800000> : vector<16xf32>
      %reduce_max3A_198 = vector.multi_reduction <maximumf>, %select_n3A_196, %reduce_max3A_197 [1] : vector<16x8192xf32> to vector<16xf32>
      %swap3A_199 = arith.constant 5 : index
      %swap3A_200 = arith.constant 0 : index
      %swap3A_201 = arith.constant 0 : index
      %swap3A_202 = vector.load %arg2[%swap3A_199, %swap3A_200, %swap3A_201] : memref<8x1x16xf32, #tpu.memory_space<vmem>>, vector<1x1x16xf32>
      %swap3A_203 = vector.shape_cast %swap3A_202 : vector<1x1x16xf32> to vector<16xf32>
      %swap3A_204 = vector.shape_cast %reduce_max3A_198 : vector<16xf32> to vector<1x1x16xf32>
      tpu.vector_store %arg2[%swap3A_199, %swap3A_200, %swap3A_201], %swap3A_204 {strides = array<i32>} : memref<8x1x16xf32, #tpu.memory_space<vmem>>, vector<1x1x16xf32>,
      %exp3A_205 = math.exp %get3A_182 : vector<16x8192xf32>
      %jit3A_206 = arith.constant 0.000000e+00 : f32
      %broadcast_in_dim3A_207 = vector.broadcast %jit3A_206 : f32 to vector<16x8192xf32>
      %select_n3A_208 = arith.select %lt3A_193, %exp3A_205, %broadcast_in_dim3A_207 : vector<16x8192xi1>, vector<16x8192xf32>
      %reduce_sum3A_209 = arith.constant dense<0.000000e+00> : vector<16xf32>
      %reduce_sum3A_210 = vector.multi_reduction <add>, %select_n3A_208, %reduce_sum3A_209 [1] : vector<16x8192xf32> to vector<16xf32>
      %swap3A_211 = arith.constant 5 : index
      %swap3A_212 = arith.constant 0 : index
      %swap3A_213 = arith.constant 0 : index
      %swap3A_214 = vector.load %arg3[%swap3A_211, %swap3A_212, %swap3A_213] : memref<8x1x16xf32, #tpu.memory_space<vmem>>, vector<1x1x16xf32>
      %swap3A_215 = vector.shape_cast %swap3A_214 : vector<1x1x16xf32> to vector<16xf32>
      %swap3A_216 = vector.shape_cast %reduce_sum3A_210 : vector<16xf32> to vector<1x1x16xf32>
      tpu.vector_store %arg3[%swap3A_211, %swap3A_212, %swap3A_213], %swap3A_216 {strides = array<i32>} : memref<8x1x16xf32, #tpu.memory_space<vmem>>, vector<1x1x16xf32>,
      %get3A_217 = arith.constant 0 : index
      %get3A_218 = arith.constant 49152 : index
      %get3A_219 = vector.load %arg1[%get3A_217, %get3A_218] : memref<16x65536xf32, #tpu.memory_space<vmem>>, vector<16x8192xf32>
      %iota3A_220 = tpu.iota {dimensions = array<i32: 1>} : vector<16x8192xi32>
      %mul3A_221 = arith.constant 65536 : i32
      %mul3A_222 = arith.muli %arg0, %mul3A_221 : i32
      %add3A_223 = vector.broadcast %mul3A_222 : i32 to vector<16x8192xi32>
      %add3A_224 = arith.addi %iota3A_220, %add3A_223 : vector<16x8192xi32>
      %add3A_225 = arith.constant 49152 : i32
      %add3A_226 = vector.broadcast %add3A_225 : i32 to vector<16x8192xi32>
      %add3A_227 = arith.addi %add3A_224, %add3A_226 : vector<16x8192xi32>
      %lt3A_228 = arith.constant 1000000 : i32
      %lt3A_229 = vector.broadcast %lt3A_228 : i32 to vector<16x8192xi32>
      %lt3A_230 = arith.cmpi slt, %add3A_227, %lt3A_229 : vector<16x8192xi32>
      %jit3A_231 = arith.constant -3.000000e+38 : f32
      %broadcast_in_dim3A_232 = vector.broadcast %jit3A_231 : f32 to vector<16x8192xf32>
      %select_n3A_233 = arith.select %lt3A_230, %get3A_219, %broadcast_in_dim3A_232 : vector<16x8192xi1>, vector<16x8192xf32>
      %reduce_max3A_234 = arith.constant dense<0xFF800000> : vector<16xf32>
      %reduce_max3A_235 = vector.multi_reduction <maximumf>, %select_n3A_233, %reduce_max3A_234 [1] : vector<16x8192xf32> to vector<16xf32>
      %swap3A_236 = arith.constant 6 : index
      %swap3A_237 = arith.constant 0 : index
      %swap3A_238 = arith.constant 0 : index
      %swap3A_239 = vector.load %arg2[%swap3A_236, %swap3A_237, %swap3A_238] : memref<8x1x16xf32, #tpu.memory_space<vmem>>, vector<1x1x16xf32>
      %swap3A_240 = vector.shape_cast %swap3A_239 : vector<1x1x16xf32> to vector<16xf32>
      %swap3A_241 = vector.shape_cast %reduce_max3A_235 : vector<16xf32> to vector<1x1x16xf32>
      tpu.vector_store %arg2[%swap3A_236, %swap3A_237, %swap3A_238], %swap3A_241 {strides = array<i32>} : memref<8x1x16xf32, #tpu.memory_space<vmem>>, vector<1x1x16xf32>,
      %exp3A_242 = math.exp %get3A_219 : vector<16x8192xf32>
      %jit3A_243 = arith.constant 0.000000e+00 : f32
      %broadcast_in_dim3A_244 = vector.broadcast %jit3A_243 : f32 to vector<16x8192xf32>
      %select_n3A_245 = arith.select %lt3A_230, %exp3A_242, %broadcast_in_dim3A_244 : vector<16x8192xi1>, vector<16x8192xf32>
      %reduce_sum3A_246 = arith.constant dense<0.000000e+00> : vector<16xf32>
      %reduce_sum3A_247 = vector.multi_reduction <add>, %select_n3A_245, %reduce_sum3A_246 [1] : vector<16x8192xf32> to vector<16xf32>
      %swap3A_248 = arith.constant 6 : index
      %swap3A_249 = arith.constant 0 : index
      %swap3A_250 = arith.constant 0 : index
      %swap3A_251 = vector.load %arg3[%swap3A_248, %swap3A_249, %swap3A_250] : memref<8x1x16xf32, #tpu.memory_space<vmem>>, vector<1x1x16xf32>
      %swap3A_252 = vector.shape_cast %swap3A_251 : vector<1x1x16xf32> to vector<16xf32>
      %swap3A_253 = vector.shape_cast %reduce_sum3A_247 : vector<16xf32> to vector<1x1x16xf32>
      tpu.vector_store %arg3[%swap3A_248, %swap3A_249, %swap3A_250], %swap3A_253 {strides = array<i32>} : memref<8x1x16xf32, #tpu.memory_space<vmem>>, vector<1x1x16xf32>,
      %get3A_254 = arith.constant 0 : index
      %get3A_255 = arith.constant 57344 : index
      %get3A_256 = vector.load %arg1[%get3A_254, %get3A_255] : memref<16x65536xf32, #tpu.memory_space<vmem>>, vector<16x8192xf32>
      %iota3A_257 = tpu.iota {dimensions = array<i32: 1>} : vector<16x8192xi32>
      %mul3A_258 = arith.constant 65536 : i32
      %mul3A_259 = arith.muli %arg0, %mul3A_258 : i32
      %add3A_260 = vector.broadcast %mul3A_259 : i32 to vector<16x8192xi32>
      %add3A_261 = arith.addi %iota3A_257, %add3A_260 : vector<16x8192xi32>
      %add3A_262 = arith.constant 57344 : i32
      %add3A_263 = vector.broadcast %add3A_262 : i32 to vector<16x8192xi32>
      %add3A_264 = arith.addi %add3A_261, %add3A_263 : vector<16x8192xi32>
      %lt3A_265 = arith.constant 1000000 : i32
      %lt3A_266 = vector.broadcast %lt3A_265 : i32 to vector<16x8192xi32>
      %lt3A_267 = arith.cmpi slt, %add3A_264, %lt3A_266 : vector<16x8192xi32>
      %jit3A_268 = arith.constant -3.000000e+38 : f32
      %broadcast_in_dim3A_269 = vector.broadcast %jit3A_268 : f32 to vector<16x8192xf32>
      %select_n3A_270 = arith.select %lt3A_267, %get3A_256, %broadcast_in_dim3A_269 : vector<16x8192xi1>, vector<16x8192xf32>
      %reduce_max3A_271 = arith.constant dense<0xFF800000> : vector<16xf32>
      %reduce_max3A_272 = vector.multi_reduction <maximumf>, %select_n3A_270, %reduce_max3A_271 [1] : vector<16x8192xf32> to vector<16xf32>
      %swap3A_273 = arith.constant 7 : index
      %swap3A_274 = arith.constant 0 : index
      %swap3A_275 = arith.constant 0 : index
      %swap3A_276 = vector.load %arg2[%swap3A_273, %swap3A_274, %swap3A_275] : memref<8x1x16xf32, #tpu.memory_space<vmem>>, vector<1x1x16xf32>
      %swap3A_277 = vector.shape_cast %swap3A_276 : vector<1x1x16xf32> to vector<16xf32>
      %swap3A_278 = vector.shape_cast %reduce_max3A_272 : vector<16xf32> to vector<1x1x16xf32>
      tpu.vector_store %arg2[%swap3A_273, %swap3A_274, %swap3A_275], %swap3A_278 {strides = array<i32>} : memref<8x1x16xf32, #tpu.memory_space<vmem>>, vector<1x1x16xf32>,
      %exp3A_279 = math.exp %get3A_256 : vector<16x8192xf32>
      %jit3A_280 = arith.constant 0.000000e+00 : f32
      %broadcast_in_dim3A_281 = vector.broadcast %jit3A_280 : f32 to vector<16x8192xf32>
      %select_n3A_282 = arith.select %lt3A_267, %exp3A_279, %broadcast_in_dim3A_281 : vector<16x8192xi1>, vector<16x8192xf32>
      %reduce_sum3A_283 = arith.constant dense<0.000000e+00> : vector<16xf32>
      %reduce_sum3A_284 = vector.multi_reduction <add>, %select_n3A_282, %reduce_sum3A_283 [1] : vector<16x8192xf32> to vector<16xf32>
      %swap3A_285 = arith.constant 7 : index
      %swap3A_286 = arith.constant 0 : index
      %swap3A_287 = arith.constant 0 : index
      %swap3A_288 = vector.load %arg3[%swap3A_285, %swap3A_286, %swap3A_287] : memref<8x1x16xf32, #tpu.memory_space<vmem>>, vector<1x1x16xf32>
      %swap3A_289 = vector.shape_cast %swap3A_288 : vector<1x1x16xf32> to vector<16xf32>
      %swap3A_290 = vector.shape_cast %reduce_sum3A_284 : vector<16xf32> to vector<1x1x16xf32>
      tpu.vector_store %arg3[%swap3A_285, %swap3A_286, %swap3A_287], %swap3A_290 {strides = array<i32>} : memref<8x1x16xf32, #tpu.memory_space<vmem>>, vector<1x1x16xf32>,
    } else {
    }
    return
  }
  func.func @transform_0(%arg0: i32) -> (i32, i32) {
    %c0_i32 = arith.constant 0 : i32
    %c0_i32_0 = arith.constant 0 : i32
    return %c0_i32, %arg0 : i32, i32
  }
  func.func @transform_1(%arg0: i32) -> (i32, i32, i32) {
    %c0_i32 = arith.constant 0 : i32
    %c0_i32_0 = arith.constant 0 : i32
    %c0_i32_1 = arith.constant 0 : i32
    return %arg0, %c0_i32, %c0_i32_0 : i32, i32, i32
  }
  func.func @transform_2(%arg0: i32) -> (i32, i32, i32) {
    %c0_i32 = arith.constant 0 : i32
    %c0_i32_0 = arith.constant 0 : i32
    %c0_i32_1 = arith.constant 0 : i32
    return %arg0, %c0_i32, %c0_i32_0 : i32, i32, i32
  }
}

</mosaic_0001>

<sc_bundles>
// kernel: _run.5.cloned.1.call-start
scs
__scs_entry_jumppad:
0x0: {  	(pc) =	sbr.rel $0x88, $3  }
0x1: {  	(tag) =	ssettag $0x0;
	lr =	simm.s32 $0x1  }
0x2: {  	[smem:$0x3F9F] =	sst lr;
	_ =	strace $0xD0000000  }
0x3: {  	_ = 	snop  }
0x4: {  	_ = 	snop  }
0x5: {  	_ = 	snop  }
0x6: {  	_ = 	snop  }
0x7: {  	_ = 	snop  }
__scs_overlays_trampoline_lowered:
0x8: {  	[smem:$0x3FAE] =	sst s0  }
0x9: {  	[smem:$0x3FAF] =	sst s1  }
0xa: {  	[smem:$0x3FB0] =	sst s2  }
0xb: {  	[smem:$0x3FB1] =	sst s3  }
0xc: {  	[smem:$0x3FB2] =	sst s4  }
0xd: {  	[smem:$0x3FB3] =	sst s5  }
0xe: {  	[smem:$0x3FB4] =	sst s6  }
0xf: {  	[smem:$0x3FB5] =	sst s7  }
0x10: {  	[smem:$0x3FB6] =	sst s8  }
0x11: {  	[smem:$0x3FB7] =	sst s9;
	s0 =	simm.s32 @!p0 $0x0  }
0x12: {  	s1 =	sld [smem:$0x3F9D];
	s0 =	simm.s32 @p0 $0x1  }
0x13: {  	[smem:$0x3FB8] =	sst s0;
	s0 =	simm.s32 @!p1 $0x0  }
0x14: {  	s2 =	sld [smem:$0x3F9C];
	s0 =	simm.s32 @p1 $0x1  }
0x15: {  	[smem:$0x3FB9] =	sst s0;
	s0 =	simm.s32 @!p2 $0x0  }
0x16: {  	s3 =	sld [smem:$0x3FDB];
	s0 =	simm.s32 @p2 $0x1  }
0x17: {  	s4 =	simm.s32 $0x1BF5;
	[smem:$0x3FBB] =	sst s0  }
0x18: {  	s0 =	sld [smem:$0x3F9E];
	_ =	swait.ge [sflag:s4], $0x0  }
0x19: {  	s7 =	sld [smem:$0x3F9F]  }
0x1a: {  	s8 =	sadd.s32 $0xFFFFE003, lr  }
0x1b: {  	s9 =	sadd.s32 $0xFFFFFEF7, lr;
	s5 =	simm.s32 $0xFFFFFFFF;
	p2 =	slt.u32 s8, $0xFFFFF086  }
0x1c: {  	p1 =	slt.u32 s9, $0xF7A;
	s5 =	simm.s32 @!p2 $0x0  }
0x1d: {  	s5 =	simm.s32 @p1 $0x1;
	p0 =	seq.s32 s7, s2  }
0x1e: {  	s7 =	smul.u32 @!p0 $0xF7A, s2;
	p2 =	seq.s32 @!p0 s5, $0x0  }
0x1f: {  	s9 =	smul.u32 $0xF7A, s1;
	s8 =	simm.s32 @!p0 $0x1BF5;
	p2 =	por !p2, p0  }
0x20: {  	[sflag:s8] =	ssyncset.s32 @!p0 $0xFFFFF086;
	s6 =	sadd.s32 @!p0 s3, s7;
	s7 =	simm.s32 @!p0 $0x108  }
0x21: {  	s3 =	sadd.s32 s3, s9;
	s6 =	sadd.s32 @!p0 $0x88, s6;
	s7 =	simm.s32 @p2 $0x1082  }
0x22: {  	[simem:s7], [sflag:s8] =	dma.local @!p0 [hbm:s6], $0xF7A  }
0x23: {  	s9 =	sor.u32 $0xD0000000, s2;
	s6 =	simm.s32 $0x108;
	_ =	swait.ge @!p0 [sflag:s8], $0x0  }
0x24: {  	s3 =	sadd.s32 $0x88, s3;
	s6 =	simm.s32 @!p1 $0x1082;
	[sflag:s4] =	ssyncset.s32 $0xFFFFF086  }
0x25: {  	[simem:s6], [sflag:s4] =	dma.local [hbm:s3], $0xF7A  }
0x26: {  	[smem:$0x3F9F] =	sst s1;
	(tag) =	ssettag s2;
	_ =	strace s9  }
0x27: {  	s1 =	sld [smem:$0x3FAF]  }
0x28: {  	s2 =	sld [smem:$0x3FB0]  }
0x29: {  	s4 =	sld [smem:$0x3FB2]  }
0x2a: {  	p0 =	seq.s32 s5, $0x0;
	s5 =	sld [smem:$0x3FB3]  }
0x2b: {  	s6 =	sld [smem:$0x3FB4]  }
0x2c: {  	s7 =	sld [smem:$0x3FB5]  }
0x2d: {  	s3 =	simm.s32 $0x108;
	s8 =	sld [smem:$0x3FB6]  }
0x2e: {  	s3 =	simm.s32 @!p0 $0x1082;
	s9 =	sld [smem:$0x3FB7]  }
0x2f: {  	lr =	sadd.s32 s0, s3;
	s0 =	sld [smem:$0x3FAE]  }
0x30: {  	s3 =	sld [smem:$0x3FB1]  }
0x31: {  	[smem:$0x3FBA] =	sst s10  }
0x32: {  	s10 =	sld [smem:$0x3FB8];
	_ =	sdelay $0x3  }
0x33: {  	p0 =	seq.s32 s10, $0x1;
	s10 =	sld [smem:$0x3FBA];
	_ =	sdelay $0x3  }
0x34: {  	[smem:$0x3FBA] =	sst s10  }
0x35: {  	s10 =	sld [smem:$0x3FB9];
	_ =	sdelay $0x3  }
0x36: {  	p1 =	seq.s32 s10, $0x1;
	s10 =	sld [smem:$0x3FBA];
	_ =	sdelay $0x3  }
0x37: {  	[smem:$0x3FBA] =	sst s10  }
0x38: {  	s10 =	sld [smem:$0x3FBB]  }
0x39: {  	_ = 	snop;
	(pc) =	sbr.ind lr, $3  }
0x3a: {  	_ = 	snop  }
0x3b: {  	_ = 	snop  }
0x3c: {  	p2 =	seq.s32 s10, $0x1;
	s10 =	sld [smem:$0x3FBA]  }
0x3d: {  	_ =	shalt  }
0x3e: {  	_ =	shalt  }
0x3f: {  	_ =	shalt  }
0x40: {  	_ =	shalt  }
0x41: {  	_ =	shalt  }
0x42: {  	_ =	shalt  }
0x43: {  	_ =	shalt  }
0x44: {  	_ =	shalt  }
0x45: {  	_ =	shalt  }
0x46: {  	_ =	shalt  }
0x47: {  	_ =	shalt  }
0x48: {  	_ =	shalt  }
0x49: {  	_ =	shalt  }
0x4a: {  	_ =	shalt  }
0x4b: {  	_ =	shalt  }
0x4c: {  	_ =	shalt  }
0x4d: {  	_ =	shalt  }
0x4e: {  	_ =	shalt  }
0x4f: {  	_ =	shalt  }
0x50: {  	_ =	shalt  }
0x51: {  	_ =	shalt  }
0x52: {  	_ =	shalt  }
0x53: {  	_ =	shalt  }
0x54: {  	_ =	shalt  }
0x55: {  	_ =	shalt  }
0x56: {  	_ =	shalt  }
0x57: {  	_ =	shalt  }
0x58: {  	_ =	shalt  }
0x59: {  	_ =	shalt  }
0x5a: {  	_ =	shalt  }
0x5b: {  	_ =	shalt  }
0x5c: {  	_ =	shalt  }
0x5d: {  	_ =	shalt  }
0x5e: {  	_ =	shalt  }
0x5f: {  	_ =	shalt  }
0x60: {  	_ =	shalt  }
0x61: {  	_ =	shalt  }
0x62: {  	_ =	shalt  }
0x63: {  	_ =	shalt  }
0x64: {  	_ =	shalt  }
0x65: {  	_ =	shalt  }
0x66: {  	_ =	shalt  }
0x67: {  	_ =	shalt  }
0x68: {  	_ =	shalt  }
0x69: {  	_ =	shalt  }
0x6a: {  	_ =	shalt  }
0x6b: {  	_ =	shalt  }
0x6c: {  	_ =	shalt  }
0x6d: {  	_ =	shalt  }
0x6e: {  	_ =	shalt  }
0x6f: {  	_ =	shalt  }
0x70: {  	_ =	shalt  }
0x71: {  	_ =	shalt  }
0x72: {  	_ =	shalt  }
0x73: {  	_ =	shalt  }
0x74: {  	_ =	shalt  }
0x75: {  	_ =	shalt  }
0x76: {  	_ =	shalt  }
0x77: {  	_ =	shalt  }
0x78: {  	_ =	shalt  }
0x79: {  	_ =	shalt  }
0x7a: {  	_ =	shalt  }
0x7b: {  	_ =	shalt  }
0x7c: {  	_ =	shalt  }
0x7d: {  	_ =	shalt  }
0x7e: {  	_ =	shalt  }
0x7f: {  	_ =	shalt  }
0x80: {  	_ =	shalt  }
0x81: {  	_ =	shalt  }
0x82: {  	_ =	shalt  }
0x83: {  	_ =	shalt  }
0x84: {  	_ =	shalt  }
0x85: {  	_ =	shalt  }
0x86: {  	_ =	shalt  }
0x87: {  	_ =	shalt  }
.Lfunc_end0:
.L_simem_size_0:
called_computation_lowered:
.L_overlay_start_0:
0x88: {  	s0 =	sld [smem:$0x3FD9]  }
0x89: {  	s1 =	sld [smem:$0x3FFE];
	_ =	sdelay $0x3  }
0x8a: {  	s0 =	sadd.s32 s1, s0  }
0x8b: {  	[smem:$0x3FC6] =	sst s0  }
0x8c: {  	_ = 	snop  }
0x8d: {  	s0 =	sld [smem:$0x3FD0];
	_ =	sdelay $0x2  }
0x8e: {  	s2 =	simm.s32 $0xA;
	s3 =	simm.s32 $0x10;
	s13 =	sld [smem:$0x3FC9]  }
0x8f: {  	[smem:s3], [sflag:s2] =	dma.local [hbm:s0], $0x1  }
0x90: {  	_ =	swait.eq [sflag:s2], $0x1  }
0x91: {  	s14 =	sld [smem:$0x10];
	[sflag:s2] =	ssyncset.done $0x0  }
0x92: {  	s15 =	sld [smem:$0x11];
	[sflag:s2] =	ssyncadd.s32 $0xFFFFFFFF  }
0x93: {  	s16 =	sld [smem:$0x12];
	(tm) =	ssettm $0x1  }
0x94: {  	s4 =	sld [smem:$0x3FFB];
	_ =	sdelay $0x3  }
0x95: {  	_ =	strace s4  }
0x96: {  	s4 =	sld [smem:$0x3FFC];
	_ =	sdelay $0x3  }
0x97: {  	_ =	strace s4  }
0x98: {  	s4 =	sld [smem:$0x3FFD];
	_ =	sdelay $0x3  }
0x99: {  	_ =	strace s4  }
0x9a: {  	_ =	strace $0x8FFFFFFF  }
0x9b: {  	s17 =	sld [smem:$0x3FDB];
	_ =	sdelay $0x1  }
0x9c: {  	s5 =	simm.s32 $_scs_section_size  }
0x9d: {  	s6 =	simm.s32 $_size__tile_overlayer_lowered;
	s7 =	simm.s32 $_tile_overlayer_lowered  }
0x9e: {  	s20 =	simm.s32 $0x1BFF;
	s19 =	sshll.u32 s7, $0x1;
	s4 =	sadd.s32 s5, s17  }
0x9f: {  	s8 =	simm.s32 $0x0;
	s18 =	sshll.u32 s6, $0x1;
	s6 =	sadd.s32 s19, s4  }
0xa0: {  	[timem:s8], [sflag:s20] =	dma.local [hbm:s6], s18  }
0xa1: {  	_ =	swait.ge [sflag:s20], s18  }
0xa2: {  	s5 =	ssub.s32 $0x0, s18;
	[sflag:s20] =	ssyncset.done $0x0  }
0xa3: {  	[sflag:s20] =	ssyncadd.s32 s5;
	_ =	sdelay $0x1  }
0xa4: {  	s21 =	simm.s32 $0x1B8B  }
0xa5: {  	_ =	swait.ge [sflag:s21], $0x1  }
0xa6: {  	[sflag:s21] =	ssyncset.done $0x0  }
0xa7: {  	s23 =	simm.s32 $0x1B8E;
	s22 =	sld [smem:$0x3FFE];
	[sflag:s21] =	ssyncadd.s32 $0xFFFFFFFF  }
0xa8: {  	s24 =	simm.s32 $execute0_lowered;
	[smem:$0x3FD2] =	sst s23  }
0xa9: {  	s6 =	sshll.u32 s24, $0x1;
	_ =	strace $0x80000046;
	[dreg:$0x1] =	wrdreg $0xFFFFFFFF  }
0xaa: {  	s25 =	simm.s32 $_size_execute0_lowered;
	s4 =	sadd.s32 s4, s6;
	[dreg:$0x0] =	wrdreg $0x0  }
0xab: {  	s6 =	sshll.u32 s25, $0x1;
	[dreg:$0x2] =	wrdreg s4  }
0xac: {  	[dreg:$0x3] =	wrdreg s6  }
0xad: {  	[dreg:$0x4] =	wrdreg $0xC0  }
0xae: {  	_ =	task [dreg:s8], $0x5FFFF  }
0xaf: {  	[dreg:$0x1] =	wrdreg $0xFFFFFFFF  }
0xb0: {  	[dreg:$0x0] =	wrdreg $0x60  }
0xb1: {  	[dreg:$0x2] =	wrdreg s13  }
0xb2: {  	[dreg:$0x3] =	wrdreg s22  }
0xb3: {  	[dreg:$0x4] =	wrdreg s14  }
0xb4: {  	[dreg:$0x5] =	wrdreg s15  }
0xb5: {  	[dreg:$0x6] =	wrdreg s16  }
0xb6: {  	[dreg:$0x7] =	wrdreg $0x4B800  }
0xb7: {  	[dreg:$0x8] =	wrdreg $0x4B900  }
0xb8: {  	[dreg:$0x9] =	wrdreg $0x9  }
0xb9: {  	_ =	task.clear_ibuf [dreg:s8], $0xAFFFF;
	_ =	strace $0x90000046  }
0xba: {  	s26 =	simm.s32 $0x9;
	_ =	strace $0x80000048  }
0xbb: {  	_ =	swait.ge [sflag:s26], $0x1  }
0xbc: {  	[sflag:s26] =	ssyncadd.s32 $0xFFFFFFFF  }
0xbd: {  	_ =	strace $0x90000048  }
0xbe: {  	_ =	sfence  }
0xbf: {  	s28 =	sld [smem:$0x0];
	_ =	sdelay $0x1  }
0xc0: {  	s29 =	srdreg.scid  }
0xc1: {  	s30 =	sshll.u32 s29, $0xD;
	s31 =	sshrl.u32 s29, $0x2  }
0xc2: {  	s1 =	sand.u32 $0x1, s29;
	s2 =	sand.u32 $0x4000, s30;
	s0 =	sadd.s32 s31, s28  }
0xc3: {  	s1 =	sor.u32 s2, s1;
	s0 =	sshll.u32 s0, $0x11  }
0xc4: {  	s0 =	sor.u32 s0, s1  }
0xc5: {  	s0 =	sadd.s32 $0x8F2B, s0  }
0xc6: {  	[sflag:s0] =	ssyncadd.remote.s32 $0x1  }
0xc7: {  	_ =	sfence.sel $0xFFFF  }
0xc8: {  	[dreg:$0x0] =	wrdreg $0xFFFFFFFF;
	(pc) =	sbr.abs _section_cstart, $3  }
0xc9: {  	[dreg:$0x1] =	wrdreg $0xFFFFFFFF  }
0xca: {  	_ =	task.clear_ibuf [dreg:s8], $0x2FFFF;
	_ =	strace $0x9FFFFFFF  }
0xcb: {  	(tm) =	ssettm $0x7FFFFFFF  }
tec
execute0_lowered:
.L_overlay_start_1:
0x0: {  	(tag) =	ssettag $0x1  }
0x1: {  	s7 =	rddreg [dreg:$0x0]  }
0x2: {  	s6 =	rddreg [dreg:$0x1]  }
0x3: {  	s3 =	rddreg [dreg:$0x2]  }
0x4: {  	s2 =	rddreg [dreg:$0x3]  }
0x5: {  	s1 =	rddreg [dreg:$0x4]  }
0x6: {  	s5 =	rddreg [dreg:$0x5]  }
0x7: {  	s4 =	rddreg [dreg:$0x6]  }
0x8: {  	s0 =	rddreg [dreg:$0x7];
	s8 =	simm.s32 $0x0  }
0x9: {  	[smem:$0x7FF] =	sst s8  }
0xa: {  	s30 =	simm.s32 $0x1;
	s9 =	sadd.s32 $0x1400, s6;
	_ =	strace $0x80000047  }
0xb: {  	[tilespmem:s8], [sflag:$0x1] =	stream.linear.gather [hbm4b:s9+s8], $0x800, $0x38;
	[tilespmem:$0x5020] =	vst v63  }
0xc: {  	_ =	swait.ge [sflag:s30], $0x800  }
0xd: {  	[sflag:s30] =	ssyncset.done $0x0  }
0xe: {  	s11 =	simm.s32 $0x4A80;
	s10 =	sadd.s32 $0x1000, s6;
	[sflag:s30] =	ssyncadd.s32 $0xFFFFF800  }
0xf: {  	[tilespmem:s11], [sflag:$0x1] =	stream.linear.gather [hbm4b:s10+s8], $0x80, $0x38;
	[tilespmem:$0x5020] =	vst v63  }
0x10: {  	_ =	swait.ge [sflag:s30], $0x80  }
0x11: {  	[sflag:s30] =	ssyncset.done $0x0  }
0x12: {  	s31 =	simm.s32 $0x4B00;
	s6 =	sadd.s32 $0x1200, s6;
	[sflag:s30] =	ssyncadd.s32 $0xFFFFFF80  }
0x13: {  	[tilespmem:s31], [sflag:$0x1] =	stream.linear.gather [hbm4b:s6+s8], $0x80, $0x38;
	[tilespmem:$0x5020] =	vst v63  }
0x14: {  	v0 =	vlaneseq.u32;
	_ =	swait.ge [sflag:s30], $0x80  }
0x15: {  	v0 =	vmul.u32 $0xFFFFFFFF, v0;
	[sflag:s30] =	ssyncset.done $0x0  }
0x16: {  	s10 =	simm.s32 $0x80;
	[sflag:s30] =	ssyncadd.s32 $0xFFFFFF80  }
0x17: {  	v0 =	vadd.s32 $0xFFFFFFFF, v0;
	s9 =	simm.s32 $0x0;
	s11 =	simm.s32 $0x40;
	s6 =	stileid.u32;
	v1 =	vld [tilespmem:s10+$0xFFFFFF80]  }
.LBB2_1:
0x18: {  	p0 =	sne.s32 s11, $0x1C0;
	v2 =	vld [tilespmem:s10+$0xFFFFFF90]  }
0x19: {  	v3 =	vld [tilespmem:s10+$0xFFFFFFA0]  }
0x1a: {  	v4 =	vld [tilespmem:s10+$0xFFFFFFB0]  }
0x1b: {  	v5 =	vld [tilespmem:s10+$0xFFFFFFC0]  }
0x1c: {  	v1 =	vmax.f32 v1, $-3.000000010e+38;
	v6 =	vld [tilespmem:s10+$0xFFFFFFD0]  }
0x1d: {  	v1 =	vmax.f32 v1, v2;
	v2 =	vld [tilespmem:s10+$0xFFFFFFE0]  }
0x1e: {  	v1 =	vmax.f32 v1, v3;
	v3 =	vld [tilespmem:s10+$0xFFFFFFF0]  }
0x1f: {  	v1 =	vmax.f32 v1, v4;
	v4 =	vld [tilespmem:s10+$0x0]  }
0x20: {  	v1 =	vmax.f32 v1, v5;
	v5 =	vld [tilespmem:s10+$0x10]  }
0x21: {  	v1 =	vmax.f32 v1, v6;
	v6 =	vld [tilespmem:s10+$0x20]  }
0x22: {  	v1 =	vmax.f32 v1, v2;
	v2 =	vld [tilespmem:s10+$0x30]  }
0x23: {  	v1 =	vmax.f32 v1, v3;
	v3 =	vld [tilespmem:s10+$0x40]  }
0x24: {  	v1 =	vmax.f32 v1, v4;
	v4 =	vld [tilespmem:s10+$0x50]  }
0x25: {  	v1 =	vmax.f32 v1, v5;
	v5 =	vld [tilespmem:s10+$0x60]  }
0x26: {  	v1 =	vmax.f32 v1, v6;
	v6 =	vld [tilespmem:s10+$0x70]  }
0x27: {  	v1 =	vmax.f32 v1, v2  }
0x28: {  	v1 =	vmax.f32 v1, v3  }
.Ltmp0:
0x29: {  	v1 =	vmax.f32 v1, v4;
	(pc) =	sbr.rel @p0 .LBB2_1-.Ltmp0, $4  }
0x2a: {  	v1 =	vmax.f32 v1, v5  }
0x2b: {  	s12 =	sshra.s32 s9, $0x2;
	s9 =	smov.u32 s11;
	v1 =	vmax.f32 v1, v6  }
0x2c: {  	s10 =	sadd.s32 $0x100, s10;
	[tilespmem:s12+$0x800] =	vst v1  }
0x2d: {  	s11 =	sadd.s32 $0x40, s11;
	v1 =	vld [tilespmem:s10+$0xFFFFFF80]  }
0x2e: {  	v2 =	vld [tilespmem:s10+$0xFFFFFF90]  }
0x2f: {  	v3 =	vld [tilespmem:s10+$0xFFFFFFA0]  }
0x30: {  	v4 =	vld [tilespmem:s10+$0xFFFFFFB0]  }
0x31: {  	v5 =	vld [tilespmem:s10+$0xFFFFFFC0]  }
0x32: {  	v6 =	vld [tilespmem:s10+$0xFFFFFFD0];
	v1 =	vmax.f32 v1, $-3.000000010e+38  }
0x33: {  	v1 =	vmax.f32 v1, v2;
	v2 =	vld [tilespmem:s10+$0xFFFFFFE0]  }
0x34: {  	v1 =	vmax.f32 v1, v3;
	v3 =	vld [tilespmem:s10+$0xFFFFFFF0]  }
0x35: {  	v1 =	vmax.f32 v1, v4;
	v4 =	vld [tilespmem:s10+$0x0]  }
0x36: {  	v1 =	vmax.f32 v1, v5;
	v5 =	vld [tilespmem:s10+$0x10]  }
0x37: {  	v1 =	vmax.f32 v1, v6;
	v6 =	vld [tilespmem:s10+$0x20]  }
0x38: {  	v1 =	vmax.f32 v1, v2;
	v2 =	vld [tilespmem:s10+$0x30]  }
0x39: {  	v8 =	vimm.s32 $0x98765432;
	v1 =	vmax.f32 v1, v3;
	v3 =	vld [tilespmem:s10+$0x40]  }
0x3a: {  	v9 =	vimm.s32 $0xFEDCBA9;
	v10 =	vimm.s32 $0x87654321;
	v1 =	vmax.f32 v1, v4;
	v4 =	vld [tilespmem:s10+$0x50]  }
0x3b: {  	v8 =	vunpack.c.l.s4.s8 v8;
	v9 =	vunpack.c.l.s4.s8 v9;
	v1 =	vmax.f32 v1, v5;
	v5 =	vld [tilespmem:s10+$0x60]  }
0x3c: {  	v10 =	vunpack.c.l.s4.s8 v10;
	v1 =	vmax.f32 v1, v6  }
0x3d: {  	v8 =	vunpack.c.0.s8.s32 v8;
	v9 =	vunpack.c.0.s8.s32 v9;
	v1 =	vmax.f32 v1, v2  }
0x3e: {  	v6 =	vimm.s32 $0x10FEDCBA;
	v2 =	vimm.s32 $0xFEDCBA98;
	v1 =	vmax.f32 v1, v3  }
0x3f: {  	v7 =	vld [tilespmem:s10+$0x70];
	v6 =	vunpack.c.l.s4.s8 v6;
	v2 =	vunpack.c.l.s4.s8 v2;
	v1 =	vmax.f32 v1, v4  }
0x40: {  	v4 =	vimm.s32 $0x3210FEDC;
	v1 =	vmax.f32 v1, v5;
	v5 =	vimm.s32 $0xBA987654  }
0x41: {  	v3 =	vimm.s32 $0x76543210;
	v4 =	vunpack.c.l.s4.s8 v4;
	v5 =	vunpack.c.l.s4.s8 v5  }
0x42: {  	v10 =	vunpack.c.0.s8.s32 v10;
	v3 =	vunpack.c.l.s4.s8 v3;
	v6 =	vunpack.c.0.s8.s32 v6  }
0x43: {  	v2 =	vunpack.c.0.s8.s32 v2;
	v4 =	vunpack.c.0.s8.s32 v4;
	v5 =	vunpack.c.0.s8.s32 v5  }
0x44: {  	v7 =	vmax.f32 v1, v7;
	v11 =	vunpack.c.0.s8.s32 v3;
	v3 =	vcombine.low v10, v9  }
0x45: {  	v1 =	vcombine.low v5, v4;
	v5 =	vand.u32 $0xF, v2;
	v2 =	vcombine.low v8, v6  }
0x46: {  	s9 =	sshra.s32 s9, $0x2;
	v9 =	vlaneseq.u32;
	v4 =	vimm.s32 $0x0;
	v8 =	vand.u32 $0xF, v3  }
0x47: {  	[tilespmem:s9+$0x800] =	vst v7;
	v5 =	vcombine.low v5, v11;
	v6 =	vand.u32 $0xF, v1;
	v7 =	vand.u32 $0xF, v2  }
.LBB2_3:
0x48: {  	v10 =	vld [tilespmem:$0x800];
	_ =	sdelay $0x1  }
0x49: {  	v11 =	vld [tilespmem:$0x810];
	_ =	sdelay $0x1  }
0x4a: {  	v12 =	vld [tilespmem:$0x820]  }
0x4b: {  	vm0 =	vgt.f32 v10, $-3.000000010e+38  }
0x4c: {  	v13 =	vld [tilespmem:$0x830];
	v10 =	vnsel vm0, $0xFF61B1E6, v10  }
0x4d: {  	vm0 =	vgt.f32 v11, v10  }
0x4e: {  	v10 =	vsel vm0, v11, v10;
	v11 =	vld [tilespmem:$0x840]  }
0x4f: {  	vm1 =	vgt.f32 v12, v10  }
0x50: {  	v10 =	vsel vm1, v12, v10;
	v12 =	vld [tilespmem:$0x850]  }
0x51: {  	vm2 =	vgt.f32 v13, v10  }
0x52: {  	v10 =	vsel vm2, v13, v10;
	v13 =	vld [tilespmem:$0x860]  }
0x53: {  	vm3 =	vgt.f32 v11, v10  }
0x54: {  	v10 =	vsel vm3, v11, v10;
	v11 =	vld [tilespmem:$0x870]  }
0x55: {  	vm4 =	vgt.f32 v12, v10  }
0x56: {  	v10 =	vsel vm4, v12, v10  }
0x57: {  	vm5 =	vgt.f32 v13, v10  }
0x58: {  	v10 =	vsel vm5, v13, v10  }
0x59: {  	vm6 =	vgt.f32 v11, v10  }
0x5a: {  	v11 =	vsel vm6, v11, v10  }
0x5b: {  	v10 =	vperm.xlane v11, v5;
	_ =	sdelay $0x1  }
0x5c: {  	v10 =	vmax.f32 v11, v10  }
0x5d: {  	v12 =	vperm.xlane v10, v6;
	_ =	sdelay $0x1  }
0x5e: {  	v10 =	vmax.f32 v10, v12  }
0x5f: {  	v12 =	vperm.xlane v10, v7;
	_ =	sdelay $0x1  }
0x60: {  	v10 =	vmax.f32 v10, v12  }
0x61: {  	v12 =	vperm.xlane v10, v8;
	_ =	sdelay $0x1  }
0x62: {  	v10 =	vmax.f32 v10, v12  }
0x63: {  	v10 =	vbroadcast v10, $0x0;
	_ =	sdelay $0x1  }
0x64: {  	vm7 =	veq.f32 v11, v10  }
0x65: {  	v11 =	vnsel vm7, $0x10, v9  }
0x66: {  	v12 =	vperm.xlane v11, v5;
	_ =	sdelay $0x1  }
0x67: {  	vm7 =	vlt.s32 v11, v12  }
0x68: {  	v11 =	vsel vm7, v11, v12  }
0x69: {  	v12 =	vperm.xlane v11, v6;
	_ =	sdelay $0x1  }
0x6a: {  	vm7 =	vlt.s32 v11, v12  }
0x6b: {  	v11 =	vsel vm7, v11, v12  }
0x6c: {  	v12 =	vperm.xlane v11, v7;
	_ =	sdelay $0x1  }
0x6d: {  	vm7 =	vlt.s32 v11, v12  }
0x6e: {  	v11 =	vsel vm7, v11, v12  }
0x6f: {  	v12 =	vsel vm0, $0x1, v4;
	v13 =	vperm.xlane v11, v8  }
0x70: {  	v12 =	vsel vm1, $0x2, v12  }
0x71: {  	v12 =	vsel vm2, $0x3, v12;
	vm14 =	vlt.s32 v11, v13  }
0x72: {  	v12 =	vsel vm3, $0x4, v12;
	v11 =	vsel vm14, v11, v13  }
0x73: {  	v12 =	vsel vm4, $0x5, v12;
	v11 =	vbroadcast v11, $0x0  }
0x74: {  	v12 =	vsel vm5, $0x6, v12  }
0x75: {  	v12 =	vsel vm6, $0x7, v12;
	vm15 =	veq.s32 v11, v9  }
0x76: {  	v11 =	vnsel vm15, $0x80000001, v12  }
0x77: {  	v12 =	vperm.xlane v11, v5;
	_ =	sdelay $0x1  }
0x78: {  	vm0 =	vgt.s32 v11, v12  }
0x79: {  	v11 =	vsel vm0, v11, v12  }
0x7a: {  	v12 =	vperm.xlane v11, v6;
	_ =	sdelay $0x1  }
0x7b: {  	vm0 =	vgt.s32 v11, v12  }
0x7c: {  	v11 =	vsel vm0, v11, v12  }
0x7d: {  	v12 =	vperm.xlane v11, v7;
	_ =	sdelay $0x1  }
0x7e: {  	vm0 =	vgt.s32 v11, v12  }
0x7f: {  	v11 =	vsel vm0, v11, v12  }
0x80: {  	v12 =	vperm.xlane v11, v8;
	_ =	sdelay $0x1  }
0x81: {  	vm0 =	vgt.s32 v11, v12  }
0x82: {  	v11 =	vsel vm0, v11, v12  }
0x83: {  	(v2sf) =	vpush v11, $0x0;
	_ =	sdelay $0xe  }
0x84: {  	s9 =	spop (v2sf)  }
0x85: {  	s10 =	sshll.u32 s9, $0x8  }
0x86: {  	s12 =	simm.s32 $0x0;
	s11 =	sadd.s32 $0x0, s10  }
0x87: {  	s12 =	sand.u32 $0x70, s12;
	s13 =	sand.u32 $0xFFFFFF80, s11  }
0x88: {  	s13 =	sor.u32 s12, s13  }
0x89: {  	v12 =	vld [tilespmem:s13+$0x0]  }
0x8a: {  	v11 =	vimm.s32 $0x7FFFFFFF;
	s12 =	simm.s32 $0x10  }
.LBB2_4:
0x8b: {  	s13 =	sadd.s32 s12, s10  }
0x8c: {  	p0 =	sne.s32 s12, $0xF0;
	s14 =	smov.u32 s12;
	s12 =	sadd.s32 $0x10, s12  }
.Ltmp1:
0x8d: {  	s15 =	sand.u32 $0xFFFFFF80, s13;
	s14 =	sand.u32 $0x70, s14;
	(pc) =	sbr.rel @p0 .LBB2_4-.Ltmp1, $4  }
0x8e: {  	v13 =	vor.u32 s11, v9;
	s11 =	smov.u32 s13;
	s14 =	sor.u32 s14, s15;
	vm0 =	veq.f32 v12, v10  }
0x8f: {  	v12 =	vld [tilespmem:s14+$0x0];
	v13 =	vnsel vm0, $0x7FFFFFFF, v13  }
0x90: {  	vm0 =	vlt.s32 v11, v13  }
0x91: {  	v11 =	vsel vm0, v11, v13  }
0x92: {  	_ =	sdelay $0x1  }
0x93: {  	vm0 =	veq.f32 v12, v10;
	v10 =	vor.u32 s11, v9  }
0x94: {  	v10 =	vnsel vm0, $0x7FFFFFFF, v10  }
0x95: {  	vm0 =	vlt.s32 v11, v10  }
0x96: {  	v10 =	vsel vm0, v11, v10  }
0x97: {  	v11 =	vperm.xlane v10, v5;
	_ =	sdelay $0x1  }
0x98: {  	vm0 =	vlt.s32 v10, v11  }
0x99: {  	v10 =	vsel vm0, v10, v11  }
0x9a: {  	v11 =	vperm.xlane v10, v1;
	_ =	sdelay $0x1  }
0x9b: {  	vm0 =	vlt.s32 v10, v11  }
0x9c: {  	v10 =	vsel vm0, v10, v11  }
0x9d: {  	v11 =	vperm.xlane v10, v2;
	_ =	sdelay $0x1  }
0x9e: {  	vm0 =	vlt.s32 v10, v11  }
0x9f: {  	v10 =	vsel vm0, v10, v11  }
0xa0: {  	v11 =	vperm.xlane v10, v3;
	_ =	sdelay $0x1  }
0xa1: {  	vm0 =	vlt.s32 v10, v11  }
0xa2: {  	v10 =	vsel vm0, v10, v11  }
0xa3: {  	(v2sf) =	vpush v10, $0x0;
	_ =	sdelay $0xe  }
0xa4: {  	s31 =	spop (v2sf)  }
0xa5: {  	s12 =	sand.u32 $0xFFFFFFF0, s31  }
0xa6: {  	v11 =	vld [tilespmem:s12+$0x0];
	_ =	sdelay $0x1  }
0xa7: {  	s11 =	sand.u32 $0xF, s31  }
0xa8: {  	v51 =	vmov s11  }
0xa9: {  	vm14 =	veq.s32 v51, v9  }
0xaa: {  	v11 =	vsel vm14, $0xFF61B1E6, v11  }
0xab: {  	[tilespmem:s12+$0x0] =	vst v11  }
0xac: {  	v11 =	vld [tilespmem:s10+$0x0]  }
0xad: {  	v52 =	vld [tilespmem:s10+$0x10]  }
0xae: {  	v13 =	vld [tilespmem:s10+$0x20]  }
0xaf: {  	v14 =	vld [tilespmem:s10+$0x30]  }
0xb0: {  	v15 =	vld [tilespmem:s10+$0x40]  }
0xb1: {  	v16 =	vld [tilespmem:s10+$0x50];
	v11 =	vmax.f32 v11, $-3.000000010e+38  }
0xb2: {  	v53 =	vld [tilespmem:s10+$0x60];
	v11 =	vmax.f32 v11, v52  }
0xb3: {  	v54 =	vld [tilespmem:s10+$0x70];
	v11 =	vmax.f32 v11, v13  }
0xb4: {  	v55 =	vld [tilespmem:s10+$0x80];
	v11 =	vmax.f32 v11, v14  }
0xb5: {  	v56 =	vld [tilespmem:s10+$0x90];
	v11 =	vmax.f32 v11, v15  }
0xb6: {  	v57 =	vld [tilespmem:s10+$0xA0];
	v11 =	vmax.f32 v11, v16  }
0xb7: {  	v58 =	vld [tilespmem:s10+$0xB0];
	v11 =	vmax.f32 v11, v53  }
0xb8: {  	v59 =	vld [tilespmem:s10+$0xC0];
	v11 =	vmax.f32 v11, v54  }
0xb9: {  	v60 =	vld [tilespmem:s10+$0xD0];
	v11 =	vmax.f32 v11, v55  }
0xba: {  	v61 =	vld [tilespmem:s10+$0xE0];
	v11 =	vmax.f32 v11, v56  }
0xbb: {  	v63 =	vmov s8;
	s8 =	sadd.s32 $0x1, s8;
	v62 =	vld [tilespmem:s10+$0xF0];
	v11 =	vmax.f32 v11, v57  }
0xbc: {  	p0 =	sne.s32 s8, $0x10;
	v11 =	vmax.f32 v11, v58  }
.Ltmp2:
0xbd: {  	v11 =	vmax.f32 v11, v59;
	(pc) =	sbr.rel @p0 .LBB2_3-.Ltmp2, $4  }
0xbe: {  	v11 =	vmax.f32 v11, v60  }
0xbf: {  	s9 =	sshll.u32 s9, $0x6;
	v10 =	vbroadcast v10, $0x0;
	v11 =	vmax.f32 v11, v61  }
0xc0: {  	s9 =	sshra.s32 s9, $0x2;
	vm15 =	veq.s32 v63, v9;
	v11 =	vmax.f32 v11, v62  }
0xc1: {  	v0 =	vsel vm15, v10, v0;
	[tilespmem:s9+$0x800] =	vst v11  }
0xc2: {  	v1 =	vimm.s32 $0xFEDCBA98  }
0xc3: {  	v2 =	vimm.s32 $0x76543210;
	v1 =	vunpack.c.l.s4.s8 v1  }
0xc4: {  	v2 =	vunpack.c.l.s4.s8 v2  }
0xc5: {  	v3 =	vunpack.c.0.s8.s32 v1  }
0xc6: {  	v4 =	vmov s6;
	v1 =	vlaneseq.u32;
	v2 =	vunpack.c.0.s8.s32 v2  }
0xc7: {  	vm0 =	veq.s32 v4, v1;
	v3 =	vand.u32 $0xF, v3  }
0xc8: {  	v4 =	vimm.s32 $0xBA987654;
	v2 =	vcombine.low v3, v2;
	v3 =	vimm.s32 $0x3210FEDC  }
0xc9: {  	v4 =	vunpack.c.l.s4.s8 v4;
	v3 =	vunpack.c.l.s4.s8 v3;
	_ =	sdelay $0x1  }
0xca: {  	v0 =	vnsel vm0, $0x80000001, v0;
	v4 =	vunpack.c.0.s8.s32 v4;
	v3 =	vunpack.c.0.s8.s32 v3  }
0xcb: {  	v6 =	vimm.s32 $0x10FEDCBA;
	v7 =	vimm.s32 $0x98765432;
	v5 =	vperm.xlane v0, v2  }
0xcc: {  	v54 =	vunpack.c.l.s4.s8 v7;
	v3 =	vcombine.low v4, v3;
	v4 =	vunpack.c.l.s4.s8 v6  }
0xcd: {  	v56 =	vimm.s32 $0x87654321;
	vm0 =	vgt.s32 v0, v5  }
0xce: {  	v0 =	vsel vm0, v0, v5;
	v5 =	vunpack.c.0.s8.s32 v54;
	v4 =	vunpack.c.0.s8.s32 v4  }
0xcf: {  	v7 =	vunpack.c.l.s4.s8 v56;
	v3 =	vand.u32 $0xF, v3  }
0xd0: {  	v55 =	vperm.xlane v0, v3;
	v4 =	vcombine.low v5, v4;
	v5 =	vimm.s32 $0xFEDCBA9  }
0xd1: {  	v5 =	vunpack.c.l.s4.s8 v5  }
0xd2: {  	v57 =	vunpack.c.0.s8.s32 v7;
	vm0 =	vgt.s32 v0, v55  }
0xd3: {  	v0 =	vsel vm0, v0, v55;
	v4 =	vand.u32 $0xF, v4;
	v5 =	vunpack.c.0.s8.s32 v5  }
0xd4: {  	v58 =	vperm.xlane v0, v4  }
0xd5: {  	v5 =	vcombine.low v57, v5  }
0xd6: {  	vm0 =	vgt.s32 v0, v58  }
0xd7: {  	v0 =	vsel vm0, v0, v58;
	v5 =	vand.u32 $0xF, v5  }
0xd8: {  	v59 =	vperm.xlane v0, v5;
	_ =	sdelay $0x1  }
0xd9: {  	vm0 =	vgt.s32 v0, v59  }
0xda: {  	v0 =	vsel vm0, v0, v59  }
0xdb: {  	(v2sf) =	vpush v0, $0x0;
	_ =	sdelay $0xe  }
0xdc: {  	s10 =	spop (v2sf)  }
0xdd: {  	s9 =	sand.u32 $0xF, s10  }
0xde: {  	s8 =	sshll.u32 s10, $0x9;
	s11 =	sshrl.u32 s9, $0x3  }
0xdf: {  	s8 =	sand.u32 $0xFFFFE000, s8;
	s11 =	smul.u32 $0x7A1400, s11  }
0xe0: {  	s10 =	sshll.u32 s10, $0x7;
	s12 =	sshll.u32 s8, $0x3  }
0xe1: {  	s10 =	sand.u32 $0x380, s10;
	s11 =	sadd.s32 s12, s11  }
0xe2: {  	s10 =	sor.u32 s10, s11  }
0xe3: {  	s29 =	simm.s32 $0x80;
	s30 =	simm.s32 $0x400;
	s10 =	sshrl.u32 s10, $0x3  }
0xe4: {  	s31 =	simm.s32 $0x1;
	s10 =	sadd.s32 s7, s10;
	s7 =	simm.s32 $0x880  }
0xe5: {  	[tilespmem:s7], [sflag:$0x1] =	stream.strided.gather [hbm4b:s10+s29], $0x2000, s30, s29, $0x38;
	[tilespmem:$0x5020] =	vst v63  }
0xe6: {  	_ =	swait.ge [sflag:s31], $0x2000  }
0xe7: {  	[sflag:s31] =	ssyncset.done $0x0  }
0xe8: {  	[sflag:s31] =	ssyncadd.s32 $0xFFFFE000  }
0xe9: {  	v0 =	vld [tilespmem:$0x4B00]  }
0xea: {  	v60 =	vld [tilespmem:$0x4A80];
	_ =	sdelay $0x2  }
0xeb: {  	v61 =	vmov s9  }
0xec: {  	vm15 =	veq.s32 v61, v1  }
0xed: {  	v0 =	vnsel vm15, $0xFF61B1E6, v0;
	v6 =	vnsel vm15, $0xFF61B1E6, v60  }
0xee: {  	v62 =	vperm.xlane v0, v2;
	v2 =	vperm.xlane v6, v2;
	_ =	sdelay $0x1  }
0xef: {  	v0 =	vmax.f32 v0, v62;
	v2 =	vmax.f32 v6, v2  }
0xf0: {  	v63 =	vperm.xlane v0, v3;
	v3 =	vperm.xlane v2, v3;
	_ =	sdelay $0x1  }
0xf1: {  	v0 =	vmax.f32 v0, v63;
	v2 =	vmax.f32 v2, v3  }
0xf2: {  	v3 =	vperm.xlane v0, v4;
	v4 =	vperm.xlane v2, v4;
	_ =	sdelay $0x1  }
0xf3: {  	v0 =	vmax.f32 v0, v3;
	v2 =	vmax.f32 v2, v4  }
0xf4: {  	v3 =	vperm.xlane v0, v5;
	v4 =	vperm.xlane v2, v5;
	_ =	sdelay $0x1  }
0xf5: {  	v0 =	vmax.f32 v0, v3;
	v2 =	vmax.f32 v2, v4  }
0xf6: {  	s12 =	smov.u32 s8;
	s11 =	simm.s32 $0x2880;
	s10 =	simm.s32 $0x0;
	v3 =	vimm.f32 $0.0e+00;
	v0 =	vbroadcast v0, $0x0;
	v2 =	vbroadcast v2, $0x0  }
.LBB2_7:
0xf7: {  	v5 =	vmov s7;
	_ =	sdelay $0x3  }
0xf8: {  	s15 =	simm.s32 $0x0  }
0xf9: {  	v6 =	vld.idx.msk [tilespmem:v5+s15+$0x0 ss:$0x1], $0xffff;
	_ =	sdelay $0x1  }
0xfa: {  	v7 =	vor.u32 s12, v1  }
0xfb: {  	vm0 =	vlt.s32 v7, $0x4  }
0xfc: {  	v8 =	vsel vm0, $0x47C34F80, v3  }
0xfd: {  	v4 =	vmov s11;
	v6 =	vsub.f32 v6, v8;
	_ =	sdelay $0x1  }
0xfe: {  	vm15 =	vlt.s32 v7, $0xF423F;
	vm1 =	vgt.f32 v6, v0;
	v6 =	vadd.f32 v6, v2  }
0xff: {  	vm0 =	vmand vm15, vm1  }
0x100: {  	v7 =	vimm.f32 $-3.000000010e+38;
	v6 =	vnsel vm0, $0xFF61B1E6, v6  }
0x101: {  	s13 =	simm.s32 $0x10;
	s14 =	simm.s32 $0x80;
	[tilespmem:v4+s15+$0x0 ss:$0x1] =	vst.idx.msk $0xffff, v6;
	v6 =	vmax.f32 v7, v6;
	s15 =	smov.u32 s12  }
.LBB2_8:
0x102: {  	p0 =	sne.s32 s14, $0x3C0;
	v7 =	vld.idx.msk [tilespmem:v5+s13+$0x0 ss:$0x1], $0xffff;
	_ =	sdelay $0x1  }
0x103: {  	s15 =	sadd.s32 $0x10, s15  }
0x104: {  	v8 =	vor.u32 s15, v1  }
0x105: {  	vm0 =	vlt.s32 v8, $0x4  }
0x106: {  	v9 =	vsel vm0, $0x47C34F80, v3  }
0x107: {  	v7 =	vsub.f32 v7, v9  }
.Ltmp3:
0x108: {  	(pc) =	sbr.rel @p0 .LBB2_8-.Ltmp3, $4  }
0x109: {  	vm0 =	vlt.s32 v8, $0xF423F;
	vm1 =	vgt.f32 v7, v0;
	v7 =	vadd.f32 v7, v2  }
0x10a: {  	vm0 =	vmand vm0, vm1  }
0x10b: {  	v7 =	vnsel vm0, $0xFF61B1E6, v7  }
0x10c: {  	v6 =	vmax.f32 v6, v7;
	[tilespmem:v4+s13+$0x0 ss:$0x1] =	vst.idx.msk $0xffff, v7;
	s13 =	sshra.s32 s14, $0x2;
	s14 =	sadd.s32 $0x40, s14  }
0x10d: {  	_ =	sdelay $0x3  }
0x10e: {  	v5 =	vld.idx.msk [tilespmem:v5+s13+$0x0 ss:$0x1], $0xffff  }
0x10f: {  	s14 =	sadd.s32 $0x10, s15  }
0x110: {  	v7 =	vor.u32 s14, v1  }
0x111: {  	vm0 =	vlt.s32 v7, $0x4  }
0x112: {  	v8 =	vsel vm0, $0x47C34F80, v3  }
0x113: {  	s30 =	sshll.u32 s10, $0x4;
	s10 =	sadd.s32 $0x1, s10;
	v5 =	vsub.f32 v5, v8  }
0x114: {  	p0 =	sne.s32 s10, $0x20  }
.Ltmp4:
0x115: {  	vm15 =	vlt.s32 v7, $0xF423F;
	vm1 =	vgt.f32 v5, v0;
	v5 =	vadd.f32 v5, v2;
	(pc) =	sbr.rel @p0 .LBB2_7-.Ltmp4, $4  }
0x116: {  	vm0 =	vmand vm15, vm1  }
0x117: {  	v5 =	vnsel vm0, $0xFF61B1E6, v5  }
0x118: {  	s31 =	sand.u32 $0x3FFFFFF0, s30;
	[tilespmem:v4+s13+$0x0 ss:$0x1] =	vst.idx.msk $0xffff, v5;
	v4 =	vmax.f32 v6, v5  }
0x119: {  	s11 =	sadd.s32 $0x100, s11;
	s7 =	sadd.s32 $0x100, s7;
	s12 =	sadd.s32 $0x100, s12;
	[tilespmem:s31+$0x4880] =	vst v4  }
0x11a: {  	v0 =	vimm.s32 $0xFEDCBA98  }
0x11b: {  	v2 =	vimm.s32 $0x76543210;
	v5 =	vimm.s32 $0xBA987654;
	v6 =	vimm.s32 $0x10FEDCBA  }
0x11c: {  	v7 =	vimm.s32 $0x98765432;
	v8 =	vimm.s32 $0xFEDCBA9;
	v9 =	vimm.s32 $0x87654321  }
0x11d: {  	v1 =	vunpack.c.l.s4.s8 v0;
	v0 =	vlaneseq.u32;
	v2 =	vunpack.c.l.s4.s8 v2  }
0x11e: {  	v5 =	vunpack.c.l.s4.s8 v5;
	v6 =	vunpack.c.l.s4.s8 v6;
	v7 =	vunpack.c.l.s4.s8 v7  }
0x11f: {  	v8 =	vunpack.c.l.s4.s8 v8;
	v4 =	vunpack.c.0.s8.s32 v1;
	v1 =	vimm.s32 $0x3210FEDC  }
0x120: {  	v9 =	vunpack.c.l.s4.s8 v9;
	v3 =	vmul.u32 $0xFFFFFFFF, v0;
	v1 =	vunpack.c.l.s4.s8 v1  }
0x121: {  	v5 =	vunpack.c.0.s8.s32 v5;
	v6 =	vunpack.c.0.s8.s32 v6;
	v7 =	vunpack.c.0.s8.s32 v7  }
0x122: {  	v8 =	vunpack.c.0.s8.s32 v8;
	v9 =	vunpack.c.0.s8.s32 v9;
	v10 =	vunpack.c.0.s8.s32 v1  }
0x123: {  	v11 =	vunpack.c.0.s8.s32 v2;
	v1 =	vadd.s32 $0xFFFFFFFF, v3;
	v3 =	vcombine.low v7, v6  }
0x124: {  	v2 =	vcombine.low v5, v10;
	v10 =	vand.u32 $0xF, v4;
	v4 =	vcombine.low v9, v8  }
0x125: {  	s7 =	sshll.u32 s9, $0x14;
	v5 =	vimm.f32 $-3.000000010e+38;
	v9 =	vand.u32 $0xF, v3;
	v8 =	vimm.f32 $-3.000000010e+38  }
0x126: {  	s7 =	sadd.s32 s8, s7;
	s8 =	simm.s32 $0x0;
	v6 =	vcombine.low v10, v11;
	v7 =	vand.u32 $0xF, v2;
	v10 =	vand.u32 $0xF, v4  }
.LBB2_11:
0x127: {  	s9 =	simm.s32 $0x4880  }
0x128: {  	v11 =	vld [tilespmem:s9+$0x0];
	_ =	sdelay $0x4  }
0x129: {  	v12 =	vimm.s32 $0x0;
	s10 =	simm.s32 $0x1;
	s11 =	simm.s32 $0x4890;
	v13 =	vimm.f32 $-3.000000010e+38;
	s9 =	simm.s32 $0x0;
	vm0 =	vgt.f32 v11, v5  }
.LBB2_12:
0x12a: {  	p0 =	sne.s32 s10, $0x1F;
	v13 =	vsel vm0, v11, v13;
	v11 =	vld [tilespmem:s11+$0x0];
	v12 =	vsel vm0, s9, v12;
	s9 =	smov.u32 s10;
	s10 =	sadd.s32 $0x1, s10  }
.Ltmp5:
0x12b: {  	(pc) =	sbr.rel @p0 .LBB2_12-.Ltmp5, $2  }
0x12c: {  	_ =	sdelay $0x2  }
0x12d: {  	s11 =	sadd.s32 $0x10, s11;
	vm0 =	vgt.f32 v11, v13  }
0x12e: {  	v13 =	vsel vm0, v11, v13  }
0x12f: {  	v11 =	vperm.xlane v13, v6;
	_ =	sdelay $0x1  }
0x130: {  	v11 =	vmax.f32 v13, v11  }
0x131: {  	v14 =	vperm.xlane v11, v7;
	_ =	sdelay $0x1  }
0x132: {  	v11 =	vmax.f32 v11, v14  }
0x133: {  	v14 =	vperm.xlane v11, v9;
	_ =	sdelay $0x1  }
0x134: {  	v11 =	vmax.f32 v11, v14  }
0x135: {  	v14 =	vperm.xlane v11, v10;
	_ =	sdelay $0x1  }
0x136: {  	v11 =	vmax.f32 v11, v14  }
0x137: {  	v11 =	vbroadcast v11, $0x0;
	_ =	sdelay $0x1  }
0x138: {  	vm1 =	veq.f32 v13, v11  }
0x139: {  	v13 =	vnsel vm1, $0x10, v0  }
0x13a: {  	v14 =	vperm.xlane v13, v6;
	_ =	sdelay $0x1  }
0x13b: {  	vm1 =	vlt.s32 v13, v14  }
0x13c: {  	v13 =	vsel vm1, v13, v14  }
0x13d: {  	v14 =	vperm.xlane v13, v7;
	_ =	sdelay $0x1  }
0x13e: {  	vm1 =	vlt.s32 v13, v14  }
0x13f: {  	v13 =	vsel vm1, v13, v14  }
0x140: {  	v14 =	vperm.xlane v13, v9;
	_ =	sdelay $0x1  }
0x141: {  	vm1 =	vlt.s32 v13, v14  }
0x142: {  	v13 =	vsel vm1, v13, v14  }
0x143: {  	v14 =	vperm.xlane v13, v10;
	_ =	sdelay $0x1  }
0x144: {  	vm1 =	vlt.s32 v13, v14  }
0x145: {  	v13 =	vsel vm1, v13, v14  }
0x146: {  	v13 =	vbroadcast v13, $0x0;
	_ =	sdelay $0x1  }
0x147: {  	v12 =	vsel vm0, s9, v12;
	vm15 =	veq.s32 v13, v0  }
0x148: {  	v12 =	vnsel vm15, $0x80000001, v12  }
0x149: {  	v13 =	vperm.xlane v12, v6;
	_ =	sdelay $0x1  }
0x14a: {  	vm0 =	vgt.s32 v12, v13  }
0x14b: {  	v12 =	vsel vm0, v12, v13  }
0x14c: {  	v13 =	vperm.xlane v12, v7;
	_ =	sdelay $0x1  }
0x14d: {  	vm0 =	vgt.s32 v12, v13  }
0x14e: {  	v12 =	vsel vm0, v12, v13  }
0x14f: {  	v13 =	vperm.xlane v12, v9;
	_ =	sdelay $0x1  }
0x150: {  	vm0 =	vgt.s32 v12, v13  }
0x151: {  	v12 =	vsel vm0, v12, v13  }
0x152: {  	v13 =	vperm.xlane v12, v10;
	_ =	sdelay $0x1  }
0x153: {  	vm0 =	vgt.s32 v12, v13  }
0x154: {  	v12 =	vsel vm0, v12, v13  }
0x155: {  	(v2sf) =	vpush v12, $0x0;
	_ =	sdelay $0xe  }
0x156: {  	s9 =	spop (v2sf)  }
0x157: {  	s12 =	simm.s32 $0x0;
	s10 =	sshll.u32 s9, $0x8  }
0x158: {  	s13 =	sand.u32 $0x80, s12;
	s11 =	sadd.s32 $0x2880, s10  }
0x159: {  	s14 =	sand.u32 $0x70, s12;
	s13 =	sadd.s32 s13, s11  }
0x15a: {  	s15 =	sadd.s32 s14, s13  }
0x15b: {  	v13 =	vld [tilespmem:s15+$0x0]  }
0x15c: {  	v12 =	vimm.s32 $0x7FFFFFFF;
	s13 =	sadd.s32 s7, s10;
	s14 =	simm.s32 $0x10  }
.LBB2_14:
0x15d: {  	s15 =	sand.u32 $0x80, s14;
	p0 =	sne.s32 s14, $0xF0  }
0x15e: {  	s16 =	smov.u32 s14;
	s14 =	sadd.s32 $0x10, s14;
	s12 =	sadd.s32 s12, s13  }
.Ltmp6:
0x15f: {  	s17 =	sand.u32 $0x70, s16;
	s15 =	sadd.s32 s15, s11;
	(pc) =	sbr.rel @p0 .LBB2_14-.Ltmp6, $4  }
0x160: {  	v14 =	vor.u32 s12, v0;
	s12 =	smov.u32 s16;
	s15 =	sadd.s32 s17, s15;
	vm0 =	veq.f32 v13, v11  }
0x161: {  	v13 =	vld [tilespmem:s15+$0x0];
	v14 =	vnsel vm0, $0x7FFFFFFF, v14  }
0x162: {  	vm0 =	vlt.s32 v12, v14  }
0x163: {  	v12 =	vsel vm0, v12, v14  }
0x164: {  	_ = 	snop  }
0x165: {  	s11 =	sadd.s32 s12, s13  }
0x166: {  	v50 =	vor.u32 s11, v0;
	vm0 =	veq.f32 v13, v11  }
0x167: {  	v13 =	vnsel vm0, $0x7FFFFFFF, v50  }
0x168: {  	vm0 =	vlt.s32 v12, v13  }
0x169: {  	v12 =	vsel vm0, v12, v13  }
0x16a: {  	v13 =	vperm.xlane v12, v6;
	_ =	sdelay $0x1  }
0x16b: {  	vm0 =	vlt.s32 v12, v13  }
0x16c: {  	v12 =	vsel vm0, v12, v13  }
0x16d: {  	v13 =	vperm.xlane v12, v2;
	_ =	sdelay $0x1  }
0x16e: {  	vm0 =	vlt.s32 v12, v13  }
0x16f: {  	v12 =	vsel vm0, v12, v13  }
0x170: {  	v13 =	vperm.xlane v12, v3;
	_ =	sdelay $0x1  }
0x171: {  	vm0 =	vlt.s32 v12, v13  }
0x172: {  	v12 =	vsel vm0, v12, v13  }
0x173: {  	v13 =	vperm.xlane v12, v4;
	_ =	sdelay $0x1  }
0x174: {  	vm0 =	vlt.s32 v12, v13  }
0x175: {  	v12 =	vsel vm0, v12, v13  }
0x176: {  	(v2sf) =	vpush v12, $0x0;
	_ =	sdelay $0xe  }
0x177: {  	s29 =	spop (v2sf)  }
0x178: {  	s30 =	ssub.s32 s29, s7  }
0x179: {  	s31 =	sand.u32 $0x70, s29;
	s12 =	sand.u32 $0xFFFFFF80, s30  }
0x17a: {  	s12 =	sor.u32 s31, s12  }
0x17b: {  	v51 =	vld [tilespmem:s12+$0x2880];
	_ =	sdelay $0x1  }
0x17c: {  	s11 =	sand.u32 $0xF, s29  }
0x17d: {  	v14 =	vmov s11  }
0x17e: {  	vm14 =	veq.s32 v14, v0  }
0x17f: {  	v13 =	vsel vm14, $0xFF61B1E6, v51  }
0x180: {  	[tilespmem:s12+$0x2880] =	vst v13  }
0x181: {  	v13 =	vld [tilespmem:s10+$0x2880]  }
0x182: {  	v52 =	vld [tilespmem:s10+$0x2890]  }
0x183: {  	v15 =	vld [tilespmem:s10+$0x28A0]  }
0x184: {  	v16 =	vld [tilespmem:s10+$0x28B0]  }
0x185: {  	v17 =	vld [tilespmem:s10+$0x28C0]  }
0x186: {  	v18 =	vld [tilespmem:s10+$0x28D0];
	v13 =	vmax.f32 v13, $-3.000000010e+38  }
0x187: {  	v53 =	vld [tilespmem:s10+$0x28E0];
	v13 =	vmax.f32 v13, v52  }
0x188: {  	v54 =	vld [tilespmem:s10+$0x28F0];
	v13 =	vmax.f32 v13, v15  }
0x189: {  	v55 =	vld [tilespmem:s10+$0x2900];
	v13 =	vmax.f32 v13, v16  }
0x18a: {  	v56 =	vld [tilespmem:s10+$0x2910];
	v13 =	vmax.f32 v13, v17  }
0x18b: {  	v57 =	vld [tilespmem:s10+$0x2920];
	v13 =	vmax.f32 v13, v18  }
0x18c: {  	v58 =	vld [tilespmem:s10+$0x2930];
	v13 =	vmax.f32 v13, v53  }
0x18d: {  	v59 =	vld [tilespmem:s10+$0x2940];
	v13 =	vmax.f32 v13, v54  }
0x18e: {  	v60 =	vld [tilespmem:s10+$0x2950];
	v13 =	vmax.f32 v13, v55  }
0x18f: {  	v61 =	vld [tilespmem:s10+$0x2960];
	v13 =	vmax.f32 v13, v56  }
0x190: {  	v63 =	vmov s8;
	s8 =	sadd.s32 $0x1, s8;
	v62 =	vld [tilespmem:s10+$0x2970];
	v13 =	vmax.f32 v13, v57  }
0x191: {  	p0 =	sne.s32 s8, $0x10;
	v13 =	vmax.f32 v13, v58  }
.Ltmp7:
0x192: {  	v13 =	vmax.f32 v13, v59;
	(pc) =	sbr.rel @p0 .LBB2_11-.Ltmp7, $4  }
0x193: {  	v13 =	vmax.f32 v13, v60  }
0x194: {  	s9 =	sshll.u32 s9, $0x6;
	v12 =	vbroadcast v12, $0x0;
	v13 =	vmax.f32 v13, v61  }
0x195: {  	s9 =	sshra.s32 s9, $0x2;
	vm15 =	veq.s32 v63, v0;
	v13 =	vmax.f32 v13, v62  }
0x196: {  	v8 =	vsel vm15, v11, v8;
	v1 =	vsel vm15, v12, v1;
	[tilespmem:s9+$0x4880] =	vst v13  }
0x197: {  	s8 =	sshll.u32 s6, $0x4;
	[tilespmem:$0x4F20] =	vst v8  }
0x198: {  	[tilespmem:$0x4FA0] =	vst v1;
	s9 =	simm.s32 $0x4F20;
	s7 =	sadd.s32 s8, s5  }
0x199: {  	[spmem:s7] =	stream.linear.scatter [tilespmem:s9], [sflag:$0x1], $0x10, $0x38;
	[tilespmem:$0x5020] =	vst v63  }
0x19a: {  	s7 =	simm.s32 $0x1  }
0x19b: {  	_ =	swait.ge [sflag:s7], $0x10  }
0x19c: {  	[sflag:s7] =	ssyncset.done $0x0  }
0x19d: {  	s31 =	simm.s32 $0x4FA0;
	s8 =	sadd.s32 s8, s4;
	[sflag:s7] =	ssyncadd.s32 $0xFFFFFFF0  }
0x19e: {  	[spmem:s8] =	stream.linear.scatter [tilespmem:s31], [sflag:$0x1], $0x10, $0x38;
	[tilespmem:$0x5020] =	vst v63  }
0x19f: {  	_ =	swait.ge [sflag:s7], $0x10  }
0x1a0: {  	[sflag:s7] =	ssyncset.done $0x0  }
0x1a1: {  	[sflag:s7] =	ssyncadd.s32 $0xFFFFFFF0  }
0x1a2: {  	p0 =	sne.s32 s6, $0x0;
	[bflag:$0x0] =	sbarrier.arrive $0xFFFF  }
0x1a3: {  	_ =	sfence.sel @p0 $0x180000  }
0x1a4: {  	[bflag:$0x0] =	sbarrier.arrive @p0 $0xFFFF  }
0x1a5: {  	_ =	strace @p0 $0x90000047  }
0x1a6: {  	[bflag:$0x2] =	sbarrier.arrive @p0 $0xFFFF  }
0x1a7: {  	_ =	shalt @p0  }
.LBB2_17:
0x1a8: {  	v0 =	vimm.s32 $0xFEDCBA98;
	v1 =	vimm.s32 $0x76543210;
	v3 =	vimm.s32 $0x3210FEDC  }
0x1a9: {  	v5 =	vimm.s32 $0xBA987654;
	v6 =	vimm.s32 $0x10FEDCBA;
	v7 =	vimm.s32 $0x98765432  }
0x1aa: {  	s6 =	simm.s32 $0x4BA0;
	v8 =	vimm.s32 $0xFEDCBA9;
	v9 =	vimm.s32 $0x87654321;
	v0 =	vunpack.c.l.s4.s8 v0  }
0x1ab: {  	v1 =	vunpack.c.l.s4.s8 v1;
	[tilespmem:s6], [sflag:$0x1] =	stream.linear.gather [spmem:s5], $0x100, $0x38;
	v3 =	vunpack.c.l.s4.s8 v3;
	v5 =	vunpack.c.l.s4.s8 v5;
	[tilespmem:$0x5020] =	vst v63  }
0x1ac: {  	v6 =	vunpack.c.l.s4.s8 v6;
	v7 =	vunpack.c.l.s4.s8 v7;
	v8 =	vunpack.c.l.s4.s8 v8;
	_ =	swait.ge [sflag:s7], $0x100  }
0x1ad: {  	v9 =	vunpack.c.l.s4.s8 v9;
	v2 =	vunpack.c.0.s8.s32 v0;
	v0 =	vlaneseq.u32;
	[sflag:s7] =	ssyncset.done $0x0  }
0x1ae: {  	s31 =	simm.s32 $0x4CA0;
	v3 =	vunpack.c.0.s8.s32 v3;
	v5 =	vunpack.c.0.s8.s32 v5;
	v6 =	vunpack.c.0.s8.s32 v6;
	[sflag:s7] =	ssyncadd.s32 $0xFFFFFF00  }
0x1af: {  	v7 =	vunpack.c.0.s8.s32 v7;
	v8 =	vunpack.c.0.s8.s32 v8;
	v9 =	vunpack.c.0.s8.s32 v9;
	[tilespmem:s31], [sflag:$0x1] =	stream.linear.gather [spmem:s4], $0x100, $0x38;
	[tilespmem:$0x5020] =	vst v63  }
0x1b0: {  	v1 =	vunpack.c.0.s8.s32 v1;
	v4 =	vmul.u32 $0xFFFFFFFF, v0;
	v3 =	vcombine.low v5, v3;
	_ =	swait.ge [sflag:s7], $0x100  }
0x1b1: {  	v2 =	vand.u32 $0xF, v2;
	v5 =	vcombine.low v7, v6;
	v6 =	vcombine.low v9, v8;
	[sflag:s7] =	ssyncset.done $0x0  }
0x1b2: {  	s4 =	simm.s32 $0x0;
	v2 =	vcombine.low v2, v1;
	v1 =	vadd.s32 $0xFFFFFFFF, v4;
	v4 =	vimm.f32 $-3.000000010e+38;
	[sflag:s7] =	ssyncadd.s32 $0xFFFFFF00  }
.LBB2_18:
0x1b3: {  	v7 =	vld [tilespmem:$0x4BA0]  }
0x1b4: {  	v8 =	vld [tilespmem:$0x4BB0]  }
0x1b5: {  	v9 =	vld [tilespmem:$0x4BC0]  }
0x1b6: {  	v10 =	vld [tilespmem:$0x4BD0]  }
0x1b7: {  	v11 =	vld [tilespmem:$0x4BE0]  }
0x1b8: {  	v12 =	vld [tilespmem:$0x4BF0];
	v7 =	vmax.f32 v7, $-3.000000010e+38  }
0x1b9: {  	v7 =	vmax.f32 v7, v8;
	v8 =	vld [tilespmem:$0x4C00]  }
0x1ba: {  	v7 =	vmax.f32 v7, v9;
	v9 =	vld [tilespmem:$0x4C10]  }
0x1bb: {  	v7 =	vmax.f32 v7, v10;
	v10 =	vld [tilespmem:$0x4C20]  }
0x1bc: {  	v7 =	vmax.f32 v7, v11;
	v11 =	vld [tilespmem:$0x4C30]  }
0x1bd: {  	v62 =	vld [tilespmem:$0x4C40];
	v7 =	vmax.f32 v7, v12  }
0x1be: {  	v7 =	vmax.f32 v7, v8;
	v8 =	vld [tilespmem:$0x4C50]  }
0x1bf: {  	v7 =	vmax.f32 v7, v9;
	v9 =	vld [tilespmem:$0x4C60]  }
0x1c0: {  	v7 =	vmax.f32 v7, v10;
	v10 =	vld [tilespmem:$0x4C70]  }
0x1c1: {  	v7 =	vmax.f32 v7, v11;
	v11 =	vld [tilespmem:$0x4C80]  }
0x1c2: {  	v63 =	vld [tilespmem:$0x4C90];
	v7 =	vmax.f32 v7, v62  }
0x1c3: {  	v7 =	vmax.f32 v7, v8  }
0x1c4: {  	v7 =	vmax.f32 v7, v9  }
0x1c5: {  	v7 =	vmax.f32 v7, v10  }
0x1c6: {  	v7 =	vmax.f32 v7, v11  }
0x1c7: {  	v7 =	vmax.f32 v7, v63  }
0x1c8: {  	v8 =	vperm.xlane v7, v2;
	_ =	sdelay $0x1  }
0x1c9: {  	v7 =	vmax.f32 v7, v8  }
0x1ca: {  	v8 =	vperm.xlane v7, v3;
	_ =	sdelay $0x1  }
0x1cb: {  	v7 =	vmax.f32 v7, v8  }
0x1cc: {  	v8 =	vperm.xlane v7, v5;
	_ =	sdelay $0x1  }
0x1cd: {  	v7 =	vmax.f32 v7, v8  }
0x1ce: {  	v8 =	vperm.xlane v7, v6;
	_ =	sdelay $0x1  }
0x1cf: {  	s6 =	simm.s32 $0x0;
	v7 =	vmax.f32 v7, v8  }
0x1d0: {  	v9 =	vld [tilespmem:s6+$0x4BA0];
	v7 =	vbroadcast v7, $0x0  }
0x1d1: {  	s5 =	simm.s32 $0x40;
	v10 =	vld [tilespmem:s6+$0x4CA0];
	v8 =	vimm.s32 $0x7FFFFFFF  }
.LBB2_19:
0x1d2: {  	_ = 	snop  }
0x1d3: {  	p0 =	sne.s32 s5, $0x3C0  }
.Ltmp8:
0x1d4: {  	_ = 	snop;
	(pc) =	sbr.rel @p0 .LBB2_19-.Ltmp8, $4  }
0x1d5: {  	vm0 =	veq.f32 v9, v7  }
0x1d6: {  	s6 =	sshra.s32 s5, $0x2;
	v11 =	vnsel vm0, $0x7FFFFFFF, v10  }
0x1d7: {  	v9 =	vld [tilespmem:s6+$0x4BA0];
	vm0 =	vlt.s32 v8, v11  }
0x1d8: {  	s5 =	sadd.s32 $0x40, s5;
	v10 =	vld [tilespmem:s6+$0x4CA0];
	v8 =	vsel vm0, v8, v11  }
0x1d9: {  	_ =	sdelay $0x2  }
0x1da: {  	vm0 =	veq.f32 v9, v7  }
0x1db: {  	v9 =	vnsel vm0, $0x7FFFFFFF, v10  }
0x1dc: {  	vm0 =	vlt.s32 v8, v9  }
0x1dd: {  	v8 =	vsel vm0, v8, v9  }
0x1de: {  	v9 =	vperm.xlane v8, v2;
	_ =	sdelay $0x1  }
0x1df: {  	vm0 =	vlt.s32 v8, v9  }
0x1e0: {  	v8 =	vsel vm0, v8, v9  }
0x1e1: {  	v9 =	vperm.xlane v8, v3;
	_ =	sdelay $0x1  }
0x1e2: {  	vm0 =	vlt.s32 v8, v9  }
0x1e3: {  	v8 =	vsel vm0, v8, v9  }
0x1e4: {  	v9 =	vperm.xlane v8, v5;
	_ =	sdelay $0x1  }
0x1e5: {  	vm0 =	vlt.s32 v8, v9  }
0x1e6: {  	s5 =	simm.s32 $0x4CA0;
	v8 =	vsel vm0, v8, v9  }
0x1e7: {  	s6 =	simm.s32 $0x4BA0;
	v11 =	vld [tilespmem:s5+$0x0];
	v9 =	vperm.xlane v8, v6  }
0x1e8: {  	v10 =	vld [tilespmem:s6+$0x0]  }
0x1e9: {  	vm0 =	vlt.s32 v8, v9  }
0x1ea: {  	v8 =	vsel vm0, v8, v9  }
0x1eb: {  	v8 =	vbroadcast v8, $0x0  }
0x1ec: {  	s7 =	simm.s32 $0x10;
	s8 =	simm.s32 $0x4BB0;
	s6 =	simm.s32 $0x0;
	v9 =	vimm.s32 $0x7FFFFFFF  }
.LBB2_21:
0x1ed: {  	vm0 =	veq.f32 v10, v7;
	v10 =	vld [tilespmem:s8+$0x0];
	vm1 =	veq.s32 v11, v8;
	s5 =	sadd.s32 $0x10, s5;
	s9 =	smov.u32 s7;
	p0 =	sne.s32 s7, $0xF0  }
.Ltmp9:
0x1ee: {  	s7 =	sadd.s32 $0x10, s7;
	v12 =	vor.u32 s6, v0;
	v11 =	vld [tilespmem:s5+$0x0];
	vm0 =	vmand vm0, vm1;
	(pc) =	sbr.rel @p0 .LBB2_21-.Ltmp9, $4  }
0x1ef: {  	s6 =	smov.u32 s9;
	v12 =	vnsel vm0, $0x7FFFFFFF, v12  }
0x1f0: {  	vm0 =	vlt.s32 v9, v12  }
0x1f1: {  	v9 =	vsel vm0, v9, v12  }
0x1f2: {  	s8 =	sadd.s32 $0x10, s8  }
0x1f3: {  	vm0 =	veq.f32 v10, v7;
	vm1 =	veq.s32 v11, v8  }
0x1f4: {  	v60 =	vor.u32 s6, v0;
	vm0 =	vmand vm0, vm1  }
0x1f5: {  	v10 =	vnsel vm0, $0x7FFFFFFF, v60  }
0x1f6: {  	vm0 =	vlt.s32 v9, v10  }
0x1f7: {  	v9 =	vsel vm0, v9, v10  }
0x1f8: {  	v10 =	vperm.xlane v9, v2;
	_ =	sdelay $0x1  }
0x1f9: {  	vm0 =	vlt.s32 v9, v10  }
0x1fa: {  	v9 =	vsel vm0, v9, v10  }
0x1fb: {  	v10 =	vperm.xlane v9, v3;
	_ =	sdelay $0x1  }
0x1fc: {  	vm0 =	vlt.s32 v9, v10  }
0x1fd: {  	v9 =	vsel vm0, v9, v10  }
0x1fe: {  	v10 =	vperm.xlane v9, v5;
	_ =	sdelay $0x1  }
0x1ff: {  	vm0 =	vlt.s32 v9, v10  }
0x200: {  	v9 =	vsel vm0, v9, v10  }
0x201: {  	v10 =	vperm.xlane v9, v6;
	_ =	sdelay $0x1  }
0x202: {  	vm0 =	vlt.s32 v9, v10  }
0x203: {  	v9 =	vsel vm0, v9, v10  }
0x204: {  	(v2sf) =	vpush v9, $0x0;
	_ =	sdelay $0xe  }
0x205: {  	s5 =	spop (v2sf)  }
0x206: {  	s31 =	sand.u32 $0xFFFFFFF0, s5  }
0x207: {  	v61 =	vld [tilespmem:s31+$0x4BA0];
	_ =	sdelay $0x1  }
0x208: {  	s5 =	sand.u32 $0xF, s5  }
0x209: {  	v62 =	vmov s5  }
0x20a: {  	v63 =	vmov s4;
	vm14 =	veq.s32 v62, v0  }
0x20b: {  	s4 =	sadd.s32 $0x1, s4;
	vm15 =	veq.s32 v63, v0;
	v9 =	vsel vm14, $0xFF61B1E6, v61  }
0x20c: {  	p0 =	sne.s32 s4, $0x10;
	v4 =	vsel vm15, v7, v4;
	v1 =	vsel vm15, v8, v1;
	[tilespmem:s31+$0x4BA0] =	vst v9  }
0x20d: {  	v0 =	vshra.s32 @!p0 v1, $0x14;
	[tilespmem:$0x4DA0] =	vst @!p0 v4  }
0x20e: {  	[tilespmem:$0x4E20] =	vst @!p0 v0;
	v0 =	vand.u32 @!p0 $0xFFFFF, v1  }
0x20f: {  	s4 =	simm.s32 @!p0 $0x0;
	s5 =	simm.s32 @!p0 $0x4DA0;
	[tilespmem:$0x4EA0] =	vst @!p0 v0  }
0x210: {  	[hbm4b:s3+s4] =	stream.linear.scatter @!p0 [tilespmem:s5], [sflag:$0x1], $0x80, $0x38;
	[tilespmem:$0x5020] =	vst v63  }
0x211: {  	s3 =	simm.s32 @!p0 $0x1  }
0x212: {  	_ =	swait.ge @!p0 [sflag:s3], $0x80  }
0x213: {  	[sflag:s3] =	ssyncset.done @!p0 $0x0  }
0x214: {  	s5 =	simm.s32 @!p0 $0x4E20;
	[sflag:s3] =	ssyncadd.s32 @!p0 $0xFFFFFF80  }
0x215: {  	[hbm4b:s2+s4] =	stream.linear.scatter @!p0 [tilespmem:s5], [sflag:$0x1], $0x80, $0x38;
	[tilespmem:$0x5020] =	vst v63  }
0x216: {  	_ =	swait.ge @!p0 [sflag:s3], $0x80  }
0x217: {  	[sflag:s3] =	ssyncset.done @!p0 $0x0  }
0x218: {  	s2 =	simm.s32 @!p0 $0x4EA0;
	[sflag:s3] =	ssyncadd.s32 @!p0 $0xFFFFFF80  }
0x219: {  	[hbm4b:s1+s4] =	stream.linear.scatter @!p0 [tilespmem:s2], [sflag:$0x1], $0x80, $0x38;
	[tilespmem:$0x5020] =	vst v63  }
0x21a: {  	_ =	swait.ge @!p0 [sflag:s3], $0x80  }
0x21b: {  	[sflag:s3] =	ssyncset.done @!p0 $0x0  }
0x21c: {  	[sflag:s3] =	ssyncadd.s32 @!p0 $0xFFFFFF80  }
0x21d: {  	_ =	sfence.sel @!p0 $0x180000  }
0x21e: {  	[bflag:$0x0] =	sbarrier.arrive @!p0 $0xFFFF  }
0x21f: {  	_ =	strace @!p0 $0x90000047  }
0x220: {  	s0 =	sadd.s32 @!p0 $0x100000, s0;
	[bflag:$0x2] =	sbarrier.arrive @!p0 $0xFFFF  }
0x221: {  	[sflag:s0] =	ssyncadd.tile.s32 @!p0 $0x1;
	_ =	shalt @!p0  }
.Ltmp10:
0x222: {  	_ = 	snop;
	(pc) =	sbr.rel .LBB2_18-.Ltmp10, $4  }
0x223: {  	_ = 	snop  }
0x224: {  	_ = 	snop  }
0x225: {  	_ = 	snop  }
0x226: {  	_ = 	snop  }
.Lfunc_end2:
_tile_overlayer_lowered:
.L_overlay_start_2:
0x227: {  	(tag) =	ssettag $0x2  }
0x228: {  	s0 =	rddreg [dreg:$0x0];
	s2 =	stileid.u32  }
0x229: {  	s1 =	rddreg [dreg:$0x1];
	p0 =	sne.s32 s2, $0x0  }
0x22a: {  	s3 =	rddreg [dreg:$0x2];
	[bflag:$0x3] =	sbarrier.arrive $0xFFFF;
	s2 =	simm.s32 @!p0 $0x1C01  }
0x22b: {  	[timem:s3], [sflag:s2] =	dma.local @!p0 [hbm:s0], s1  }
0x22c: {  	s0 =	simm.s32 @!p0 $0x1  }
0x22d: {  	_ =	swait.ge @!p0 [sflag:s0], s1  }
0x22e: {  	s1 =	ssub.s32 @!p0 $0x0, s1;
	[sflag:s0] =	ssyncset.done @!p0 $0x0  }
0x22f: {  	[sflag:s0] =	ssyncadd.s32 @!p0 s1  }
0x230: {  	[bflag:$0x3] =	sbarrier.arrive $0xFFFF  }
0x231: {  	_ =	shalt  }

</sc_bundles>
